<compile_context>
chip_gen: v7x
topology: tpu7x:2x2x1
jax: 0.10.2.dev20260603
libtpu: 0.0.44.dev20260713+nightly
codegen_flags: <defaults>
</compile_context>

<pallas_src>
import functools

import jax
import jax.numpy as jnp
from jax import lax
from jax.experimental import pallas as pl
from jax.experimental.pallas import tpu as pltpu
from jax.experimental.pallas import tpu_sc as plsc

B, N, L, D = 4, 8192, 64, 768
BN = 2048
NB = N // BN
VK = 32
TK = 5


def _bf16x3_nt(a, b_mat):
    a_hi = a.astype(jnp.bfloat16).astype(jnp.float32)
    a_lo = a - a_hi
    b_hi = b_mat.astype(jnp.bfloat16).astype(jnp.float32)
    b_lo = b_mat - b_hi
    dn = (((1,), (1,)), ((), ()))
    return (lax.dot_general(a_hi, b_hi, dn, preferred_element_type=jnp.float32)
            + lax.dot_general(a_hi, b_lo, dn, preferred_element_type=jnp.float32)
            + lax.dot_general(a_lo, b_hi, dn, preferred_element_type=jnp.float32))


def _fused_kernel(mask_ref, text_ref, vision_ref, gt_ref, idx_ref,
                  ntxt_ref, acc_ref, s_ref, ptxt_ref,
                  acc_all_ref, s_all_ref, ptxt_all_ref, pv_all_ref):
    b = pl.program_id(0)
    nb = pl.program_id(1)

    @pl.when(nb == 0)
    def _init():
        t = text_ref[0]
        nrm = jnp.sqrt(jnp.sum(t * t, axis=1, keepdims=True))
        ntxt_ref[...] = t / jnp.maximum(nrm, 1e-12)
        acc_ref[...] = jnp.zeros_like(acc_ref)
        s_ref[...] = jnp.zeros_like(s_ref)
        ptxt_ref[...] = jnp.zeros_like(ptxt_ref)

    v = vision_ref[0]
    n2 = jnp.sum(v * v, axis=1, keepdims=True)
    inv_vn = 1.0 / jnp.maximum(jnp.sqrt(n2), 1e-12)
    nv = v * inv_vn

    sim = lax.dot_general(
        ntxt_ref[...], nv, (((1,), (1,)), ((), ())),
        preferred_element_type=jnp.float32,
        precision=lax.Precision.HIGHEST)
    mask = mask_ref[0]
    sim = jnp.where(mask > 0.0, sim, -1.0)

    pv_all_ref[pl.ds(b * NB + nb, 1), :] = jnp.mean(sim, axis=0, keepdims=True)

    ptxt_ref[...] += jnp.sum(sim, axis=1, keepdims=True)

    p = jnp.exp(sim)
    s_ref[...] += jnp.sum(p, axis=1, keepdims=True)
    acc_ref[...] += lax.dot_general(
        p, v, (((1,), (0,)), ((), ())), preferred_element_type=jnp.float32)

    @pl.when(nb == NB - 1)
    def _stash():
        acc_all_ref[b] = acc_ref[...]
        s_all_ref[b] = s_ref[...]
        ptxt_all_ref[b] = ptxt_ref[...]

    @pl.when((b == B - 1) & (nb == NB - 1))
    def _finalize():
        l_iota = lax.broadcasted_iota(jnp.int32, (L, 1), 0).astype(jnp.float32)
        r_i = lax.broadcasted_iota(jnp.int32, (L, L), 0).astype(jnp.float32)
        c_i = lax.broadcasted_iota(jnp.int32, (L, L), 1).astype(jnp.float32)
        strict_lower = jnp.where(c_i < r_i, 1.0, 0.0)
        k_row = lax.broadcasted_iota(jnp.int32, (L, TK), 1).astype(jnp.float32)
        g_iota = (lax.broadcasted_iota(jnp.int32, (NB, BN), 0) * BN +
                  lax.broadcasted_iota(jnp.int32, (NB, BN), 1)
                  ).astype(jnp.float32)
        k_c = lax.broadcasted_iota(jnp.int32, (VK, 1), 0).astype(jnp.float32)
        k_r = lax.broadcasted_iota(jnp.int32, (1, VK), 1).astype(jnp.float32)

        for fb in range(B):
            pt = ptxt_all_ref[fb] / N
            sel_mask = jnp.zeros((L, 1), jnp.float32)
            vals = pt
            for _ in range(TK):
                mx = jnp.max(vals)
                pos = jnp.sum(jnp.where(vals == mx, l_iota, 0.0))
                sel_mask = sel_mask + jnp.where(l_iota == pos, 1.0, 0.0)
                vals = jnp.where(l_iota == pos, -jnp.inf, vals)
            rank_l = lax.dot_general(
                strict_lower, sel_mask, (((1,), (0,)), ((), ())),
                preferred_element_type=jnp.float32)
            onehot = jnp.where(
                (sel_mask > 0.0) & (rank_l == k_row), 1.0, 0.0)
            weighted = acc_all_ref[fb] / s_all_ref[fb]
            gt = lax.dot_general(
                onehot, weighted, (((0,), (0,)), ((), ())),
                preferred_element_type=jnp.float32)
            gt_ref[fb] = gt

        pv4 = jnp.concatenate([
            jnp.concatenate(
                [pv_all_ref[fb * NB + k:fb * NB + k + 1, :] for k in range(NB)],
                axis=1)
            for fb in range(B)], axis=0)
        lo = jnp.full((B, 1), -1.5, jnp.float32)
        hi = jnp.full((B, 1), 1.5, jnp.float32)
        for _ in range(40):
            mid = 0.5 * (lo + hi)
            cnt = jnp.sum(jnp.where(pv4 >= mid, 1.0, 0.0),
                          axis=1, keepdims=True)
            ok = cnt >= VK
            lo = jnp.where(ok, mid, lo)
            hi = jnp.where(ok, hi, mid)
        sel = jnp.where(pv4 >= lo, 1.0, 0.0)
        lane_pos = lax.broadcasted_iota(jnp.int32, (B, N), 1)
        pfx = sel
        sh = 1
        while sh < N:
            pfx = pfx + jnp.where(lane_pos >= sh,
                                  pltpu.roll(pfx, sh, axis=1), 0.0)
            sh *= 2
        k_vk = lax.broadcasted_iota(jnp.int32, (1, VK), 1).astype(jnp.float32)
        idxmat = jnp.zeros((B, VK), jnp.float32)
        for j in range(VK):
            cj = jnp.sum(jnp.where(pfx <= j, 1.0, 0.0),
                         axis=1, keepdims=True)
            idxmat = idxmat + jnp.where(k_vk == j, cj, 0.0)
        brow = lax.broadcasted_iota(jnp.int32, (B, VK), 0).astype(jnp.float32)
        idx_ref[...] = (idxmat + brow * N).astype(jnp.int32).reshape(B, 1, VK)




_SC_ROWS = B * VK
_SC_W = 16
_SC_PER_W = _SC_ROWS // _SC_W


@functools.cache
def _sc_gather_fn():
    @functools.partial(
        pl.kernel,
        mesh=plsc.VectorSubcoreMesh(core_axis_name="c", subcore_axis_name="s"),
        out_type=jax.ShapeDtypeStruct((_SC_ROWS, D), jnp.float32),
        scratch_types=[
            pltpu.VMEM((_SC_PER_W,), jnp.int32),
            pltpu.VMEM((_SC_PER_W, D), jnp.float32),
            pltpu.SemaphoreType.DMA,
        ],
    )
    def _sc_gather(table_hbm, idx_hbm, out_hbm, idx_v, rows_v, sem):
        wid = lax.axis_index("s") * 2 + lax.axis_index("c")

        @pl.when(wid < _SC_W)
        def _():
            base = wid * _SC_PER_W
            pltpu.sync_copy(idx_hbm.at[pl.ds(base, _SC_PER_W)], idx_v)
            pltpu.async_copy(table_hbm.at[idx_v], rows_v, sem).wait()
            pltpu.sync_copy(rows_v, out_hbm.at[pl.ds(base, _SC_PER_W)])

    return _sc_gather


@jax.jit
def kernel(vision_embedding, text_embedding, attention_mask):
    mask_f = attention_mask.astype(jnp.float32).reshape(B, L, 1)

    gt, idx = pl.pallas_call(
        _fused_kernel,
        grid=(B, NB),
        in_specs=[
            pl.BlockSpec((1, L, 1), lambda b, nb: (b, 0, 0)),
            pl.BlockSpec((1, L, D), lambda b, nb: (b, 0, 0)),
            pl.BlockSpec((1, BN, D), lambda b, nb: (b, nb, 0)),
        ],
        out_specs=[
            pl.BlockSpec((B, TK, D), lambda b, nb: (0, 0, 0)),
            pl.BlockSpec((B, 1, VK), lambda b, nb: (0, 0, 0)),
        ],
        out_shape=[
            jax.ShapeDtypeStruct((B, TK, D), jnp.float32),
            jax.ShapeDtypeStruct((B, 1, VK), jnp.int32),
        ],
        scratch_shapes=[
            pltpu.VMEM((L, D), jnp.float32),
            pltpu.VMEM((L, D), jnp.float32),
            pltpu.VMEM((L, 1), jnp.float32),
            pltpu.VMEM((L, 1), jnp.float32),
            pltpu.VMEM((B, L, D), jnp.float32),
            pltpu.VMEM((B, L, 1), jnp.float32),
            pltpu.VMEM((B, L, 1), jnp.float32),
            pltpu.VMEM((B * NB, BN), jnp.float32),
        ],
        compiler_params=pltpu.CompilerParams(
            dimension_semantics=("arbitrary", "arbitrary")),
    )(mask_f, text_embedding, vision_embedding)

    flat_idx = idx.reshape(B * VK)
    gv = _sc_gather_fn()(vision_embedding.reshape(B * N, D), flat_idx)

    return jnp.concatenate([gt, gv.reshape(B, VK, D)], axis=1)

# --- scband reference (transcript-rebuilt; emitter-appended) ---
"""Pipeline reference for scband-text-guided-sampler-49572512530550 (READ-ONLY COPY).

The authoritative reference and input builder live on the scoring server;
editing this copy changes nothing except your own understanding.
"""

import jax, jax.numpy as jnp
import numpy as np

TEMP = 1.0
VISION_TOPK = 32
TEXT_TOPK = 5


def setup_inputs(seed: int = 0) -> dict:
    key = jax.random.key(seed)
    k1, k2 = jax.random.split(key)
    vision_embedding = jax.random.normal(k1, (4, 8192, 768), dtype=jnp.float32)
    text_embedding = jax.random.normal(k2, (4, 64, 768), dtype=jnp.float32)
    attention_mask = jnp.ones((4, 64), dtype=bool)
    return {
        "vision_embedding": vision_embedding,
        "text_embedding": text_embedding,
        "attention_mask": attention_mask,
    }


def _l2norm(x):
    n = jnp.sqrt(jnp.sum(x * x, axis=-1, keepdims=True))
    return x / jnp.maximum(n, 1e-12)


def _forward(vision_embedding, text_embedding, attention_mask):
    # get_similarity (eval mode: no gumbel noise)
    normed_img = _l2norm(vision_embedding)
    normed_txt = _l2norm(text_embedding)
    sim = jnp.einsum('bnd,bld->bnl', normed_img, normed_txt)
    sim = jnp.where(attention_mask[:, None, :], sim, -1.0)
    d = vision_embedding.shape[-1]
    # get_vision_topk: sort descending == top_k, then re-sort indices ascending
    probs_v = jnp.mean(sim, axis=2)
    _, idx_v = jax.lax.top_k(probs_v, VISION_TOPK)
    idx_v = jnp.sort(idx_v, axis=-1)
    gv = jnp.take_along_axis(
        vision_embedding,
        jnp.broadcast_to(idx_v[:, :, None], idx_v.shape + (d,)),
        axis=1,
    )
    # get_text_topk
    probs_t = jax.nn.softmax(jnp.swapaxes(sim, 1, 2) / TEMP, axis=-1)
    weighted_vision = jnp.einsum('bln,bnd->bld', probs_t, vision_embedding)
    probs_txt = jnp.mean(sim, axis=1)
    _, idx_t = jax.lax.top_k(probs_txt, TEXT_TOPK)
    idx_t = jnp.sort(idx_t, axis=-1)
    gt = jnp.take_along_axis(
        weighted_vision,
        jnp.broadcast_to(idx_t[:, :, None], idx_t.shape + (d,)),
        axis=1,
    )
    return jnp.concatenate([gt, gv], axis=1)


def reference(vision_embedding, text_embedding, attention_mask):
    return _forward(vision_embedding, text_embedding, attention_mask)

if __name__ == "__main__":
    import jax
    _d = setup_inputs()
    print(jax.jit(kernel)(*tuple(_d.values())))

</pallas_src>

<mosaic_0001>
#map = affine_map<(d0, d1) -> (0, 0)>
#map1 = affine_map<(d0, d1) -> (0)>
module attributes {stable_mosaic.version = 14 : i64} {
  func.func @_sc_gather(%arg0: i32, %arg1: i32, %arg2: memref<32768x768xf32, #tpu.memory_space<hbm>>, %arg3: memref<128xi32, #tpu.memory_space<hbm>>, %arg4: memref<128x768xf32, #tpu.memory_space<hbm>>, %arg5: memref<8xi32, #tpu.memory_space<vmem>>, %arg6: memref<8x768xf32, #tpu.memory_space<vmem>>, %arg7: memref<!tpu.dma_semaphore, #tpu.memory_space<semaphore_mem>>) attributes {dimension_semantics = [#tpu.dimension_semantics<core_parallel>, #tpu.dimension_semantics<subcore_parallel>], iteration_bounds = array<i64: 2, 16>, scalar_prefetch = 0 : i64, scratch_operands = 3 : i64, tpu.core_type = #tpu.core_type<sc_vector_subcore>, window_params = [{transform_indices = #map}, {transform_indices = #map1}, {transform_indices = #map}]} {
    %mul3A = arith.constant 2 : i32
    %mul3A_0 = arith.muli %arg1, %mul3A : i32
    %add3A = arith.addi %mul3A_0, %arg0 : i32
    %lt3A = arith.constant 16 : i32
    %lt3A_1 = arith.cmpi slt, %add3A, %lt3A : i32
    %convert_element_type3A = arith.extui %lt3A_1 : i1 to i32
    %cond3A = arith.constant 0 : i32
    %cond3A_2 = arith.cmpi ne, %convert_element_type3A, %cond3A : i32
    scf.if %cond3A_2 {
      %mul3A_3 = arith.constant 8 : i32
      %mul3A_4 = arith.muli %add3A, %mul3A_3 : i32
      "tpu.region"() ({
        %run_scoped3A = tpu.sem_alloc : memref<!tpu.dma_semaphore, #tpu.memory_space<semaphore_mem>>
        %dma_start3A_9 = tpu.memref_slice %arg3[%mul3A_4] : memref<128xi32, #tpu.memory_space<hbm>> -> memref<8xi32, #tpu.memory_space<hbm>>
        %dma_start3A_10 = tpu.memref_slice %arg3[%mul3A_4] : memref<128xi32, #tpu.memory_space<hbm>> -> memref<8xi32, #tpu.memory_space<hbm>>
        tpu.enqueue_dma source(%dma_start3A_10 : memref<8xi32, #tpu.memory_space<hbm>>) target(%arg5 : memref<8xi32, #tpu.memory_space<vmem>>) target_semaphore(%run_scoped3A : memref<!tpu.dma_semaphore, #tpu.memory_space<semaphore_mem>>)
        %dma_wait3A_11 = tpu.memref_slice %arg3[%mul3A_4] : memref<128xi32, #tpu.memory_space<hbm>> -> memref<8xi32, #tpu.memory_space<hbm>>
        %dma_wait3A_12 = tpu.memref_slice %arg3[%mul3A_4] : memref<128xi32, #tpu.memory_space<hbm>> -> memref<8xi32, #tpu.memory_space<hbm>>
        tpu.wait_dma2 semaphore(%run_scoped3A : memref<!tpu.dma_semaphore, #tpu.memory_space<semaphore_mem>>) src(%dma_wait3A_12 : memref<8xi32, #tpu.memory_space<hbm>>) dst(%arg5 : memref<8xi32, #tpu.memory_space<vmem>>)
        tpu.yield
      }) : () -> ()
      %dma_start3A = arith.constant 0 : i32
      %dma_start3A_5 = arith.constant 0 : i32
      %dma_start3A_6 = tpu.memref_slice %arg2[%dma_start3A, %dma_start3A_5] : memref<32768x768xf32, #tpu.memory_space<hbm>> -> memref<32768x768xf32, #tpu.memory_space<hbm>>
      tpu.enqueue_indirect_dma source(%dma_start3A_6 : memref<32768x768xf32, #tpu.memory_space<hbm>>) target(%arg6 : memref<8x768xf32, #tpu.memory_space<vmem>>) offsets(%arg5 : memref<8xi32, #tpu.memory_space<vmem>>) semaphore(%arg7 : memref<!tpu.dma_semaphore, #tpu.memory_space<semaphore_mem>>)
      %dma_wait3A = arith.constant 0 : i32
      %dma_wait3A_7 = arith.constant 0 : i32
      %dma_wait3A_8 = tpu.memref_slice %arg2[%dma_wait3A, %dma_wait3A_7] : memref<32768x768xf32, #tpu.memory_space<hbm>> -> memref<32768x768xf32, #tpu.memory_space<hbm>>
      tpu.wait_indirect_dma semaphore(%arg7 : memref<!tpu.dma_semaphore, #tpu.memory_space<semaphore_mem>>) src(%dma_wait3A_8 : memref<32768x768xf32, #tpu.memory_space<hbm>>) dst(%arg6 : memref<8x768xf32, #tpu.memory_space<vmem>>)
      "tpu.region"() ({
        %run_scoped3A = tpu.sem_alloc : memref<!tpu.dma_semaphore, #tpu.memory_space<semaphore_mem>>
        %dma_start3A_9 = arith.constant 0 : i32
        %dma_start3A_10 = tpu.memref_slice %arg4[%mul3A_4, %dma_start3A_9] : memref<128x768xf32, #tpu.memory_space<hbm>> -> memref<8x768xf32, #tpu.memory_space<hbm>>
        %dma_start3A_11 = arith.constant 0 : i32
        %dma_start3A_12 = tpu.memref_slice %arg4[%mul3A_4, %dma_start3A_11] : memref<128x768xf32, #tpu.memory_space<hbm>> -> memref<8x768xf32, #tpu.memory_space<hbm>>
        tpu.enqueue_dma source(%arg6 : memref<8x768xf32, #tpu.memory_space<vmem>>) target(%dma_start3A_12 : memref<8x768xf32, #tpu.memory_space<hbm>>) target_semaphore(%run_scoped3A : memref<!tpu.dma_semaphore, #tpu.memory_space<semaphore_mem>>)
        %dma_wait3A_13 = arith.constant 0 : i32
        %dma_wait3A_14 = tpu.memref_slice %arg4[%mul3A_4, %dma_wait3A_13] : memref<128x768xf32, #tpu.memory_space<hbm>> -> memref<8x768xf32, #tpu.memory_space<hbm>>
        %dma_wait3A_15 = arith.constant 0 : i32
        %dma_wait3A_16 = tpu.memref_slice %arg4[%mul3A_4, %dma_wait3A_15] : memref<128x768xf32, #tpu.memory_space<hbm>> -> memref<8x768xf32, #tpu.memory_space<hbm>>
        tpu.wait_dma2 semaphore(%run_scoped3A : memref<!tpu.dma_semaphore, #tpu.memory_space<semaphore_mem>>) src(%arg6 : memref<8x768xf32, #tpu.memory_space<vmem>>) dst(%dma_wait3A_16 : memref<8x768xf32, #tpu.memory_space<hbm>>)
        tpu.yield
      }) : () -> ()
    } else {
    }
    return
  }
}

module attributes {stable_mosaic.version = 14 : i64} {
  func.func @_fused_kernel(%arg0: i32, %arg1: i32, %arg2: memref<1x64x1xf32, #tpu.memory_space<vmem>>, %arg3: memref<1x64x768xf32, #tpu.memory_space<vmem>>, %arg4: memref<1x2048x768xf32, #tpu.memory_space<vmem>>, %arg5: memref<4x5x768xf32, #tpu.memory_space<vmem>>, %arg6: memref<4x1x32xi32, #tpu.memory_space<vmem>>, %arg7: memref<64x768xf32, #tpu.memory_space<vmem>>, %arg8: memref<64x768xf32, #tpu.memory_space<vmem>>, %arg9: memref<64x1xf32, #tpu.memory_space<vmem>>, %arg10: memref<64x1xf32, #tpu.memory_space<vmem>>, %arg11: memref<4x64x768xf32, #tpu.memory_space<vmem>>, %arg12: memref<4x64x1xf32, #tpu.memory_space<vmem>>, %arg13: memref<4x64x1xf32, #tpu.memory_space<vmem>>, %arg14: memref<16x2048xf32, #tpu.memory_space<vmem>>) attributes {dimension_semantics = [#tpu.dimension_semantics<arbitrary>, #tpu.dimension_semantics<arbitrary>], iteration_bounds = array<i64: 4, 4>, scalar_prefetch = 0 : i64, scratch_operands = 8 : i64, tpu.core_type = #tpu.core_type<tc>, window_params = [{transform_indices = @transform_0, window_bounds = array<i64: 1, 64, 1>}, {transform_indices = @transform_1, window_bounds = array<i64: 1, 64, 768>}, {transform_indices = @transform_2, window_bounds = array<i64: 1, 2048, 768>}, {pipeline_mode = #tpu.pipeline_mode<synchronous>, transform_indices = @transform_3, window_bounds = array<i64: 4, 5, 768>}, {pipeline_mode = #tpu.pipeline_mode<synchronous>, transform_indices = @transform_4, window_bounds = array<i64: 4, 1, 32>}]} {
    %eq3A = arith.constant 0 : i32
    %eq3A_0 = arith.cmpi eq, %arg1, %eq3A : i32
    %convert_element_type3A = arith.extui %eq3A_0 : i1 to i32
    %cond3A = arith.constant 0 : i32
    %cond3A_1 = arith.cmpi ne, %convert_element_type3A, %cond3A : i32
    scf.if %cond3A_1 {
      %get3A_78 = arith.constant 0 : index
      %get3A_79 = arith.constant 0 : index
      %get3A_80 = arith.constant 0 : index
      %get3A_81 = vector.load %arg3[%get3A_78, %get3A_79, %get3A_80] : memref<1x64x768xf32, #tpu.memory_space<vmem>>, vector<1x64x768xf32>
      %get3A_82 = vector.shape_cast %get3A_81 : vector<1x64x768xf32> to vector<64x768xf32>
      %mul3A_83 = arith.mulf %get3A_82, %get3A_82 : vector<64x768xf32>
      %reduce_sum3A_84 = arith.constant dense<0.000000e+00> : vector<64xf32>
      %reduce_sum3A_85 = vector.multi_reduction <add>, %mul3A_83, %reduce_sum3A_84 [1] : vector<64x768xf32> to vector<64xf32>
      %broadcast_in_dim3A_86 = vector.shape_cast %reduce_sum3A_85 : vector<64xf32> to vector<64x1xf32>
      %sqrt3A_87 = math.sqrt %broadcast_in_dim3A_86 : vector<64x1xf32>
      %max3A_88 = arith.constant 9.99999996E-13 : f32
      %max3A_89 = vector.broadcast %max3A_88 : f32 to vector<64x1xf32>
      %max3A_90 = arith.maximumf %sqrt3A_87, %max3A_89 : vector<64x1xf32>
      %div3A_91 = vector.broadcast %max3A_90 : vector<64x1xf32> to vector<64x768xf32>
      %div3A_92 = arith.divf %get3A_82, %div3A_91 : vector<64x768xf32>
      %swap3A_93 = arith.constant 0 : index
      %swap3A_94 = arith.constant 0 : index
      %swap3A_95 = vector.load %arg7[%swap3A_93, %swap3A_94] : memref<64x768xf32, #tpu.memory_space<vmem>>, vector<64x768xf32>
      tpu.vector_store %arg7[%swap3A_93, %swap3A_94], %div3A_92 {strides = array<i32>} : memref<64x768xf32, #tpu.memory_space<vmem>>, vector<64x768xf32>,
      %broadcast_in_dim3A_96 = arith.constant 0.000000e+00 : f32
      %broadcast_in_dim3A_97 = vector.broadcast %broadcast_in_dim3A_96 : f32 to vector<64x768xf32>
      %swap3A_98 = arith.constant 0 : index
      %swap3A_99 = arith.constant 0 : index
      %swap3A_100 = vector.load %arg8[%swap3A_98, %swap3A_99] : memref<64x768xf32, #tpu.memory_space<vmem>>, vector<64x768xf32>
      tpu.vector_store %arg8[%swap3A_98, %swap3A_99], %broadcast_in_dim3A_97 {strides = array<i32>} : memref<64x768xf32, #tpu.memory_space<vmem>>, vector<64x768xf32>,
      %broadcast_in_dim3A_101 = arith.constant 0.000000e+00 : f32
      %broadcast_in_dim3A_102 = vector.broadcast %broadcast_in_dim3A_101 : f32 to vector<64x1xf32>
      %swap3A_103 = arith.constant 0 : index
      %swap3A_104 = arith.constant 0 : index
      %swap3A_105 = vector.load %arg9[%swap3A_103, %swap3A_104] : memref<64x1xf32, #tpu.memory_space<vmem>>, vector<64x1xf32>
      tpu.vector_store %arg9[%swap3A_103, %swap3A_104], %broadcast_in_dim3A_102 {strides = array<i32>} : memref<64x1xf32, #tpu.memory_space<vmem>>, vector<64x1xf32>,
      %broadcast_in_dim3A_106 = arith.constant 0.000000e+00 : f32
      %broadcast_in_dim3A_107 = vector.broadcast %broadcast_in_dim3A_106 : f32 to vector<64x1xf32>
      %swap3A_108 = arith.constant 0 : index
      %swap3A_109 = arith.constant 0 : index
      %swap3A_110 = vector.load %arg10[%swap3A_108, %swap3A_109] : memref<64x1xf32, #tpu.memory_space<vmem>>, vector<64x1xf32>
      tpu.vector_store %arg10[%swap3A_108, %swap3A_109], %broadcast_in_dim3A_107 {strides = array<i32>} : memref<64x1xf32, #tpu.memory_space<vmem>>, vector<64x1xf32>,
    } else {
    }
    %get3A = arith.constant 0 : index
    %get3A_2 = arith.constant 0 : index
    %get3A_3 = arith.constant 0 : index
    %get3A_4 = vector.load %arg4[%get3A, %get3A_2, %get3A_3] : memref<1x2048x768xf32, #tpu.memory_space<vmem>>, vector<1x2048x768xf32>
    %get3A_5 = vector.shape_cast %get3A_4 : vector<1x2048x768xf32> to vector<2048x768xf32>
    %mul3A = arith.mulf %get3A_5, %get3A_5 : vector<2048x768xf32>
    %reduce_sum3A = arith.constant dense<0.000000e+00> : vector<2048xf32>
    %reduce_sum3A_6 = vector.multi_reduction <add>, %mul3A, %reduce_sum3A [1] : vector<2048x768xf32> to vector<2048xf32>
    %broadcast_in_dim3A = vector.shape_cast %reduce_sum3A_6 : vector<2048xf32> to vector<2048x1xf32>
    %sqrt3A = math.sqrt %broadcast_in_dim3A : vector<2048x1xf32>
    %max3A = arith.constant 9.99999996E-13 : f32
    %max3A_7 = vector.broadcast %max3A : f32 to vector<2048x1xf32>
    %max3A_8 = arith.maximumf %sqrt3A, %max3A_7 : vector<2048x1xf32>
    %div3A = arith.constant 1.000000e+00 : f32
    %div3A_9 = vector.broadcast %div3A : f32 to vector<2048x1xf32>
    %div3A_10 = arith.divf %div3A_9, %max3A_8 : vector<2048x1xf32>
    %mul3A_11 = vector.broadcast %div3A_10 : vector<2048x1xf32> to vector<2048x768xf32>
    %mul3A_12 = arith.mulf %get3A_5, %mul3A_11 : vector<2048x768xf32>
    %get3A_13 = arith.constant 0 : index
    %get3A_14 = arith.constant 0 : index
    %get3A_15 = vector.load %arg7[%get3A_13, %get3A_14] : memref<64x768xf32, #tpu.memory_space<vmem>>, vector<64x768xf32>
    %dot_general3A = arith.constant dense<0.000000e+00> : vector<64x2048xf32>
    %dot_general3A_16 = tpu.matmul %get3A_15, %mul3A_12, %dot_general3A {dimension_numbers = #tpu.dot_dimension_numbers<[1], [1], [0], [0], [0, 0, 1, 0], [], []>, precision = #tpu.contract_precision<fp32>, transpose_lhs_hint = false} : vector<64x768xf32>, vector<2048x768xf32>, vector<64x2048xf32> -> vector<64x2048xf32>
    %get3A_17 = arith.constant 0 : index
    %get3A_18 = arith.constant 0 : index
    %get3A_19 = arith.constant 0 : index
    %get3A_20 = vector.load %arg2[%get3A_17, %get3A_18, %get3A_19] : memref<1x64x1xf32, #tpu.memory_space<vmem>>, vector<1x64x1xf32>
    %get3A_21 = vector.shape_cast %get3A_20 : vector<1x64x1xf32> to vector<64x1xf32>
    %gt3A = arith.constant 0.000000e+00 : f32
    %gt3A_22 = vector.broadcast %gt3A : f32 to vector<64x1xf32>
    %gt3A_23 = arith.cmpf ogt, %get3A_21, %gt3A_22 : vector<64x1xf32>
    %jit3A = arith.constant -1.000000e+00 : f32
    %broadcast_in_dim3A_24 = vector.shape_cast %gt3A_23 : vector<64x1xi1> to vector<64x1xi1>
    %broadcast_in_dim3A_25 = vector.broadcast %broadcast_in_dim3A_24 : vector<64x1xi1> to vector<64x2048xi1>
    %broadcast_in_dim3A_26 = vector.broadcast %jit3A : f32 to vector<64x2048xf32>
    %select_n3A = arith.select %broadcast_in_dim3A_25, %dot_general3A_16, %broadcast_in_dim3A_26 : vector<64x2048xi1>, vector<64x2048xf32>
    %reduce_sum3A_27 = arith.constant dense<0.000000e+00> : vector<2048xf32>
    %reduce_sum3A_28 = vector.multi_reduction <add>, %select_n3A, %reduce_sum3A_27 [0] : vector<64x2048xf32> to vector<2048xf32>
    %broadcast_in_dim3A_29 = vector.shape_cast %reduce_sum3A_28 : vector<2048xf32> to vector<1x2048xf32>
    %div3A_30 = arith.constant 6.400000e+01 : f32
    %div3A_31 = vector.broadcast %div3A_30 : f32 to vector<1x2048xf32>
    %div3A_32 = arith.divf %broadcast_in_dim3A_29, %div3A_31 : vector<1x2048xf32>
    %mul3A_33 = arith.constant 4 : i32
    %mul3A_34 = arith.muli %arg0, %mul3A_33 : i32
    %add3A = arith.addi %mul3A_34, %arg1 : i32
    %swap3A = arith.index_cast %add3A : i32 to index
    %swap3A_35 = arith.constant 0 : index
    %swap3A_36 = vector.load %arg14[%swap3A, %swap3A_35] : memref<16x2048xf32, #tpu.memory_space<vmem>>, vector<1x2048xf32>
    tpu.vector_store %arg14[%swap3A, %swap3A_35], %div3A_32 {strides = array<i32>} : memref<16x2048xf32, #tpu.memory_space<vmem>>, vector<1x2048xf32>,
    %get3A_37 = arith.constant 0 : index
    %get3A_38 = arith.constant 0 : index
    %get3A_39 = vector.load %arg10[%get3A_37, %get3A_38] : memref<64x1xf32, #tpu.memory_space<vmem>>, vector<64x1xf32>
    %reduce_sum3A_40 = arith.constant dense<0.000000e+00> : vector<64xf32>
    %reduce_sum3A_41 = vector.multi_reduction <add>, %select_n3A, %reduce_sum3A_40 [1] : vector<64x2048xf32> to vector<64xf32>
    %broadcast_in_dim3A_42 = vector.shape_cast %reduce_sum3A_41 : vector<64xf32> to vector<64x1xf32>
    %add3A_43 = arith.addf %get3A_39, %broadcast_in_dim3A_42 : vector<64x1xf32>
    %swap3A_44 = arith.constant 0 : index
    %swap3A_45 = arith.constant 0 : index
    %swap3A_46 = vector.load %arg10[%swap3A_44, %swap3A_45] : memref<64x1xf32, #tpu.memory_space<vmem>>, vector<64x1xf32>
    tpu.vector_store %arg10[%swap3A_44, %swap3A_45], %add3A_43 {strides = array<i32>} : memref<64x1xf32, #tpu.memory_space<vmem>>, vector<64x1xf32>,
    %exp3A = math.exp %select_n3A : vector<64x2048xf32>
    %get3A_47 = arith.constant 0 : index
    %get3A_48 = arith.constant 0 : index
    %get3A_49 = vector.load %arg9[%get3A_47, %get3A_48] : memref<64x1xf32, #tpu.memory_space<vmem>>, vector<64x1xf32>
    %reduce_sum3A_50 = arith.constant dense<0.000000e+00> : vector<64xf32>
    %reduce_sum3A_51 = vector.multi_reduction <add>, %exp3A, %reduce_sum3A_50 [1] : vector<64x2048xf32> to vector<64xf32>
    %broadcast_in_dim3A_52 = vector.shape_cast %reduce_sum3A_51 : vector<64xf32> to vector<64x1xf32>
    %add3A_53 = arith.addf %get3A_49, %broadcast_in_dim3A_52 : vector<64x1xf32>
    %swap3A_54 = arith.constant 0 : index
    %swap3A_55 = arith.constant 0 : index
    %swap3A_56 = vector.load %arg9[%swap3A_54, %swap3A_55] : memref<64x1xf32, #tpu.memory_space<vmem>>, vector<64x1xf32>
    tpu.vector_store %arg9[%swap3A_54, %swap3A_55], %add3A_53 {strides = array<i32>} : memref<64x1xf32, #tpu.memory_space<vmem>>, vector<64x1xf32>,
    %get3A_57 = arith.constant 0 : index
    %get3A_58 = arith.constant 0 : index
    %get3A_59 = vector.load %arg8[%get3A_57, %get3A_58] : memref<64x768xf32, #tpu.memory_space<vmem>>, vector<64x768xf32>
    %dot_general3A_60 = arith.constant dense<0.000000e+00> : vector<64x768xf32>
    %dot_general3A_61 = tpu.matmul %exp3A, %get3A_5, %dot_general3A_60 {dimension_numbers = #tpu.dot_dimension_numbers<[1], [0], [0], [1], [0, 0, 1, 1], [], []>, transpose_lhs_hint = false} : vector<64x2048xf32>, vector<2048x768xf32>, vector<64x768xf32> -> vector<64x768xf32>
    %add3A_62 = arith.addf %get3A_59, %dot_general3A_61 : vector<64x768xf32>
    %swap3A_63 = arith.constant 0 : index
    %swap3A_64 = arith.constant 0 : index
    %swap3A_65 = vector.load %arg8[%swap3A_63, %swap3A_64] : memref<64x768xf32, #tpu.memory_space<vmem>>, vector<64x768xf32>
    tpu.vector_store %arg8[%swap3A_63, %swap3A_64], %add3A_62 {strides = array<i32>} : memref<64x768xf32, #tpu.memory_space<vmem>>, vector<64x768xf32>,
    %eq3A_66 = arith.constant 3 : i32
    %eq3A_67 = arith.cmpi eq, %arg1, %eq3A_66 : i32
    %convert_element_type3A_68 = arith.extui %eq3A_67 : i1 to i32
    %cond3A_69 = arith.constant 0 : i32
    %cond3A_70 = arith.cmpi ne, %convert_element_type3A_68, %cond3A_69 : i32
    scf.if %cond3A_70 {
      %get3A_78 = arith.constant 0 : index
      %get3A_79 = arith.constant 0 : index
      %get3A_80 = vector.load %arg8[%get3A_78, %get3A_79] : memref<64x768xf32, #tpu.memory_space<vmem>>, vector<64x768xf32>
      %swap3A_81 = arith.index_cast %arg0 : i32 to index
      %swap3A_82 = arith.constant 0 : index
      %swap3A_83 = arith.constant 0 : index
      %swap3A_84 = vector.load %arg11[%swap3A_81, %swap3A_82, %swap3A_83] : memref<4x64x768xf32, #tpu.memory_space<vmem>>, vector<1x64x768xf32>
      %swap3A_85 = vector.shape_cast %swap3A_84 : vector<1x64x768xf32> to vector<64x768xf32>
      %swap3A_86 = vector.shape_cast %get3A_80 : vector<64x768xf32> to vector<1x64x768xf32>
      tpu.vector_store %arg11[%swap3A_81, %swap3A_82, %swap3A_83], %swap3A_86 {strides = array<i32>} : memref<4x64x768xf32, #tpu.memory_space<vmem>>, vector<1x64x768xf32>,
      %get3A_87 = arith.constant 0 : index
      %get3A_88 = arith.constant 0 : index
      %get3A_89 = vector.load %arg9[%get3A_87, %get3A_88] : memref<64x1xf32, #tpu.memory_space<vmem>>, vector<64x1xf32>
      %swap3A_90 = arith.index_cast %arg0 : i32 to index
      %swap3A_91 = arith.constant 0 : index
      %swap3A_92 = arith.constant 0 : index
      %swap3A_93 = vector.load %arg12[%swap3A_90, %swap3A_91, %swap3A_92] : memref<4x64x1xf32, #tpu.memory_space<vmem>>, vector<1x64x1xf32>
      %swap3A_94 = vector.shape_cast %swap3A_93 : vector<1x64x1xf32> to vector<64x1xf32>
      %swap3A_95 = vector.shape_cast %get3A_89 : vector<64x1xf32> to vector<1x64x1xf32>
      tpu.vector_store %arg12[%swap3A_90, %swap3A_91, %swap3A_92], %swap3A_95 {strides = array<i32>} : memref<4x64x1xf32, #tpu.memory_space<vmem>>, vector<1x64x1xf32>,
      %get3A_96 = arith.constant 0 : index
      %get3A_97 = arith.constant 0 : index
      %get3A_98 = vector.load %arg10[%get3A_96, %get3A_97] : memref<64x1xf32, #tpu.memory_space<vmem>>, vector<64x1xf32>
      %swap3A_99 = arith.index_cast %arg0 : i32 to index
      %swap3A_100 = arith.constant 0 : index
      %swap3A_101 = arith.constant 0 : index
      %swap3A_102 = vector.load %arg13[%swap3A_99, %swap3A_100, %swap3A_101] : memref<4x64x1xf32, #tpu.memory_space<vmem>>, vector<1x64x1xf32>
      %swap3A_103 = vector.shape_cast %swap3A_102 : vector<1x64x1xf32> to vector<64x1xf32>
      %swap3A_104 = vector.shape_cast %get3A_98 : vector<64x1xf32> to vector<1x64x1xf32>
      tpu.vector_store %arg13[%swap3A_99, %swap3A_100, %swap3A_101], %swap3A_104 {strides = array<i32>} : memref<4x64x1xf32, #tpu.memory_space<vmem>>, vector<1x64x1xf32>,
    } else {
    }
    %eq3A_71 = arith.constant 3 : i32
    %eq3A_72 = arith.cmpi eq, %arg0, %eq3A_71 : i32
    %eq3A_73 = arith.constant 3 : i32
    %eq3A_74 = arith.cmpi eq, %arg1, %eq3A_73 : i32
    %and3A = arith.andi %eq3A_72, %eq3A_74 : i1
    %convert_element_type3A_75 = arith.extui %and3A : i1 to i32
    %cond3A_76 = arith.constant 0 : i32
    %cond3A_77 = arith.cmpi ne, %convert_element_type3A_75, %cond3A_76 : i32
    scf.if %cond3A_77 {
      %iota3A = tpu.iota {dimensions = array<i32: 0>} : vector<64x1xi32>
      %convert_element_type3A_78 = arith.sitofp %iota3A : vector<64x1xi32> to vector<64x1xf32>
      %iota3A_79 = tpu.iota {dimensions = array<i32: 0>} : vector<64x64xi32>
      %convert_element_type3A_80 = arith.sitofp %iota3A_79 : vector<64x64xi32> to vector<64x64xf32>
      %iota3A_81 = tpu.iota {dimensions = array<i32: 1>} : vector<64x64xi32>
      %convert_element_type3A_82 = arith.sitofp %iota3A_81 : vector<64x64xi32> to vector<64x64xf32>
      %lt3A = arith.cmpf olt, %convert_element_type3A_82, %convert_element_type3A_80 : vector<64x64xf32>
      %jit3A_83 = arith.constant 1.000000e+00 : f32
      %jit3A_84 = arith.constant 0.000000e+00 : f32
      %broadcast_in_dim3A_85 = vector.broadcast %jit3A_83 : f32 to vector<64x64xf32>
      %broadcast_in_dim3A_86 = vector.broadcast %jit3A_84 : f32 to vector<64x64xf32>
      %select_n3A_87 = arith.select %lt3A, %broadcast_in_dim3A_85, %broadcast_in_dim3A_86 : vector<64x64xi1>, vector<64x64xf32>
      %iota3A_88 = tpu.iota {dimensions = array<i32: 1>} : vector<64x5xi32>
      %convert_element_type3A_89 = arith.sitofp %iota3A_88 : vector<64x5xi32> to vector<64x5xf32>
      %get3A_90 = arith.constant 0 : index
      %get3A_91 = arith.constant 0 : index
      %get3A_92 = arith.constant 0 : index
      %get3A_93 = vector.load %arg13[%get3A_90, %get3A_91, %get3A_92] : memref<4x64x1xf32, #tpu.memory_space<vmem>>, vector<1x64x1xf32>
      %get3A_94 = vector.shape_cast %get3A_93 : vector<1x64x1xf32> to vector<64x1xf32>
      %div3A_95 = arith.constant 8.192000e+03 : f32
      %div3A_96 = vector.broadcast %div3A_95 : f32 to vector<64x1xf32>
      %div3A_97 = arith.divf %get3A_94, %div3A_96 : vector<64x1xf32>
      %broadcast_in_dim3A_98 = arith.constant 0.000000e+00 : f32
      %broadcast_in_dim3A_99 = vector.broadcast %broadcast_in_dim3A_98 : f32 to vector<64x1xf32>
      %reduce_max3A = vector.shape_cast %div3A_97 : vector<64x1xf32> to vector<1x64x1xf32>
      %reduce_max3A_100 = arith.constant dense<0xFF800000> : vector<1xf32>
      %reduce_max3A_101 = vector.multi_reduction <maximumf>, %reduce_max3A, %reduce_max3A_100 [1, 2] : vector<1x64x1xf32> to vector<1xf32>
      %reduce_max3A_102 = vector.shape_cast %reduce_max3A_101 : vector<1xf32> to vector<1x1x1xf32>
      %reduce_max3A_103 = vector.extract %reduce_max3A_102[0, 0, 0] : f32 from vector<1x1x1xf32>
      %eq3A_104 = vector.broadcast %reduce_max3A_103 : f32 to vector<64x1xf32>
      %eq3A_105 = arith.cmpf oeq, %div3A_97, %eq3A_104 : vector<64x1xf32>
      %jit3A_106 = arith.constant 0.000000e+00 : f32
      %broadcast_in_dim3A_107 = vector.broadcast %jit3A_106 : f32 to vector<64x1xf32>
      %select_n3A_108 = arith.select %eq3A_105, %convert_element_type3A_78, %broadcast_in_dim3A_107 : vector<64x1xi1>, vector<64x1xf32>
      %reduce_sum3A_109 = vector.shape_cast %select_n3A_108 : vector<64x1xf32> to vector<1x64x1xf32>
      %reduce_sum3A_110 = arith.constant dense<0.000000e+00> : vector<1xf32>
      %reduce_sum3A_111 = vector.multi_reduction <add>, %reduce_sum3A_109, %reduce_sum3A_110 [1, 2] : vector<1x64x1xf32> to vector<1xf32>
      %reduce_sum3A_112 = vector.shape_cast %reduce_sum3A_111 : vector<1xf32> to vector<1x1x1xf32>
      %reduce_sum3A_113 = vector.extract %reduce_sum3A_112[0, 0, 0] : f32 from vector<1x1x1xf32>
      %eq3A_114 = vector.broadcast %reduce_sum3A_113 : f32 to vector<64x1xf32>
      %eq3A_115 = arith.cmpf oeq, %convert_element_type3A_78, %eq3A_114 : vector<64x1xf32>
      %jit3A_116 = arith.constant 1.000000e+00 : f32
      %jit3A_117 = arith.constant 0.000000e+00 : f32
      %broadcast_in_dim3A_118 = vector.broadcast %jit3A_116 : f32 to vector<64x1xf32>
      %broadcast_in_dim3A_119 = vector.broadcast %jit3A_117 : f32 to vector<64x1xf32>
      %select_n3A_120 = arith.select %eq3A_115, %broadcast_in_dim3A_118, %broadcast_in_dim3A_119 : vector<64x1xi1>, vector<64x1xf32>
      %add3A_121 = arith.addf %broadcast_in_dim3A_99, %select_n3A_120 : vector<64x1xf32>
      %eq3A_122 = vector.broadcast %reduce_sum3A_113 : f32 to vector<64x1xf32>
      %eq3A_123 = arith.cmpf oeq, %convert_element_type3A_78, %eq3A_122 : vector<64x1xf32>
      %jit3A_124 = arith.constant 0xFF800000 : f32
      %broadcast_in_dim3A_125 = vector.broadcast %jit3A_124 : f32 to vector<64x1xf32>
      %select_n3A_126 = arith.select %eq3A_123, %broadcast_in_dim3A_125, %div3A_97 : vector<64x1xi1>, vector<64x1xf32>
      %reduce_max3A_127 = vector.shape_cast %select_n3A_126 : vector<64x1xf32> to vector<1x64x1xf32>
      %reduce_max3A_128 = arith.constant dense<0xFF800000> : vector<1xf32>
      %reduce_max3A_129 = vector.multi_reduction <maximumf>, %reduce_max3A_127, %reduce_max3A_128 [1, 2] : vector<1x64x1xf32> to vector<1xf32>
      %reduce_max3A_130 = vector.shape_cast %reduce_max3A_129 : vector<1xf32> to vector<1x1x1xf32>
      %reduce_max3A_131 = vector.extract %reduce_max3A_130[0, 0, 0] : f32 from vector<1x1x1xf32>
      %eq3A_132 = vector.broadcast %reduce_max3A_131 : f32 to vector<64x1xf32>
      %eq3A_133 = arith.cmpf oeq, %select_n3A_126, %eq3A_132 : vector<64x1xf32>
      %jit3A_134 = arith.constant 0.000000e+00 : f32
      %broadcast_in_dim3A_135 = vector.broadcast %jit3A_134 : f32 to vector<64x1xf32>
      %select_n3A_136 = arith.select %eq3A_133, %convert_element_type3A_78, %broadcast_in_dim3A_135 : vector<64x1xi1>, vector<64x1xf32>
      %reduce_sum3A_137 = vector.shape_cast %select_n3A_136 : vector<64x1xf32> to vector<1x64x1xf32>
      %reduce_sum3A_138 = arith.constant dense<0.000000e+00> : vector<1xf32>
      %reduce_sum3A_139 = vector.multi_reduction <add>, %reduce_sum3A_137, %reduce_sum3A_138 [1, 2] : vector<1x64x1xf32> to vector<1xf32>
      %reduce_sum3A_140 = vector.shape_cast %reduce_sum3A_139 : vector<1xf32> to vector<1x1x1xf32>
      %reduce_sum3A_141 = vector.extract %reduce_sum3A_140[0, 0, 0] : f32 from vector<1x1x1xf32>
      %eq3A_142 = vector.broadcast %reduce_sum3A_141 : f32 to vector<64x1xf32>
      %eq3A_143 = arith.cmpf oeq, %convert_element_type3A_78, %eq3A_142 : vector<64x1xf32>
      %jit3A_144 = arith.constant 1.000000e+00 : f32
      %jit3A_145 = arith.constant 0.000000e+00 : f32
      %broadcast_in_dim3A_146 = vector.broadcast %jit3A_144 : f32 to vector<64x1xf32>
      %broadcast_in_dim3A_147 = vector.broadcast %jit3A_145 : f32 to vector<64x1xf32>
      %select_n3A_148 = arith.select %eq3A_143, %broadcast_in_dim3A_146, %broadcast_in_dim3A_147 : vector<64x1xi1>, vector<64x1xf32>
      %add3A_149 = arith.addf %add3A_121, %select_n3A_148 : vector<64x1xf32>
      %eq3A_150 = vector.broadcast %reduce_sum3A_141 : f32 to vector<64x1xf32>
      %eq3A_151 = arith.cmpf oeq, %convert_element_type3A_78, %eq3A_150 : vector<64x1xf32>
      %jit3A_152 = arith.constant 0xFF800000 : f32
      %broadcast_in_dim3A_153 = vector.broadcast %jit3A_152 : f32 to vector<64x1xf32>
      %select_n3A_154 = arith.select %eq3A_151, %broadcast_in_dim3A_153, %select_n3A_126 : vector<64x1xi1>, vector<64x1xf32>
      %reduce_max3A_155 = vector.shape_cast %select_n3A_154 : vector<64x1xf32> to vector<1x64x1xf32>
      %reduce_max3A_156 = arith.constant dense<0xFF800000> : vector<1xf32>
      %reduce_max3A_157 = vector.multi_reduction <maximumf>, %reduce_max3A_155, %reduce_max3A_156 [1, 2] : vector<1x64x1xf32> to vector<1xf32>
      %reduce_max3A_158 = vector.shape_cast %reduce_max3A_157 : vector<1xf32> to vector<1x1x1xf32>
      %reduce_max3A_159 = vector.extract %reduce_max3A_158[0, 0, 0] : f32 from vector<1x1x1xf32>
      %eq3A_160 = vector.broadcast %reduce_max3A_159 : f32 to vector<64x1xf32>
      %eq3A_161 = arith.cmpf oeq, %select_n3A_154, %eq3A_160 : vector<64x1xf32>
      %jit3A_162 = arith.constant 0.000000e+00 : f32
      %broadcast_in_dim3A_163 = vector.broadcast %jit3A_162 : f32 to vector<64x1xf32>
      %select_n3A_164 = arith.select %eq3A_161, %convert_element_type3A_78, %broadcast_in_dim3A_163 : vector<64x1xi1>, vector<64x1xf32>
      %reduce_sum3A_165 = vector.shape_cast %select_n3A_164 : vector<64x1xf32> to vector<1x64x1xf32>
      %reduce_sum3A_166 = arith.constant dense<0.000000e+00> : vector<1xf32>
      %reduce_sum3A_167 = vector.multi_reduction <add>, %reduce_sum3A_165, %reduce_sum3A_166 [1, 2] : vector<1x64x1xf32> to vector<1xf32>
      %reduce_sum3A_168 = vector.shape_cast %reduce_sum3A_167 : vector<1xf32> to vector<1x1x1xf32>
      %reduce_sum3A_169 = vector.extract %reduce_sum3A_168[0, 0, 0] : f32 from vector<1x1x1xf32>
      %eq3A_170 = vector.broadcast %reduce_sum3A_169 : f32 to vector<64x1xf32>
      %eq3A_171 = arith.cmpf oeq, %convert_element_type3A_78, %eq3A_170 : vector<64x1xf32>
      %jit3A_172 = arith.constant 1.000000e+00 : f32
      %jit3A_173 = arith.constant 0.000000e+00 : f32
      %broadcast_in_dim3A_174 = vector.broadcast %jit3A_172 : f32 to vector<64x1xf32>
      %broadcast_in_dim3A_175 = vector.broadcast %jit3A_173 : f32 to vector<64x1xf32>
      %select_n3A_176 = arith.select %eq3A_171, %broadcast_in_dim3A_174, %broadcast_in_dim3A_175 : vector<64x1xi1>, vector<64x1xf32>
      %add3A_177 = arith.addf %add3A_149, %select_n3A_176 : vector<64x1xf32>
      %eq3A_178 = vector.broadcast %reduce_sum3A_169 : f32 to vector<64x1xf32>
      %eq3A_179 = arith.cmpf oeq, %convert_element_type3A_78, %eq3A_178 : vector<64x1xf32>
      %jit3A_180 = arith.constant 0xFF800000 : f32
      %broadcast_in_dim3A_181 = vector.broadcast %jit3A_180 : f32 to vector<64x1xf32>
      %select_n3A_182 = arith.select %eq3A_179, %broadcast_in_dim3A_181, %select_n3A_154 : vector<64x1xi1>, vector<64x1xf32>
      %reduce_max3A_183 = vector.shape_cast %select_n3A_182 : vector<64x1xf32> to vector<1x64x1xf32>
      %reduce_max3A_184 = arith.constant dense<0xFF800000> : vector<1xf32>
      %reduce_max3A_185 = vector.multi_reduction <maximumf>, %reduce_max3A_183, %reduce_max3A_184 [1, 2] : vector<1x64x1xf32> to vector<1xf32>
      %reduce_max3A_186 = vector.shape_cast %reduce_max3A_185 : vector<1xf32> to vector<1x1x1xf32>
      %reduce_max3A_187 = vector.extract %reduce_max3A_186[0, 0, 0] : f32 from vector<1x1x1xf32>
      %eq3A_188 = vector.broadcast %reduce_max3A_187 : f32 to vector<64x1xf32>
      %eq3A_189 = arith.cmpf oeq, %select_n3A_182, %eq3A_188 : vector<64x1xf32>
      %jit3A_190 = arith.constant 0.000000e+00 : f32
      %broadcast_in_dim3A_191 = vector.broadcast %jit3A_190 : f32 to vector<64x1xf32>
      %select_n3A_192 = arith.select %eq3A_189, %convert_element_type3A_78, %broadcast_in_dim3A_191 : vector<64x1xi1>, vector<64x1xf32>
      %reduce_sum3A_193 = vector.shape_cast %select_n3A_192 : vector<64x1xf32> to vector<1x64x1xf32>
      %reduce_sum3A_194 = arith.constant dense<0.000000e+00> : vector<1xf32>
      %reduce_sum3A_195 = vector.multi_reduction <add>, %reduce_sum3A_193, %reduce_sum3A_194 [1, 2] : vector<1x64x1xf32> to vector<1xf32>
      %reduce_sum3A_196 = vector.shape_cast %reduce_sum3A_195 : vector<1xf32> to vector<1x1x1xf32>
      %reduce_sum3A_197 = vector.extract %reduce_sum3A_196[0, 0, 0] : f32 from vector<1x1x1xf32>
      %eq3A_198 = vector.broadcast %reduce_sum3A_197 : f32 to vector<64x1xf32>
      %eq3A_199 = arith.cmpf oeq, %convert_element_type3A_78, %eq3A_198 : vector<64x1xf32>
      %jit3A_200 = arith.constant 1.000000e+00 : f32
      %jit3A_201 = arith.constant 0.000000e+00 : f32
      %broadcast_in_dim3A_202 = vector.broadcast %jit3A_200 : f32 to vector<64x1xf32>
      %broadcast_in_dim3A_203 = vector.broadcast %jit3A_201 : f32 to vector<64x1xf32>
      %select_n3A_204 = arith.select %eq3A_199, %broadcast_in_dim3A_202, %broadcast_in_dim3A_203 : vector<64x1xi1>, vector<64x1xf32>
      %add3A_205 = arith.addf %add3A_177, %select_n3A_204 : vector<64x1xf32>
      %eq3A_206 = vector.broadcast %reduce_sum3A_197 : f32 to vector<64x1xf32>
      %eq3A_207 = arith.cmpf oeq, %convert_element_type3A_78, %eq3A_206 : vector<64x1xf32>
      %jit3A_208 = arith.constant 0xFF800000 : f32
      %broadcast_in_dim3A_209 = vector.broadcast %jit3A_208 : f32 to vector<64x1xf32>
      %select_n3A_210 = arith.select %eq3A_207, %broadcast_in_dim3A_209, %select_n3A_182 : vector<64x1xi1>, vector<64x1xf32>
      %reduce_max3A_211 = vector.shape_cast %select_n3A_210 : vector<64x1xf32> to vector<1x64x1xf32>
      %reduce_max3A_212 = arith.constant dense<0xFF800000> : vector<1xf32>
      %reduce_max3A_213 = vector.multi_reduction <maximumf>, %reduce_max3A_211, %reduce_max3A_212 [1, 2] : vector<1x64x1xf32> to vector<1xf32>
      %reduce_max3A_214 = vector.shape_cast %reduce_max3A_213 : vector<1xf32> to vector<1x1x1xf32>
      %reduce_max3A_215 = vector.extract %reduce_max3A_214[0, 0, 0] : f32 from vector<1x1x1xf32>
      %eq3A_216 = vector.broadcast %reduce_max3A_215 : f32 to vector<64x1xf32>
      %eq3A_217 = arith.cmpf oeq, %select_n3A_210, %eq3A_216 : vector<64x1xf32>
      %jit3A_218 = arith.constant 0.000000e+00 : f32
      %broadcast_in_dim3A_219 = vector.broadcast %jit3A_218 : f32 to vector<64x1xf32>
      %select_n3A_220 = arith.select %eq3A_217, %convert_element_type3A_78, %broadcast_in_dim3A_219 : vector<64x1xi1>, vector<64x1xf32>
      %reduce_sum3A_221 = vector.shape_cast %select_n3A_220 : vector<64x1xf32> to vector<1x64x1xf32>
      %reduce_sum3A_222 = arith.constant dense<0.000000e+00> : vector<1xf32>
      %reduce_sum3A_223 = vector.multi_reduction <add>, %reduce_sum3A_221, %reduce_sum3A_222 [1, 2] : vector<1x64x1xf32> to vector<1xf32>
      %reduce_sum3A_224 = vector.shape_cast %reduce_sum3A_223 : vector<1xf32> to vector<1x1x1xf32>
      %reduce_sum3A_225 = vector.extract %reduce_sum3A_224[0, 0, 0] : f32 from vector<1x1x1xf32>
      %eq3A_226 = vector.broadcast %reduce_sum3A_225 : f32 to vector<64x1xf32>
      %eq3A_227 = arith.cmpf oeq, %convert_element_type3A_78, %eq3A_226 : vector<64x1xf32>
      %jit3A_228 = arith.constant 1.000000e+00 : f32
      %jit3A_229 = arith.constant 0.000000e+00 : f32
      %broadcast_in_dim3A_230 = vector.broadcast %jit3A_228 : f32 to vector<64x1xf32>
      %broadcast_in_dim3A_231 = vector.broadcast %jit3A_229 : f32 to vector<64x1xf32>
      %select_n3A_232 = arith.select %eq3A_227, %broadcast_in_dim3A_230, %broadcast_in_dim3A_231 : vector<64x1xi1>, vector<64x1xf32>
      %add3A_233 = arith.addf %add3A_205, %select_n3A_232 : vector<64x1xf32>
      %dot_general3A_234 = arith.constant dense<0.000000e+00> : vector<64x1xf32>
      %dot_general3A_235 = tpu.matmul %select_n3A_87, %add3A_233, %dot_general3A_234 {dimension_numbers = #tpu.dot_dimension_numbers<[1], [0], [0], [1], [0, 0, 1, 1], [], []>, transpose_lhs_hint = false} : vector<64x64xf32>, vector<64x1xf32>, vector<64x1xf32> -> vector<64x1xf32>
      %gt3A_236 = arith.constant 0.000000e+00 : f32
      %gt3A_237 = vector.broadcast %gt3A_236 : f32 to vector<64x1xf32>
      %gt3A_238 = arith.cmpf ogt, %add3A_233, %gt3A_237 : vector<64x1xf32>
      %eq3A_239 = vector.broadcast %dot_general3A_235 : vector<64x1xf32> to vector<64x5xf32>
      %eq3A_240 = arith.cmpf oeq, %eq3A_239, %convert_element_type3A_89 : vector<64x5xf32>
      %and3A_241 = vector.broadcast %gt3A_238 : vector<64x1xi1> to vector<64x5xi1>
      %and3A_242 = arith.andi %and3A_241, %eq3A_240 : vector<64x5xi1>
      %jit3A_243 = arith.constant 1.000000e+00 : f32
      %jit3A_244 = arith.constant 0.000000e+00 : f32
      %broadcast_in_dim3A_245 = vector.broadcast %jit3A_243 : f32 to vector<64x5xf32>
      %broadcast_in_dim3A_246 = vector.broadcast %jit3A_244 : f32 to vector<64x5xf32>
      %select_n3A_247 = arith.select %and3A_242, %broadcast_in_dim3A_245, %broadcast_in_dim3A_246 : vector<64x5xi1>, vector<64x5xf32>
      %get3A_248 = arith.constant 0 : index
      %get3A_249 = arith.constant 0 : index
      %get3A_250 = arith.constant 0 : index
      %get3A_251 = vector.load %arg11[%get3A_248, %get3A_249, %get3A_250] : memref<4x64x768xf32, #tpu.memory_space<vmem>>, vector<1x64x768xf32>
      %get3A_252 = vector.shape_cast %get3A_251 : vector<1x64x768xf32> to vector<64x768xf32>
      %get3A_253 = arith.constant 0 : index
      %get3A_254 = arith.constant 0 : index
      %get3A_255 = arith.constant 0 : index
      %get3A_256 = vector.load %arg12[%get3A_253, %get3A_254, %get3A_255] : memref<4x64x1xf32, #tpu.memory_space<vmem>>, vector<1x64x1xf32>
      %get3A_257 = vector.shape_cast %get3A_256 : vector<1x64x1xf32> to vector<64x1xf32>
      %div3A_258 = vector.broadcast %get3A_257 : vector<64x1xf32> to vector<64x768xf32>
      %div3A_259 = arith.divf %get3A_252, %div3A_258 : vector<64x768xf32>
      %dot_general3A_260 = arith.constant dense<0.000000e+00> : vector<5x768xf32>
      %dot_general3A_261 = tpu.matmul %select_n3A_247, %div3A_259, %dot_general3A_260 {dimension_numbers = #tpu.dot_dimension_numbers<[0], [0], [1], [1], [0, 1, 1, 1], [], []>, transpose_lhs_hint = false} : vector<64x5xf32>, vector<64x768xf32>, vector<5x768xf32> -> vector<5x768xf32>
      %swap3A_262 = arith.constant 0 : index
      %swap3A_263 = arith.constant 0 : index
      %swap3A_264 = arith.constant 0 : index
      %swap3A_265 = vector.load %arg5[%swap3A_262, %swap3A_263, %swap3A_264] : memref<4x5x768xf32, #tpu.memory_space<vmem>>, vector<1x5x768xf32>
      %swap3A_266 = vector.shape_cast %swap3A_265 : vector<1x5x768xf32> to vector<5x768xf32>
      %swap3A_267 = vector.shape_cast %dot_general3A_261 : vector<5x768xf32> to vector<1x5x768xf32>
      tpu.vector_store %arg5[%swap3A_262, %swap3A_263, %swap3A_264], %swap3A_267 {strides = array<i32>} : memref<4x5x768xf32, #tpu.memory_space<vmem>>, vector<1x5x768xf32>,
      %get3A_268 = arith.constant 1 : index
      %get3A_269 = arith.constant 0 : index
      %get3A_270 = arith.constant 0 : index
      %get3A_271 = vector.load %arg13[%get3A_268, %get3A_269, %get3A_270] : memref<4x64x1xf32, #tpu.memory_space<vmem>>, vector<1x64x1xf32>
      %get3A_272 = vector.shape_cast %get3A_271 : vector<1x64x1xf32> to vector<64x1xf32>
      %div3A_273 = arith.constant 8.192000e+03 : f32
      %div3A_274 = vector.broadcast %div3A_273 : f32 to vector<64x1xf32>
      %div3A_275 = arith.divf %get3A_272, %div3A_274 : vector<64x1xf32>
      %broadcast_in_dim3A_276 = arith.constant 0.000000e+00 : f32
      %broadcast_in_dim3A_277 = vector.broadcast %broadcast_in_dim3A_276 : f32 to vector<64x1xf32>
      %reduce_max3A_278 = vector.shape_cast %div3A_275 : vector<64x1xf32> to vector<1x64x1xf32>
      %reduce_max3A_279 = arith.constant dense<0xFF800000> : vector<1xf32>
      %reduce_max3A_280 = vector.multi_reduction <maximumf>, %reduce_max3A_278, %reduce_max3A_279 [1, 2] : vector<1x64x1xf32> to vector<1xf32>
      %reduce_max3A_281 = vector.shape_cast %reduce_max3A_280 : vector<1xf32> to vector<1x1x1xf32>
      %reduce_max3A_282 = vector.extract %reduce_max3A_281[0, 0, 0] : f32 from vector<1x1x1xf32>
      %eq3A_283 = vector.broadcast %reduce_max3A_282 : f32 to vector<64x1xf32>
      %eq3A_284 = arith.cmpf oeq, %div3A_275, %eq3A_283 : vector<64x1xf32>
      %jit3A_285 = arith.constant 0.000000e+00 : f32
      %broadcast_in_dim3A_286 = vector.broadcast %jit3A_285 : f32 to vector<64x1xf32>
      %select_n3A_287 = arith.select %eq3A_284, %convert_element_type3A_78, %broadcast_in_dim3A_286 : vector<64x1xi1>, vector<64x1xf32>
      %reduce_sum3A_288 = vector.shape_cast %select_n3A_287 : vector<64x1xf32> to vector<1x64x1xf32>
      %reduce_sum3A_289 = arith.constant dense<0.000000e+00> : vector<1xf32>
      %reduce_sum3A_290 = vector.multi_reduction <add>, %reduce_sum3A_288, %reduce_sum3A_289 [1, 2] : vector<1x64x1xf32> to vector<1xf32>
      %reduce_sum3A_291 = vector.shape_cast %reduce_sum3A_290 : vector<1xf32> to vector<1x1x1xf32>
      %reduce_sum3A_292 = vector.extract %reduce_sum3A_291[0, 0, 0] : f32 from vector<1x1x1xf32>
      %eq3A_293 = vector.broadcast %reduce_sum3A_292 : f32 to vector<64x1xf32>
      %eq3A_294 = arith.cmpf oeq, %convert_element_type3A_78, %eq3A_293 : vector<64x1xf32>
      %jit3A_295 = arith.constant 1.000000e+00 : f32
      %jit3A_296 = arith.constant 0.000000e+00 : f32
      %broadcast_in_dim3A_297 = vector.broadcast %jit3A_295 : f32 to vector<64x1xf32>
      %broadcast_in_dim3A_298 = vector.broadcast %jit3A_296 : f32 to vector<64x1xf32>
      %select_n3A_299 = arith.select %eq3A_294, %broadcast_in_dim3A_297, %broadcast_in_dim3A_298 : vector<64x1xi1>, vector<64x1xf32>
      %add3A_300 = arith.addf %broadcast_in_dim3A_277, %select_n3A_299 : vector<64x1xf32>
      %eq3A_301 = vector.broadcast %reduce_sum3A_292 : f32 to vector<64x1xf32>
      %eq3A_302 = arith.cmpf oeq, %convert_element_type3A_78, %eq3A_301 : vector<64x1xf32>
      %jit3A_303 = arith.constant 0xFF800000 : f32
      %broadcast_in_dim3A_304 = vector.broadcast %jit3A_303 : f32 to vector<64x1xf32>
      %select_n3A_305 = arith.select %eq3A_302, %broadcast_in_dim3A_304, %div3A_275 : vector<64x1xi1>, vector<64x1xf32>
      %reduce_max3A_306 = vector.shape_cast %select_n3A_305 : vector<64x1xf32> to vector<1x64x1xf32>
      %reduce_max3A_307 = arith.constant dense<0xFF800000> : vector<1xf32>
      %reduce_max3A_308 = vector.multi_reduction <maximumf>, %reduce_max3A_306, %reduce_max3A_307 [1, 2] : vector<1x64x1xf32> to vector<1xf32>
      %reduce_max3A_309 = vector.shape_cast %reduce_max3A_308 : vector<1xf32> to vector<1x1x1xf32>
      %reduce_max3A_310 = vector.extract %reduce_max3A_309[0, 0, 0] : f32 from vector<1x1x1xf32>
      %eq3A_311 = vector.broadcast %reduce_max3A_310 : f32 to vector<64x1xf32>
      %eq3A_312 = arith.cmpf oeq, %select_n3A_305, %eq3A_311 : vector<64x1xf32>
      %jit3A_313 = arith.constant 0.000000e+00 : f32
      %broadcast_in_dim3A_314 = vector.broadcast %jit3A_313 : f32 to vector<64x1xf32>
      %select_n3A_315 = arith.select %eq3A_312, %convert_element_type3A_78, %broadcast_in_dim3A_314 : vector<64x1xi1>, vector<64x1xf32>
      %reduce_sum3A_316 = vector.shape_cast %select_n3A_315 : vector<64x1xf32> to vector<1x64x1xf32>
      %reduce_sum3A_317 = arith.constant dense<0.000000e+00> : vector<1xf32>
      %reduce_sum3A_318 = vector.multi_reduction <add>, %reduce_sum3A_316, %reduce_sum3A_317 [1, 2] : vector<1x64x1xf32> to vector<1xf32>
      %reduce_sum3A_319 = vector.shape_cast %reduce_sum3A_318 : vector<1xf32> to vector<1x1x1xf32>
      %reduce_sum3A_320 = vector.extract %reduce_sum3A_319[0, 0, 0] : f32 from vector<1x1x1xf32>
      %eq3A_321 = vector.broadcast %reduce_sum3A_320 : f32 to vector<64x1xf32>
      %eq3A_322 = arith.cmpf oeq, %convert_element_type3A_78, %eq3A_321 : vector<64x1xf32>
      %jit3A_323 = arith.constant 1.000000e+00 : f32
      %jit3A_324 = arith.constant 0.000000e+00 : f32
      %broadcast_in_dim3A_325 = vector.broadcast %jit3A_323 : f32 to vector<64x1xf32>
      %broadcast_in_dim3A_326 = vector.broadcast %jit3A_324 : f32 to vector<64x1xf32>
      %select_n3A_327 = arith.select %eq3A_322, %broadcast_in_dim3A_325, %broadcast_in_dim3A_326 : vector<64x1xi1>, vector<64x1xf32>
      %add3A_328 = arith.addf %add3A_300, %select_n3A_327 : vector<64x1xf32>
      %eq3A_329 = vector.broadcast %reduce_sum3A_320 : f32 to vector<64x1xf32>
      %eq3A_330 = arith.cmpf oeq, %convert_element_type3A_78, %eq3A_329 : vector<64x1xf32>
      %jit3A_331 = arith.constant 0xFF800000 : f32
      %broadcast_in_dim3A_332 = vector.broadcast %jit3A_331 : f32 to vector<64x1xf32>
      %select_n3A_333 = arith.select %eq3A_330, %broadcast_in_dim3A_332, %select_n3A_305 : vector<64x1xi1>, vector<64x1xf32>
      %reduce_max3A_334 = vector.shape_cast %select_n3A_333 : vector<64x1xf32> to vector<1x64x1xf32>
      %reduce_max3A_335 = arith.constant dense<0xFF800000> : vector<1xf32>
      %reduce_max3A_336 = vector.multi_reduction <maximumf>, %reduce_max3A_334, %reduce_max3A_335 [1, 2] : vector<1x64x1xf32> to vector<1xf32>
      %reduce_max3A_337 = vector.shape_cast %reduce_max3A_336 : vector<1xf32> to vector<1x1x1xf32>
      %reduce_max3A_338 = vector.extract %reduce_max3A_337[0, 0, 0] : f32 from vector<1x1x1xf32>
      %eq3A_339 = vector.broadcast %reduce_max3A_338 : f32 to vector<64x1xf32>
      %eq3A_340 = arith.cmpf oeq, %select_n3A_333, %eq3A_339 : vector<64x1xf32>
      %jit3A_341 = arith.constant 0.000000e+00 : f32
      %broadcast_in_dim3A_342 = vector.broadcast %jit3A_341 : f32 to vector<64x1xf32>
      %select_n3A_343 = arith.select %eq3A_340, %convert_element_type3A_78, %broadcast_in_dim3A_342 : vector<64x1xi1>, vector<64x1xf32>
      %reduce_sum3A_344 = vector.shape_cast %select_n3A_343 : vector<64x1xf32> to vector<1x64x1xf32>
      %reduce_sum3A_345 = arith.constant dense<0.000000e+00> : vector<1xf32>
      %reduce_sum3A_346 = vector.multi_reduction <add>, %reduce_sum3A_344, %reduce_sum3A_345 [1, 2] : vector<1x64x1xf32> to vector<1xf32>
      %reduce_sum3A_347 = vector.shape_cast %reduce_sum3A_346 : vector<1xf32> to vector<1x1x1xf32>
      %reduce_sum3A_348 = vector.extract %reduce_sum3A_347[0, 0, 0] : f32 from vector<1x1x1xf32>
      %eq3A_349 = vector.broadcast %reduce_sum3A_348 : f32 to vector<64x1xf32>
      %eq3A_350 = arith.cmpf oeq, %convert_element_type3A_78, %eq3A_349 : vector<64x1xf32>
      %jit3A_351 = arith.constant 1.000000e+00 : f32
      %jit3A_352 = arith.constant 0.000000e+00 : f32
      %broadcast_in_dim3A_353 = vector.broadcast %jit3A_351 : f32 to vector<64x1xf32>
      %broadcast_in_dim3A_354 = vector.broadcast %jit3A_352 : f32 to vector<64x1xf32>
      %select_n3A_355 = arith.select %eq3A_350, %broadcast_in_dim3A_353, %broadcast_in_dim3A_354 : vector<64x1xi1>, vector<64x1xf32>
      %add3A_356 = arith.addf %add3A_328, %select_n3A_355 : vector<64x1xf32>
      %eq3A_357 = vector.broadcast %reduce_sum3A_348 : f32 to vector<64x1xf32>
      %eq3A_358 = arith.cmpf oeq, %convert_element_type3A_78, %eq3A_357 : vector<64x1xf32>
      %jit3A_359 = arith.constant 0xFF800000 : f32
      %broadcast_in_dim3A_360 = vector.broadcast %jit3A_359 : f32 to vector<64x1xf32>
      %select_n3A_361 = arith.select %eq3A_358, %broadcast_in_dim3A_360, %select_n3A_333 : vector<64x1xi1>, vector<64x1xf32>
      %reduce_max3A_362 = vector.shape_cast %select_n3A_361 : vector<64x1xf32> to vector<1x64x1xf32>
      %reduce_max3A_363 = arith.constant dense<0xFF800000> : vector<1xf32>
      %reduce_max3A_364 = vector.multi_reduction <maximumf>, %reduce_max3A_362, %reduce_max3A_363 [1, 2] : vector<1x64x1xf32> to vector<1xf32>
      %reduce_max3A_365 = vector.shape_cast %reduce_max3A_364 : vector<1xf32> to vector<1x1x1xf32>
      %reduce_max3A_366 = vector.extract %reduce_max3A_365[0, 0, 0] : f32 from vector<1x1x1xf32>
      %eq3A_367 = vector.broadcast %reduce_max3A_366 : f32 to vector<64x1xf32>
      %eq3A_368 = arith.cmpf oeq, %select_n3A_361, %eq3A_367 : vector<64x1xf32>
      %jit3A_369 = arith.constant 0.000000e+00 : f32
      %broadcast_in_dim3A_370 = vector.broadcast %jit3A_369 : f32 to vector<64x1xf32>
      %select_n3A_371 = arith.select %eq3A_368, %convert_element_type3A_78, %broadcast_in_dim3A_370 : vector<64x1xi1>, vector<64x1xf32>
      %reduce_sum3A_372 = vector.shape_cast %select_n3A_371 : vector<64x1xf32> to vector<1x64x1xf32>
      %reduce_sum3A_373 = arith.constant dense<0.000000e+00> : vector<1xf32>
      %reduce_sum3A_374 = vector.multi_reduction <add>, %reduce_sum3A_372, %reduce_sum3A_373 [1, 2] : vector<1x64x1xf32> to vector<1xf32>
      %reduce_sum3A_375 = vector.shape_cast %reduce_sum3A_374 : vector<1xf32> to vector<1x1x1xf32>
      %reduce_sum3A_376 = vector.extract %reduce_sum3A_375[0, 0, 0] : f32 from vector<1x1x1xf32>
      %eq3A_377 = vector.broadcast %reduce_sum3A_376 : f32 to vector<64x1xf32>
      %eq3A_378 = arith.cmpf oeq, %convert_element_type3A_78, %eq3A_377 : vector<64x1xf32>
      %jit3A_379 = arith.constant 1.000000e+00 : f32
      %jit3A_380 = arith.constant 0.000000e+00 : f32
      %broadcast_in_dim3A_381 = vector.broadcast %jit3A_379 : f32 to vector<64x1xf32>
      %broadcast_in_dim3A_382 = vector.broadcast %jit3A_380 : f32 to vector<64x1xf32>
      %select_n3A_383 = arith.select %eq3A_378, %broadcast_in_dim3A_381, %broadcast_in_dim3A_382 : vector<64x1xi1>, vector<64x1xf32>
      %add3A_384 = arith.addf %add3A_356, %select_n3A_383 : vector<64x1xf32>
      %eq3A_385 = vector.broadcast %reduce_sum3A_376 : f32 to vector<64x1xf32>
      %eq3A_386 = arith.cmpf oeq, %convert_element_type3A_78, %eq3A_385 : vector<64x1xf32>
      %jit3A_387 = arith.constant 0xFF800000 : f32
      %broadcast_in_dim3A_388 = vector.broadcast %jit3A_387 : f32 to vector<64x1xf32>
      %select_n3A_389 = arith.select %eq3A_386, %broadcast_in_dim3A_388, %select_n3A_361 : vector<64x1xi1>, vector<64x1xf32>
      %reduce_max3A_390 = vector.shape_cast %select_n3A_389 : vector<64x1xf32> to vector<1x64x1xf32>
      %reduce_max3A_391 = arith.constant dense<0xFF800000> : vector<1xf32>
      %reduce_max3A_392 = vector.multi_reduction <maximumf>, %reduce_max3A_390, %reduce_max3A_391 [1, 2] : vector<1x64x1xf32> to vector<1xf32>
      %reduce_max3A_393 = vector.shape_cast %reduce_max3A_392 : vector<1xf32> to vector<1x1x1xf32>
      %reduce_max3A_394 = vector.extract %reduce_max3A_393[0, 0, 0] : f32 from vector<1x1x1xf32>
      %eq3A_395 = vector.broadcast %reduce_max3A_394 : f32 to vector<64x1xf32>
      %eq3A_396 = arith.cmpf oeq, %select_n3A_389, %eq3A_395 : vector<64x1xf32>
      %jit3A_397 = arith.constant 0.000000e+00 : f32
      %broadcast_in_dim3A_398 = vector.broadcast %jit3A_397 : f32 to vector<64x1xf32>
      %select_n3A_399 = arith.select %eq3A_396, %convert_element_type3A_78, %broadcast_in_dim3A_398 : vector<64x1xi1>, vector<64x1xf32>
      %reduce_sum3A_400 = vector.shape_cast %select_n3A_399 : vector<64x1xf32> to vector<1x64x1xf32>
      %reduce_sum3A_401 = arith.constant dense<0.000000e+00> : vector<1xf32>
      %reduce_sum3A_402 = vector.multi_reduction <add>, %reduce_sum3A_400, %reduce_sum3A_401 [1, 2] : vector<1x64x1xf32> to vector<1xf32>
      %reduce_sum3A_403 = vector.shape_cast %reduce_sum3A_402 : vector<1xf32> to vector<1x1x1xf32>
      %reduce_sum3A_404 = vector.extract %reduce_sum3A_403[0, 0, 0] : f32 from vector<1x1x1xf32>
      %eq3A_405 = vector.broadcast %reduce_sum3A_404 : f32 to vector<64x1xf32>
      %eq3A_406 = arith.cmpf oeq, %convert_element_type3A_78, %eq3A_405 : vector<64x1xf32>
      %jit3A_407 = arith.constant 1.000000e+00 : f32
      %jit3A_408 = arith.constant 0.000000e+00 : f32
      %broadcast_in_dim3A_409 = vector.broadcast %jit3A_407 : f32 to vector<64x1xf32>
      %broadcast_in_dim3A_410 = vector.broadcast %jit3A_408 : f32 to vector<64x1xf32>
      %select_n3A_411 = arith.select %eq3A_406, %broadcast_in_dim3A_409, %broadcast_in_dim3A_410 : vector<64x1xi1>, vector<64x1xf32>
      %add3A_412 = arith.addf %add3A_384, %select_n3A_411 : vector<64x1xf32>
      %dot_general3A_413 = arith.constant dense<0.000000e+00> : vector<64x1xf32>
      %dot_general3A_414 = tpu.matmul %select_n3A_87, %add3A_412, %dot_general3A_413 {dimension_numbers = #tpu.dot_dimension_numbers<[1], [0], [0], [1], [0, 0, 1, 1], [], []>, transpose_lhs_hint = false} : vector<64x64xf32>, vector<64x1xf32>, vector<64x1xf32> -> vector<64x1xf32>
      %gt3A_415 = arith.constant 0.000000e+00 : f32
      %gt3A_416 = vector.broadcast %gt3A_415 : f32 to vector<64x1xf32>
      %gt3A_417 = arith.cmpf ogt, %add3A_412, %gt3A_416 : vector<64x1xf32>
      %eq3A_418 = vector.broadcast %dot_general3A_414 : vector<64x1xf32> to vector<64x5xf32>
      %eq3A_419 = arith.cmpf oeq, %eq3A_418, %convert_element_type3A_89 : vector<64x5xf32>
      %and3A_420 = vector.broadcast %gt3A_417 : vector<64x1xi1> to vector<64x5xi1>
      %and3A_421 = arith.andi %and3A_420, %eq3A_419 : vector<64x5xi1>
      %jit3A_422 = arith.constant 1.000000e+00 : f32
      %jit3A_423 = arith.constant 0.000000e+00 : f32
      %broadcast_in_dim3A_424 = vector.broadcast %jit3A_422 : f32 to vector<64x5xf32>
      %broadcast_in_dim3A_425 = vector.broadcast %jit3A_423 : f32 to vector<64x5xf32>
      %select_n3A_426 = arith.select %and3A_421, %broadcast_in_dim3A_424, %broadcast_in_dim3A_425 : vector<64x5xi1>, vector<64x5xf32>
      %get3A_427 = arith.constant 1 : index
      %get3A_428 = arith.constant 0 : index
      %get3A_429 = arith.constant 0 : index
      %get3A_430 = vector.load %arg11[%get3A_427, %get3A_428, %get3A_429] : memref<4x64x768xf32, #tpu.memory_space<vmem>>, vector<1x64x768xf32>
      %get3A_431 = vector.shape_cast %get3A_430 : vector<1x64x768xf32> to vector<64x768xf32>
      %get3A_432 = arith.constant 1 : index
      %get3A_433 = arith.constant 0 : index
      %get3A_434 = arith.constant 0 : index
      %get3A_435 = vector.load %arg12[%get3A_432, %get3A_433, %get3A_434] : memref<4x64x1xf32, #tpu.memory_space<vmem>>, vector<1x64x1xf32>
      %get3A_436 = vector.shape_cast %get3A_435 : vector<1x64x1xf32> to vector<64x1xf32>
      %div3A_437 = vector.broadcast %get3A_436 : vector<64x1xf32> to vector<64x768xf32>
      %div3A_438 = arith.divf %get3A_431, %div3A_437 : vector<64x768xf32>
      %dot_general3A_439 = arith.constant dense<0.000000e+00> : vector<5x768xf32>
      %dot_general3A_440 = tpu.matmul %select_n3A_426, %div3A_438, %dot_general3A_439 {dimension_numbers = #tpu.dot_dimension_numbers<[0], [0], [1], [1], [0, 1, 1, 1], [], []>, transpose_lhs_hint = false} : vector<64x5xf32>, vector<64x768xf32>, vector<5x768xf32> -> vector<5x768xf32>
      %swap3A_441 = arith.constant 1 : index
      %swap3A_442 = arith.constant 0 : index
      %swap3A_443 = arith.constant 0 : index
      %swap3A_444 = vector.load %arg5[%swap3A_441, %swap3A_442, %swap3A_443] : memref<4x5x768xf32, #tpu.memory_space<vmem>>, vector<1x5x768xf32>
      %swap3A_445 = vector.shape_cast %swap3A_444 : vector<1x5x768xf32> to vector<5x768xf32>
      %swap3A_446 = vector.shape_cast %dot_general3A_440 : vector<5x768xf32> to vector<1x5x768xf32>
      tpu.vector_store %arg5[%swap3A_441, %swap3A_442, %swap3A_443], %swap3A_446 {strides = array<i32>} : memref<4x5x768xf32, #tpu.memory_space<vmem>>, vector<1x5x768xf32>,
      %get3A_447 = arith.constant 2 : index
      %get3A_448 = arith.constant 0 : index
      %get3A_449 = arith.constant 0 : index
      %get3A_450 = vector.load %arg13[%get3A_447, %get3A_448, %get3A_449] : memref<4x64x1xf32, #tpu.memory_space<vmem>>, vector<1x64x1xf32>
      %get3A_451 = vector.shape_cast %get3A_450 : vector<1x64x1xf32> to vector<64x1xf32>
      %div3A_452 = arith.constant 8.192000e+03 : f32
      %div3A_453 = vector.broadcast %div3A_452 : f32 to vector<64x1xf32>
      %div3A_454 = arith.divf %get3A_451, %div3A_453 : vector<64x1xf32>
      %broadcast_in_dim3A_455 = arith.constant 0.000000e+00 : f32
      %broadcast_in_dim3A_456 = vector.broadcast %broadcast_in_dim3A_455 : f32 to vector<64x1xf32>
      %reduce_max3A_457 = vector.shape_cast %div3A_454 : vector<64x1xf32> to vector<1x64x1xf32>
      %reduce_max3A_458 = arith.constant dense<0xFF800000> : vector<1xf32>
      %reduce_max3A_459 = vector.multi_reduction <maximumf>, %reduce_max3A_457, %reduce_max3A_458 [1, 2] : vector<1x64x1xf32> to vector<1xf32>
      %reduce_max3A_460 = vector.shape_cast %reduce_max3A_459 : vector<1xf32> to vector<1x1x1xf32>
      %reduce_max3A_461 = vector.extract %reduce_max3A_460[0, 0, 0] : f32 from vector<1x1x1xf32>
      %eq3A_462 = vector.broadcast %reduce_max3A_461 : f32 to vector<64x1xf32>
      %eq3A_463 = arith.cmpf oeq, %div3A_454, %eq3A_462 : vector<64x1xf32>
      %jit3A_464 = arith.constant 0.000000e+00 : f32
      %broadcast_in_dim3A_465 = vector.broadcast %jit3A_464 : f32 to vector<64x1xf32>
      %select_n3A_466 = arith.select %eq3A_463, %convert_element_type3A_78, %broadcast_in_dim3A_465 : vector<64x1xi1>, vector<64x1xf32>
      %reduce_sum3A_467 = vector.shape_cast %select_n3A_466 : vector<64x1xf32> to vector<1x64x1xf32>
      %reduce_sum3A_468 = arith.constant dense<0.000000e+00> : vector<1xf32>
      %reduce_sum3A_469 = vector.multi_reduction <add>, %reduce_sum3A_467, %reduce_sum3A_468 [1, 2] : vector<1x64x1xf32> to vector<1xf32>
      %reduce_sum3A_470 = vector.shape_cast %reduce_sum3A_469 : vector<1xf32> to vector<1x1x1xf32>
      %reduce_sum3A_471 = vector.extract %reduce_sum3A_470[0, 0, 0] : f32 from vector<1x1x1xf32>
      %eq3A_472 = vector.broadcast %reduce_sum3A_471 : f32 to vector<64x1xf32>
      %eq3A_473 = arith.cmpf oeq, %convert_element_type3A_78, %eq3A_472 : vector<64x1xf32>
      %jit3A_474 = arith.constant 1.000000e+00 : f32
      %jit3A_475 = arith.constant 0.000000e+00 : f32
      %broadcast_in_dim3A_476 = vector.broadcast %jit3A_474 : f32 to vector<64x1xf32>
      %broadcast_in_dim3A_477 = vector.broadcast %jit3A_475 : f32 to vector<64x1xf32>
      %select_n3A_478 = arith.select %eq3A_473, %broadcast_in_dim3A_476, %broadcast_in_dim3A_477 : vector<64x1xi1>, vector<64x1xf32>
      %add3A_479 = arith.addf %broadcast_in_dim3A_456, %select_n3A_478 : vector<64x1xf32>
      %eq3A_480 = vector.broadcast %reduce_sum3A_471 : f32 to vector<64x1xf32>
      %eq3A_481 = arith.cmpf oeq, %convert_element_type3A_78, %eq3A_480 : vector<64x1xf32>
      %jit3A_482 = arith.constant 0xFF800000 : f32
      %broadcast_in_dim3A_483 = vector.broadcast %jit3A_482 : f32 to vector<64x1xf32>
      %select_n3A_484 = arith.select %eq3A_481, %broadcast_in_dim3A_483, %div3A_454 : vector<64x1xi1>, vector<64x1xf32>
      %reduce_max3A_485 = vector.shape_cast %select_n3A_484 : vector<64x1xf32> to vector<1x64x1xf32>
      %reduce_max3A_486 = arith.constant dense<0xFF800000> : vector<1xf32>
      %reduce_max3A_487 = vector.multi_reduction <maximumf>, %reduce_max3A_485, %reduce_max3A_486 [1, 2] : vector<1x64x1xf32> to vector<1xf32>
      %reduce_max3A_488 = vector.shape_cast %reduce_max3A_487 : vector<1xf32> to vector<1x1x1xf32>
      %reduce_max3A_489 = vector.extract %reduce_max3A_488[0, 0, 0] : f32 from vector<1x1x1xf32>
      %eq3A_490 = vector.broadcast %reduce_max3A_489 : f32 to vector<64x1xf32>
      %eq3A_491 = arith.cmpf oeq, %select_n3A_484, %eq3A_490 : vector<64x1xf32>
      %jit3A_492 = arith.constant 0.000000e+00 : f32
      %broadcast_in_dim3A_493 = vector.broadcast %jit3A_492 : f32 to vector<64x1xf32>
      %select_n3A_494 = arith.select %eq3A_491, %convert_element_type3A_78, %broadcast_in_dim3A_493 : vector<64x1xi1>, vector<64x1xf32>
      %reduce_sum3A_495 = vector.shape_cast %select_n3A_494 : vector<64x1xf32> to vector<1x64x1xf32>
      %reduce_sum3A_496 = arith.constant dense<0.000000e+00> : vector<1xf32>
      %reduce_sum3A_497 = vector.multi_reduction <add>, %reduce_sum3A_495, %reduce_sum3A_496 [1, 2] : vector<1x64x1xf32> to vector<1xf32>
      %reduce_sum3A_498 = vector.shape_cast %reduce_sum3A_497 : vector<1xf32> to vector<1x1x1xf32>
      %reduce_sum3A_499 = vector.extract %reduce_sum3A_498[0, 0, 0] : f32 from vector<1x1x1xf32>
      %eq3A_500 = vector.broadcast %reduce_sum3A_499 : f32 to vector<64x1xf32>
      %eq3A_501 = arith.cmpf oeq, %convert_element_type3A_78, %eq3A_500 : vector<64x1xf32>
      %jit3A_502 = arith.constant 1.000000e+00 : f32
      %jit3A_503 = arith.constant 0.000000e+00 : f32
      %broadcast_in_dim3A_504 = vector.broadcast %jit3A_502 : f32 to vector<64x1xf32>
      %broadcast_in_dim3A_505 = vector.broadcast %jit3A_503 : f32 to vector<64x1xf32>
      %select_n3A_506 = arith.select %eq3A_501, %broadcast_in_dim3A_504, %broadcast_in_dim3A_505 : vector<64x1xi1>, vector<64x1xf32>
      %add3A_507 = arith.addf %add3A_479, %select_n3A_506 : vector<64x1xf32>
      %eq3A_508 = vector.broadcast %reduce_sum3A_499 : f32 to vector<64x1xf32>
      %eq3A_509 = arith.cmpf oeq, %convert_element_type3A_78, %eq3A_508 : vector<64x1xf32>
      %jit3A_510 = arith.constant 0xFF800000 : f32
      %broadcast_in_dim3A_511 = vector.broadcast %jit3A_510 : f32 to vector<64x1xf32>
      %select_n3A_512 = arith.select %eq3A_509, %broadcast_in_dim3A_511, %select_n3A_484 : vector<64x1xi1>, vector<64x1xf32>
      %reduce_max3A_513 = vector.shape_cast %select_n3A_512 : vector<64x1xf32> to vector<1x64x1xf32>
      %reduce_max3A_514 = arith.constant dense<0xFF800000> : vector<1xf32>
      %reduce_max3A_515 = vector.multi_reduction <maximumf>, %reduce_max3A_513, %reduce_max3A_514 [1, 2] : vector<1x64x1xf32> to vector<1xf32>
      %reduce_max3A_516 = vector.shape_cast %reduce_max3A_515 : vector<1xf32> to vector<1x1x1xf32>
      %reduce_max3A_517 = vector.extract %reduce_max3A_516[0, 0, 0] : f32 from vector<1x1x1xf32>
      %eq3A_518 = vector.broadcast %reduce_max3A_517 : f32 to vector<64x1xf32>
      %eq3A_519 = arith.cmpf oeq, %select_n3A_512, %eq3A_518 : vector<64x1xf32>
      %jit3A_520 = arith.constant 0.000000e+00 : f32
      %broadcast_in_dim3A_521 = vector.broadcast %jit3A_520 : f32 to vector<64x1xf32>
      %select_n3A_522 = arith.select %eq3A_519, %convert_element_type3A_78, %broadcast_in_dim3A_521 : vector<64x1xi1>, vector<64x1xf32>
      %reduce_sum3A_523 = vector.shape_cast %select_n3A_522 : vector<64x1xf32> to vector<1x64x1xf32>
      %reduce_sum3A_524 = arith.constant dense<0.000000e+00> : vector<1xf32>
      %reduce_sum3A_525 = vector.multi_reduction <add>, %reduce_sum3A_523, %reduce_sum3A_524 [1, 2] : vector<1x64x1xf32> to vector<1xf32>
      %reduce_sum3A_526 = vector.shape_cast %reduce_sum3A_525 : vector<1xf32> to vector<1x1x1xf32>
      %reduce_sum3A_527 = vector.extract %reduce_sum3A_526[0, 0, 0] : f32 from vector<1x1x1xf32>
      %eq3A_528 = vector.broadcast %reduce_sum3A_527 : f32 to vector<64x1xf32>
      %eq3A_529 = arith.cmpf oeq, %convert_element_type3A_78, %eq3A_528 : vector<64x1xf32>
      %jit3A_530 = arith.constant 1.000000e+00 : f32
      %jit3A_531 = arith.constant 0.000000e+00 : f32
      %broadcast_in_dim3A_532 = vector.broadcast %jit3A_530 : f32 to vector<64x1xf32>
      %broadcast_in_dim3A_533 = vector.broadcast %jit3A_531 : f32 to vector<64x1xf32>
      %select_n3A_534 = arith.select %eq3A_529, %broadcast_in_dim3A_532, %broadcast_in_dim3A_533 : vector<64x1xi1>, vector<64x1xf32>
      %add3A_535 = arith.addf %add3A_507, %select_n3A_534 : vector<64x1xf32>
      %eq3A_536 = vector.broadcast %reduce_sum3A_527 : f32 to vector<64x1xf32>
      %eq3A_537 = arith.cmpf oeq, %convert_element_type3A_78, %eq3A_536 : vector<64x1xf32>
      %jit3A_538 = arith.constant 0xFF800000 : f32
      %broadcast_in_dim3A_539 = vector.broadcast %jit3A_538 : f32 to vector<64x1xf32>
      %select_n3A_540 = arith.select %eq3A_537, %broadcast_in_dim3A_539, %select_n3A_512 : vector<64x1xi1>, vector<64x1xf32>
      %reduce_max3A_541 = vector.shape_cast %select_n3A_540 : vector<64x1xf32> to vector<1x64x1xf32>
      %reduce_max3A_542 = arith.constant dense<0xFF800000> : vector<1xf32>
      %reduce_max3A_543 = vector.multi_reduction <maximumf>, %reduce_max3A_541, %reduce_max3A_542 [1, 2] : vector<1x64x1xf32> to vector<1xf32>
      %reduce_max3A_544 = vector.shape_cast %reduce_max3A_543 : vector<1xf32> to vector<1x1x1xf32>
      %reduce_max3A_545 = vector.extract %reduce_max3A_544[0, 0, 0] : f32 from vector<1x1x1xf32>
      %eq3A_546 = vector.broadcast %reduce_max3A_545 : f32 to vector<64x1xf32>
      %eq3A_547 = arith.cmpf oeq, %select_n3A_540, %eq3A_546 : vector<64x1xf32>
      %jit3A_548 = arith.constant 0.000000e+00 : f32
      %broadcast_in_dim3A_549 = vector.broadcast %jit3A_548 : f32 to vector<64x1xf32>
      %select_n3A_550 = arith.select %eq3A_547, %convert_element_type3A_78, %broadcast_in_dim3A_549 : vector<64x1xi1>, vector<64x1xf32>
      %reduce_sum3A_551 = vector.shape_cast %select_n3A_550 : vector<64x1xf32> to vector<1x64x1xf32>
      %reduce_sum3A_552 = arith.constant dense<0.000000e+00> : vector<1xf32>
      %reduce_sum3A_553 = vector.multi_reduction <add>, %reduce_sum3A_551, %reduce_sum3A_552 [1, 2] : vector<1x64x1xf32> to vector<1xf32>
      %reduce_sum3A_554 = vector.shape_cast %reduce_sum3A_553 : vector<1xf32> to vector<1x1x1xf32>
      %reduce_sum3A_555 = vector.extract %reduce_sum3A_554[0, 0, 0] : f32 from vector<1x1x1xf32>
      %eq3A_556 = vector.broadcast %reduce_sum3A_555 : f32 to vector<64x1xf32>
      %eq3A_557 = arith.cmpf oeq, %convert_element_type3A_78, %eq3A_556 : vector<64x1xf32>
      %jit3A_558 = arith.constant 1.000000e+00 : f32
      %jit3A_559 = arith.constant 0.000000e+00 : f32
      %broadcast_in_dim3A_560 = vector.broadcast %jit3A_558 : f32 to vector<64x1xf32>
      %broadcast_in_dim3A_561 = vector.broadcast %jit3A_559 : f32 to vector<64x1xf32>
      %select_n3A_562 = arith.select %eq3A_557, %broadcast_in_dim3A_560, %broadcast_in_dim3A_561 : vector<64x1xi1>, vector<64x1xf32>
      %add3A_563 = arith.addf %add3A_535, %select_n3A_562 : vector<64x1xf32>
      %eq3A_564 = vector.broadcast %reduce_sum3A_555 : f32 to vector<64x1xf32>
      %eq3A_565 = arith.cmpf oeq, %convert_element_type3A_78, %eq3A_564 : vector<64x1xf32>
      %jit3A_566 = arith.constant 0xFF800000 : f32
      %broadcast_in_dim3A_567 = vector.broadcast %jit3A_566 : f32 to vector<64x1xf32>
      %select_n3A_568 = arith.select %eq3A_565, %broadcast_in_dim3A_567, %select_n3A_540 : vector<64x1xi1>, vector<64x1xf32>
      %reduce_max3A_569 = vector.shape_cast %select_n3A_568 : vector<64x1xf32> to vector<1x64x1xf32>
      %reduce_max3A_570 = arith.constant dense<0xFF800000> : vector<1xf32>
      %reduce_max3A_571 = vector.multi_reduction <maximumf>, %reduce_max3A_569, %reduce_max3A_570 [1, 2] : vector<1x64x1xf32> to vector<1xf32>
      %reduce_max3A_572 = vector.shape_cast %reduce_max3A_571 : vector<1xf32> to vector<1x1x1xf32>
      %reduce_max3A_573 = vector.extract %reduce_max3A_572[0, 0, 0] : f32 from vector<1x1x1xf32>
      %eq3A_574 = vector.broadcast %reduce_max3A_573 : f32 to vector<64x1xf32>
      %eq3A_575 = arith.cmpf oeq, %select_n3A_568, %eq3A_574 : vector<64x1xf32>
      %jit3A_576 = arith.constant 0.000000e+00 : f32
      %broadcast_in_dim3A_577 = vector.broadcast %jit3A_576 : f32 to vector<64x1xf32>
      %select_n3A_578 = arith.select %eq3A_575, %convert_element_type3A_78, %broadcast_in_dim3A_577 : vector<64x1xi1>, vector<64x1xf32>
      %reduce_sum3A_579 = vector.shape_cast %select_n3A_578 : vector<64x1xf32> to vector<1x64x1xf32>
      %reduce_sum3A_580 = arith.constant dense<0.000000e+00> : vector<1xf32>
      %reduce_sum3A_581 = vector.multi_reduction <add>, %reduce_sum3A_579, %reduce_sum3A_580 [1, 2] : vector<1x64x1xf32> to vector<1xf32>
      %reduce_sum3A_582 = vector.shape_cast %reduce_sum3A_581 : vector<1xf32> to vector<1x1x1xf32>
      %reduce_sum3A_583 = vector.extract %reduce_sum3A_582[0, 0, 0] : f32 from vector<1x1x1xf32>
      %eq3A_584 = vector.broadcast %reduce_sum3A_583 : f32 to vector<64x1xf32>
      %eq3A_585 = arith.cmpf oeq, %convert_element_type3A_78, %eq3A_584 : vector<64x1xf32>
      %jit3A_586 = arith.constant 1.000000e+00 : f32
      %jit3A_587 = arith.constant 0.000000e+00 : f32
      %broadcast_in_dim3A_588 = vector.broadcast %jit3A_586 : f32 to vector<64x1xf32>
      %broadcast_in_dim3A_589 = vector.broadcast %jit3A_587 : f32 to vector<64x1xf32>
      %select_n3A_590 = arith.select %eq3A_585, %broadcast_in_dim3A_588, %broadcast_in_dim3A_589 : vector<64x1xi1>, vector<64x1xf32>
      %add3A_591 = arith.addf %add3A_563, %select_n3A_590 : vector<64x1xf32>
      %dot_general3A_592 = arith.constant dense<0.000000e+00> : vector<64x1xf32>
      %dot_general3A_593 = tpu.matmul %select_n3A_87, %add3A_591, %dot_general3A_592 {dimension_numbers = #tpu.dot_dimension_numbers<[1], [0], [0], [1], [0, 0, 1, 1], [], []>, transpose_lhs_hint = false} : vector<64x64xf32>, vector<64x1xf32>, vector<64x1xf32> -> vector<64x1xf32>
      %gt3A_594 = arith.constant 0.000000e+00 : f32
      %gt3A_595 = vector.broadcast %gt3A_594 : f32 to vector<64x1xf32>
      %gt3A_596 = arith.cmpf ogt, %add3A_591, %gt3A_595 : vector<64x1xf32>
      %eq3A_597 = vector.broadcast %dot_general3A_593 : vector<64x1xf32> to vector<64x5xf32>
      %eq3A_598 = arith.cmpf oeq, %eq3A_597, %convert_element_type3A_89 : vector<64x5xf32>
      %and3A_599 = vector.broadcast %gt3A_596 : vector<64x1xi1> to vector<64x5xi1>
      %and3A_600 = arith.andi %and3A_599, %eq3A_598 : vector<64x5xi1>
      %jit3A_601 = arith.constant 1.000000e+00 : f32
      %jit3A_602 = arith.constant 0.000000e+00 : f32
      %broadcast_in_dim3A_603 = vector.broadcast %jit3A_601 : f32 to vector<64x5xf32>
      %broadcast_in_dim3A_604 = vector.broadcast %jit3A_602 : f32 to vector<64x5xf32>
      %select_n3A_605 = arith.select %and3A_600, %broadcast_in_dim3A_603, %broadcast_in_dim3A_604 : vector<64x5xi1>, vector<64x5xf32>
      %get3A_606 = arith.constant 2 : index
      %get3A_607 = arith.constant 0 : index
      %get3A_608 = arith.constant 0 : index
      %get3A_609 = vector.load %arg11[%get3A_606, %get3A_607, %get3A_608] : memref<4x64x768xf32, #tpu.memory_space<vmem>>, vector<1x64x768xf32>
      %get3A_610 = vector.shape_cast %get3A_609 : vector<1x64x768xf32> to vector<64x768xf32>
      %get3A_611 = arith.constant 2 : index
      %get3A_612 = arith.constant 0 : index
      %get3A_613 = arith.constant 0 : index
      %get3A_614 = vector.load %arg12[%get3A_611, %get3A_612, %get3A_613] : memref<4x64x1xf32, #tpu.memory_space<vmem>>, vector<1x64x1xf32>
      %get3A_615 = vector.shape_cast %get3A_614 : vector<1x64x1xf32> to vector<64x1xf32>
      %div3A_616 = vector.broadcast %get3A_615 : vector<64x1xf32> to vector<64x768xf32>
      %div3A_617 = arith.divf %get3A_610, %div3A_616 : vector<64x768xf32>
      %dot_general3A_618 = arith.constant dense<0.000000e+00> : vector<5x768xf32>
      %dot_general3A_619 = tpu.matmul %select_n3A_605, %div3A_617, %dot_general3A_618 {dimension_numbers = #tpu.dot_dimension_numbers<[0], [0], [1], [1], [0, 1, 1, 1], [], []>, transpose_lhs_hint = false} : vector<64x5xf32>, vector<64x768xf32>, vector<5x768xf32> -> vector<5x768xf32>
      %swap3A_620 = arith.constant 2 : index
      %swap3A_621 = arith.constant 0 : index
      %swap3A_622 = arith.constant 0 : index
      %swap3A_623 = vector.load %arg5[%swap3A_620, %swap3A_621, %swap3A_622] : memref<4x5x768xf32, #tpu.memory_space<vmem>>, vector<1x5x768xf32>
      %swap3A_624 = vector.shape_cast %swap3A_623 : vector<1x5x768xf32> to vector<5x768xf32>
      %swap3A_625 = vector.shape_cast %dot_general3A_619 : vector<5x768xf32> to vector<1x5x768xf32>
      tpu.vector_store %arg5[%swap3A_620, %swap3A_621, %swap3A_622], %swap3A_625 {strides = array<i32>} : memref<4x5x768xf32, #tpu.memory_space<vmem>>, vector<1x5x768xf32>,
      %get3A_626 = arith.constant 3 : index
      %get3A_627 = arith.constant 0 : index
      %get3A_628 = arith.constant 0 : index
      %get3A_629 = vector.load %arg13[%get3A_626, %get3A_627, %get3A_628] : memref<4x64x1xf32, #tpu.memory_space<vmem>>, vector<1x64x1xf32>
      %get3A_630 = vector.shape_cast %get3A_629 : vector<1x64x1xf32> to vector<64x1xf32>
      %div3A_631 = arith.constant 8.192000e+03 : f32
      %div3A_632 = vector.broadcast %div3A_631 : f32 to vector<64x1xf32>
      %div3A_633 = arith.divf %get3A_630, %div3A_632 : vector<64x1xf32>
      %broadcast_in_dim3A_634 = arith.constant 0.000000e+00 : f32
      %broadcast_in_dim3A_635 = vector.broadcast %broadcast_in_dim3A_634 : f32 to vector<64x1xf32>
      %reduce_max3A_636 = vector.shape_cast %div3A_633 : vector<64x1xf32> to vector<1x64x1xf32>
      %reduce_max3A_637 = arith.constant dense<0xFF800000> : vector<1xf32>
      %reduce_max3A_638 = vector.multi_reduction <maximumf>, %reduce_max3A_636, %reduce_max3A_637 [1, 2] : vector<1x64x1xf32> to vector<1xf32>
      %reduce_max3A_639 = vector.shape_cast %reduce_max3A_638 : vector<1xf32> to vector<1x1x1xf32>
      %reduce_max3A_640 = vector.extract %reduce_max3A_639[0, 0, 0] : f32 from vector<1x1x1xf32>
      %eq3A_641 = vector.broadcast %reduce_max3A_640 : f32 to vector<64x1xf32>
      %eq3A_642 = arith.cmpf oeq, %div3A_633, %eq3A_641 : vector<64x1xf32>
      %jit3A_643 = arith.constant 0.000000e+00 : f32
      %broadcast_in_dim3A_644 = vector.broadcast %jit3A_643 : f32 to vector<64x1xf32>
      %select_n3A_645 = arith.select %eq3A_642, %convert_element_type3A_78, %broadcast_in_dim3A_644 : vector<64x1xi1>, vector<64x1xf32>
      %reduce_sum3A_646 = vector.shape_cast %select_n3A_645 : vector<64x1xf32> to vector<1x64x1xf32>
      %reduce_sum3A_647 = arith.constant dense<0.000000e+00> : vector<1xf32>
      %reduce_sum3A_648 = vector.multi_reduction <add>, %reduce_sum3A_646, %reduce_sum3A_647 [1, 2] : vector<1x64x1xf32> to vector<1xf32>
      %reduce_sum3A_649 = vector.shape_cast %reduce_sum3A_648 : vector<1xf32> to vector<1x1x1xf32>
      %reduce_sum3A_650 = vector.extract %reduce_sum3A_649[0, 0, 0] : f32 from vector<1x1x1xf32>
      %eq3A_651 = vector.broadcast %reduce_sum3A_650 : f32 to vector<64x1xf32>
      %eq3A_652 = arith.cmpf oeq, %convert_element_type3A_78, %eq3A_651 : vector<64x1xf32>
      %jit3A_653 = arith.constant 1.000000e+00 : f32
      %jit3A_654 = arith.constant 0.000000e+00 : f32
      %broadcast_in_dim3A_655 = vector.broadcast %jit3A_653 : f32 to vector<64x1xf32>
      %broadcast_in_dim3A_656 = vector.broadcast %jit3A_654 : f32 to vector<64x1xf32>
      %select_n3A_657 = arith.select %eq3A_652, %broadcast_in_dim3A_655, %broadcast_in_dim3A_656 : vector<64x1xi1>, vector<64x1xf32>
      %add3A_658 = arith.addf %broadcast_in_dim3A_635, %select_n3A_657 : vector<64x1xf32>
      %eq3A_659 = vector.broadcast %reduce_sum3A_650 : f32 to vector<64x1xf32>
      %eq3A_660 = arith.cmpf oeq, %convert_element_type3A_78, %eq3A_659 : vector<64x1xf32>
      %jit3A_661 = arith.constant 0xFF800000 : f32
      %broadcast_in_dim3A_662 = vector.broadcast %jit3A_661 : f32 to vector<64x1xf32>
      %select_n3A_663 = arith.select %eq3A_660, %broadcast_in_dim3A_662, %div3A_633 : vector<64x1xi1>, vector<64x1xf32>
      %reduce_max3A_664 = vector.shape_cast %select_n3A_663 : vector<64x1xf32> to vector<1x64x1xf32>
      %reduce_max3A_665 = arith.constant dense<0xFF800000> : vector<1xf32>
      %reduce_max3A_666 = vector.multi_reduction <maximumf>, %reduce_max3A_664, %reduce_max3A_665 [1, 2] : vector<1x64x1xf32> to vector<1xf32>
      %reduce_max3A_667 = vector.shape_cast %reduce_max3A_666 : vector<1xf32> to vector<1x1x1xf32>
      %reduce_max3A_668 = vector.extract %reduce_max3A_667[0, 0, 0] : f32 from vector<1x1x1xf32>
      %eq3A_669 = vector.broadcast %reduce_max3A_668 : f32 to vector<64x1xf32>
      %eq3A_670 = arith.cmpf oeq, %select_n3A_663, %eq3A_669 : vector<64x1xf32>
      %jit3A_671 = arith.constant 0.000000e+00 : f32
      %broadcast_in_dim3A_672 = vector.broadcast %jit3A_671 : f32 to vector<64x1xf32>
      %select_n3A_673 = arith.select %eq3A_670, %convert_element_type3A_78, %broadcast_in_dim3A_672 : vector<64x1xi1>, vector<64x1xf32>
      %reduce_sum3A_674 = vector.shape_cast %select_n3A_673 : vector<64x1xf32> to vector<1x64x1xf32>
      %reduce_sum3A_675 = arith.constant dense<0.000000e+00> : vector<1xf32>
      %reduce_sum3A_676 = vector.multi_reduction <add>, %reduce_sum3A_674, %reduce_sum3A_675 [1, 2] : vector<1x64x1xf32> to vector<1xf32>
      %reduce_sum3A_677 = vector.shape_cast %reduce_sum3A_676 : vector<1xf32> to vector<1x1x1xf32>
      %reduce_sum3A_678 = vector.extract %reduce_sum3A_677[0, 0, 0] : f32 from vector<1x1x1xf32>
      %eq3A_679 = vector.broadcast %reduce_sum3A_678 : f32 to vector<64x1xf32>
      %eq3A_680 = arith.cmpf oeq, %convert_element_type3A_78, %eq3A_679 : vector<64x1xf32>
      %jit3A_681 = arith.constant 1.000000e+00 : f32
      %jit3A_682 = arith.constant 0.000000e+00 : f32
      %broadcast_in_dim3A_683 = vector.broadcast %jit3A_681 : f32 to vector<64x1xf32>
      %broadcast_in_dim3A_684 = vector.broadcast %jit3A_682 : f32 to vector<64x1xf32>
      %select_n3A_685 = arith.select %eq3A_680, %broadcast_in_dim3A_683, %broadcast_in_dim3A_684 : vector<64x1xi1>, vector<64x1xf32>
      %add3A_686 = arith.addf %add3A_658, %select_n3A_685 : vector<64x1xf32>
      %eq3A_687 = vector.broadcast %reduce_sum3A_678 : f32 to vector<64x1xf32>
      %eq3A_688 = arith.cmpf oeq, %convert_element_type3A_78, %eq3A_687 : vector<64x1xf32>
      %jit3A_689 = arith.constant 0xFF800000 : f32
      %broadcast_in_dim3A_690 = vector.broadcast %jit3A_689 : f32 to vector<64x1xf32>
      %select_n3A_691 = arith.select %eq3A_688, %broadcast_in_dim3A_690, %select_n3A_663 : vector<64x1xi1>, vector<64x1xf32>
      %reduce_max3A_692 = vector.shape_cast %select_n3A_691 : vector<64x1xf32> to vector<1x64x1xf32>
      %reduce_max3A_693 = arith.constant dense<0xFF800000> : vector<1xf32>
      %reduce_max3A_694 = vector.multi_reduction <maximumf>, %reduce_max3A_692, %reduce_max3A_693 [1, 2] : vector<1x64x1xf32> to vector<1xf32>
      %reduce_max3A_695 = vector.shape_cast %reduce_max3A_694 : vector<1xf32> to vector<1x1x1xf32>
      %reduce_max3A_696 = vector.extract %reduce_max3A_695[0, 0, 0] : f32 from vector<1x1x1xf32>
      %eq3A_697 = vector.broadcast %reduce_max3A_696 : f32 to vector<64x1xf32>
      %eq3A_698 = arith.cmpf oeq, %select_n3A_691, %eq3A_697 : vector<64x1xf32>
      %jit3A_699 = arith.constant 0.000000e+00 : f32
      %broadcast_in_dim3A_700 = vector.broadcast %jit3A_699 : f32 to vector<64x1xf32>
      %select_n3A_701 = arith.select %eq3A_698, %convert_element_type3A_78, %broadcast_in_dim3A_700 : vector<64x1xi1>, vector<64x1xf32>
      %reduce_sum3A_702 = vector.shape_cast %select_n3A_701 : vector<64x1xf32> to vector<1x64x1xf32>
      %reduce_sum3A_703 = arith.constant dense<0.000000e+00> : vector<1xf32>
      %reduce_sum3A_704 = vector.multi_reduction <add>, %reduce_sum3A_702, %reduce_sum3A_703 [1, 2] : vector<1x64x1xf32> to vector<1xf32>
      %reduce_sum3A_705 = vector.shape_cast %reduce_sum3A_704 : vector<1xf32> to vector<1x1x1xf32>
      %reduce_sum3A_706 = vector.extract %reduce_sum3A_705[0, 0, 0] : f32 from vector<1x1x1xf32>
      %eq3A_707 = vector.broadcast %reduce_sum3A_706 : f32 to vector<64x1xf32>
      %eq3A_708 = arith.cmpf oeq, %convert_element_type3A_78, %eq3A_707 : vector<64x1xf32>
      %jit3A_709 = arith.constant 1.000000e+00 : f32
      %jit3A_710 = arith.constant 0.000000e+00 : f32
      %broadcast_in_dim3A_711 = vector.broadcast %jit3A_709 : f32 to vector<64x1xf32>
      %broadcast_in_dim3A_712 = vector.broadcast %jit3A_710 : f32 to vector<64x1xf32>
      %select_n3A_713 = arith.select %eq3A_708, %broadcast_in_dim3A_711, %broadcast_in_dim3A_712 : vector<64x1xi1>, vector<64x1xf32>
      %add3A_714 = arith.addf %add3A_686, %select_n3A_713 : vector<64x1xf32>
      %eq3A_715 = vector.broadcast %reduce_sum3A_706 : f32 to vector<64x1xf32>
      %eq3A_716 = arith.cmpf oeq, %convert_element_type3A_78, %eq3A_715 : vector<64x1xf32>
      %jit3A_717 = arith.constant 0xFF800000 : f32
      %broadcast_in_dim3A_718 = vector.broadcast %jit3A_717 : f32 to vector<64x1xf32>
      %select_n3A_719 = arith.select %eq3A_716, %broadcast_in_dim3A_718, %select_n3A_691 : vector<64x1xi1>, vector<64x1xf32>
      %reduce_max3A_720 = vector.shape_cast %select_n3A_719 : vector<64x1xf32> to vector<1x64x1xf32>
      %reduce_max3A_721 = arith.constant dense<0xFF800000> : vector<1xf32>
      %reduce_max3A_722 = vector.multi_reduction <maximumf>, %reduce_max3A_720, %reduce_max3A_721 [1, 2] : vector<1x64x1xf32> to vector<1xf32>
      %reduce_max3A_723 = vector.shape_cast %reduce_max3A_722 : vector<1xf32> to vector<1x1x1xf32>
      %reduce_max3A_724 = vector.extract %reduce_max3A_723[0, 0, 0] : f32 from vector<1x1x1xf32>
      %eq3A_725 = vector.broadcast %reduce_max3A_724 : f32 to vector<64x1xf32>
      %eq3A_726 = arith.cmpf oeq, %select_n3A_719, %eq3A_725 : vector<64x1xf32>
      %jit3A_727 = arith.constant 0.000000e+00 : f32
      %broadcast_in_dim3A_728 = vector.broadcast %jit3A_727 : f32 to vector<64x1xf32>
      %select_n3A_729 = arith.select %eq3A_726, %convert_element_type3A_78, %broadcast_in_dim3A_728 : vector<64x1xi1>, vector<64x1xf32>
      %reduce_sum3A_730 = vector.shape_cast %select_n3A_729 : vector<64x1xf32> to vector<1x64x1xf32>
      %reduce_sum3A_731 = arith.constant dense<0.000000e+00> : vector<1xf32>
      %reduce_sum3A_732 = vector.multi_reduction <add>, %reduce_sum3A_730, %reduce_sum3A_731 [1, 2] : vector<1x64x1xf32> to vector<1xf32>
      %reduce_sum3A_733 = vector.shape_cast %reduce_sum3A_732 : vector<1xf32> to vector<1x1x1xf32>
      %reduce_sum3A_734 = vector.extract %reduce_sum3A_733[0, 0, 0] : f32 from vector<1x1x1xf32>
      %eq3A_735 = vector.broadcast %reduce_sum3A_734 : f32 to vector<64x1xf32>
      %eq3A_736 = arith.cmpf oeq, %convert_element_type3A_78, %eq3A_735 : vector<64x1xf32>
      %jit3A_737 = arith.constant 1.000000e+00 : f32
      %jit3A_738 = arith.constant 0.000000e+00 : f32
      %broadcast_in_dim3A_739 = vector.broadcast %jit3A_737 : f32 to vector<64x1xf32>
      %broadcast_in_dim3A_740 = vector.broadcast %jit3A_738 : f32 to vector<64x1xf32>
      %select_n3A_741 = arith.select %eq3A_736, %broadcast_in_dim3A_739, %broadcast_in_dim3A_740 : vector<64x1xi1>, vector<64x1xf32>
      %add3A_742 = arith.addf %add3A_714, %select_n3A_741 : vector<64x1xf32>
      %eq3A_743 = vector.broadcast %reduce_sum3A_734 : f32 to vector<64x1xf32>
      %eq3A_744 = arith.cmpf oeq, %convert_element_type3A_78, %eq3A_743 : vector<64x1xf32>
      %jit3A_745 = arith.constant 0xFF800000 : f32
      %broadcast_in_dim3A_746 = vector.broadcast %jit3A_745 : f32 to vector<64x1xf32>
      %select_n3A_747 = arith.select %eq3A_744, %broadcast_in_dim3A_746, %select_n3A_719 : vector<64x1xi1>, vector<64x1xf32>
      %reduce_max3A_748 = vector.shape_cast %select_n3A_747 : vector<64x1xf32> to vector<1x64x1xf32>
      %reduce_max3A_749 = arith.constant dense<0xFF800000> : vector<1xf32>
      %reduce_max3A_750 = vector.multi_reduction <maximumf>, %reduce_max3A_748, %reduce_max3A_749 [1, 2] : vector<1x64x1xf32> to vector<1xf32>
      %reduce_max3A_751 = vector.shape_cast %reduce_max3A_750 : vector<1xf32> to vector<1x1x1xf32>
      %reduce_max3A_752 = vector.extract %reduce_max3A_751[0, 0, 0] : f32 from vector<1x1x1xf32>
      %eq3A_753 = vector.broadcast %reduce_max3A_752 : f32 to vector<64x1xf32>
      %eq3A_754 = arith.cmpf oeq, %select_n3A_747, %eq3A_753 : vector<64x1xf32>
      %jit3A_755 = arith.constant 0.000000e+00 : f32
      %broadcast_in_dim3A_756 = vector.broadcast %jit3A_755 : f32 to vector<64x1xf32>
      %select_n3A_757 = arith.select %eq3A_754, %convert_element_type3A_78, %broadcast_in_dim3A_756 : vector<64x1xi1>, vector<64x1xf32>
      %reduce_sum3A_758 = vector.shape_cast %select_n3A_757 : vector<64x1xf32> to vector<1x64x1xf32>
      %reduce_sum3A_759 = arith.constant dense<0.000000e+00> : vector<1xf32>
      %reduce_sum3A_760 = vector.multi_reduction <add>, %reduce_sum3A_758, %reduce_sum3A_759 [1, 2] : vector<1x64x1xf32> to vector<1xf32>
      %reduce_sum3A_761 = vector.shape_cast %reduce_sum3A_760 : vector<1xf32> to vector<1x1x1xf32>
      %reduce_sum3A_762 = vector.extract %reduce_sum3A_761[0, 0, 0] : f32 from vector<1x1x1xf32>
      %eq3A_763 = vector.broadcast %reduce_sum3A_762 : f32 to vector<64x1xf32>
      %eq3A_764 = arith.cmpf oeq, %convert_element_type3A_78, %eq3A_763 : vector<64x1xf32>
      %jit3A_765 = arith.constant 1.000000e+00 : f32
      %jit3A_766 = arith.constant 0.000000e+00 : f32
      %broadcast_in_dim3A_767 = vector.broadcast %jit3A_765 : f32 to vector<64x1xf32>
      %broadcast_in_dim3A_768 = vector.broadcast %jit3A_766 : f32 to vector<64x1xf32>
      %select_n3A_769 = arith.select %eq3A_764, %broadcast_in_dim3A_767, %broadcast_in_dim3A_768 : vector<64x1xi1>, vector<64x1xf32>
      %add3A_770 = arith.addf %add3A_742, %select_n3A_769 : vector<64x1xf32>
      %dot_general3A_771 = arith.constant dense<0.000000e+00> : vector<64x1xf32>
      %dot_general3A_772 = tpu.matmul %select_n3A_87, %add3A_770, %dot_general3A_771 {dimension_numbers = #tpu.dot_dimension_numbers<[1], [0], [0], [1], [0, 0, 1, 1], [], []>, transpose_lhs_hint = false} : vector<64x64xf32>, vector<64x1xf32>, vector<64x1xf32> -> vector<64x1xf32>
      %gt3A_773 = arith.constant 0.000000e+00 : f32
      %gt3A_774 = vector.broadcast %gt3A_773 : f32 to vector<64x1xf32>
      %gt3A_775 = arith.cmpf ogt, %add3A_770, %gt3A_774 : vector<64x1xf32>
      %eq3A_776 = vector.broadcast %dot_general3A_772 : vector<64x1xf32> to vector<64x5xf32>
      %eq3A_777 = arith.cmpf oeq, %eq3A_776, %convert_element_type3A_89 : vector<64x5xf32>
      %and3A_778 = vector.broadcast %gt3A_775 : vector<64x1xi1> to vector<64x5xi1>
      %and3A_779 = arith.andi %and3A_778, %eq3A_777 : vector<64x5xi1>
      %jit3A_780 = arith.constant 1.000000e+00 : f32
      %jit3A_781 = arith.constant 0.000000e+00 : f32
      %broadcast_in_dim3A_782 = vector.broadcast %jit3A_780 : f32 to vector<64x5xf32>
      %broadcast_in_dim3A_783 = vector.broadcast %jit3A_781 : f32 to vector<64x5xf32>
      %select_n3A_784 = arith.select %and3A_779, %broadcast_in_dim3A_782, %broadcast_in_dim3A_783 : vector<64x5xi1>, vector<64x5xf32>
      %get3A_785 = arith.constant 3 : index
      %get3A_786 = arith.constant 0 : index
      %get3A_787 = arith.constant 0 : index
      %get3A_788 = vector.load %arg11[%get3A_785, %get3A_786, %get3A_787] : memref<4x64x768xf32, #tpu.memory_space<vmem>>, vector<1x64x768xf32>
      %get3A_789 = vector.shape_cast %get3A_788 : vector<1x64x768xf32> to vector<64x768xf32>
      %get3A_790 = arith.constant 3 : index
      %get3A_791 = arith.constant 0 : index
      %get3A_792 = arith.constant 0 : index
      %get3A_793 = vector.load %arg12[%get3A_790, %get3A_791, %get3A_792] : memref<4x64x1xf32, #tpu.memory_space<vmem>>, vector<1x64x1xf32>
      %get3A_794 = vector.shape_cast %get3A_793 : vector<1x64x1xf32> to vector<64x1xf32>
      %div3A_795 = vector.broadcast %get3A_794 : vector<64x1xf32> to vector<64x768xf32>
      %div3A_796 = arith.divf %get3A_789, %div3A_795 : vector<64x768xf32>
      %dot_general3A_797 = arith.constant dense<0.000000e+00> : vector<5x768xf32>
      %dot_general3A_798 = tpu.matmul %select_n3A_784, %div3A_796, %dot_general3A_797 {dimension_numbers = #tpu.dot_dimension_numbers<[0], [0], [1], [1], [0, 1, 1, 1], [], []>, transpose_lhs_hint = false} : vector<64x5xf32>, vector<64x768xf32>, vector<5x768xf32> -> vector<5x768xf32>
      %swap3A_799 = arith.constant 3 : index
      %swap3A_800 = arith.constant 0 : index
      %swap3A_801 = arith.constant 0 : index
      %swap3A_802 = vector.load %arg5[%swap3A_799, %swap3A_800, %swap3A_801] : memref<4x5x768xf32, #tpu.memory_space<vmem>>, vector<1x5x768xf32>
      %swap3A_803 = vector.shape_cast %swap3A_802 : vector<1x5x768xf32> to vector<5x768xf32>
      %swap3A_804 = vector.shape_cast %dot_general3A_798 : vector<5x768xf32> to vector<1x5x768xf32>
      tpu.vector_store %arg5[%swap3A_799, %swap3A_800, %swap3A_801], %swap3A_804 {strides = array<i32>} : memref<4x5x768xf32, #tpu.memory_space<vmem>>, vector<1x5x768xf32>,
      %get3A_805 = arith.constant 0 : index
      %get3A_806 = arith.constant 0 : index
      %get3A_807 = vector.load %arg14[%get3A_805, %get3A_806] : memref<16x2048xf32, #tpu.memory_space<vmem>>, vector<1x2048xf32>
      %get3A_808 = arith.constant 1 : index
      %get3A_809 = arith.constant 0 : index
      %get3A_810 = vector.load %arg14[%get3A_808, %get3A_809] : memref<16x2048xf32, #tpu.memory_space<vmem>>, vector<1x2048xf32>
      %get3A_811 = arith.constant 2 : index
      %get3A_812 = arith.constant 0 : index
      %get3A_813 = vector.load %arg14[%get3A_811, %get3A_812] : memref<16x2048xf32, #tpu.memory_space<vmem>>, vector<1x2048xf32>
      %get3A_814 = arith.constant 3 : index
      %get3A_815 = arith.constant 0 : index
      %get3A_816 = vector.load %arg14[%get3A_814, %get3A_815] : memref<16x2048xf32, #tpu.memory_space<vmem>>, vector<1x2048xf32>
      %concatenate3A = tpu.concatenate %get3A_807, %get3A_810, %get3A_813, %get3A_816 in 1 : vector<1x2048xf32>, vector<1x2048xf32>, vector<1x2048xf32>, vector<1x2048xf32> -> vector<1x8192xf32>
      %get3A_817 = arith.constant 4 : index
      %get3A_818 = arith.constant 0 : index
      %get3A_819 = vector.load %arg14[%get3A_817, %get3A_818] : memref<16x2048xf32, #tpu.memory_space<vmem>>, vector<1x2048xf32>
      %get3A_820 = arith.constant 5 : index
      %get3A_821 = arith.constant 0 : index
      %get3A_822 = vector.load %arg14[%get3A_820, %get3A_821] : memref<16x2048xf32, #tpu.memory_space<vmem>>, vector<1x2048xf32>
      %get3A_823 = arith.constant 6 : index
      %get3A_824 = arith.constant 0 : index
      %get3A_825 = vector.load %arg14[%get3A_823, %get3A_824] : memref<16x2048xf32, #tpu.memory_space<vmem>>, vector<1x2048xf32>
      %get3A_826 = arith.constant 7 : index
      %get3A_827 = arith.constant 0 : index
      %get3A_828 = vector.load %arg14[%get3A_826, %get3A_827] : memref<16x2048xf32, #tpu.memory_space<vmem>>, vector<1x2048xf32>
      %concatenate3A_829 = tpu.concatenate %get3A_819, %get3A_822, %get3A_825, %get3A_828 in 1 : vector<1x2048xf32>, vector<1x2048xf32>, vector<1x2048xf32>, vector<1x2048xf32> -> vector<1x8192xf32>
      %get3A_830 = arith.constant 8 : index
      %get3A_831 = arith.constant 0 : index
      %get3A_832 = vector.load %arg14[%get3A_830, %get3A_831] : memref<16x2048xf32, #tpu.memory_space<vmem>>, vector<1x2048xf32>
      %get3A_833 = arith.constant 9 : index
      %get3A_834 = arith.constant 0 : index
      %get3A_835 = vector.load %arg14[%get3A_833, %get3A_834] : memref<16x2048xf32, #tpu.memory_space<vmem>>, vector<1x2048xf32>
      %get3A_836 = arith.constant 10 : index
      %get3A_837 = arith.constant 0 : index
      %get3A_838 = vector.load %arg14[%get3A_836, %get3A_837] : memref<16x2048xf32, #tpu.memory_space<vmem>>, vector<1x2048xf32>
      %get3A_839 = arith.constant 11 : index
      %get3A_840 = arith.constant 0 : index
      %get3A_841 = vector.load %arg14[%get3A_839, %get3A_840] : memref<16x2048xf32, #tpu.memory_space<vmem>>, vector<1x2048xf32>
      %concatenate3A_842 = tpu.concatenate %get3A_832, %get3A_835, %get3A_838, %get3A_841 in 1 : vector<1x2048xf32>, vector<1x2048xf32>, vector<1x2048xf32>, vector<1x2048xf32> -> vector<1x8192xf32>
      %get3A_843 = arith.constant 12 : index
      %get3A_844 = arith.constant 0 : index
      %get3A_845 = vector.load %arg14[%get3A_843, %get3A_844] : memref<16x2048xf32, #tpu.memory_space<vmem>>, vector<1x2048xf32>
      %get3A_846 = arith.constant 13 : index
      %get3A_847 = arith.constant 0 : index
      %get3A_848 = vector.load %arg14[%get3A_846, %get3A_847] : memref<16x2048xf32, #tpu.memory_space<vmem>>, vector<1x2048xf32>
      %get3A_849 = arith.constant 14 : index
      %get3A_850 = arith.constant 0 : index
      %get3A_851 = vector.load %arg14[%get3A_849, %get3A_850] : memref<16x2048xf32, #tpu.memory_space<vmem>>, vector<1x2048xf32>
      %get3A_852 = arith.constant 15 : index
      %get3A_853 = arith.constant 0 : index
      %get3A_854 = vector.load %arg14[%get3A_852, %get3A_853] : memref<16x2048xf32, #tpu.memory_space<vmem>>, vector<1x2048xf32>
      %concatenate3A_855 = tpu.concatenate %get3A_845, %get3A_848, %get3A_851, %get3A_854 in 1 : vector<1x2048xf32>, vector<1x2048xf32>, vector<1x2048xf32>, vector<1x2048xf32> -> vector<1x8192xf32>
      %concatenate3A_856 = tpu.concatenate %concatenate3A, %concatenate3A_829, %concatenate3A_842, %concatenate3A_855 in 0 : vector<1x8192xf32>, vector<1x8192xf32>, vector<1x8192xf32>, vector<1x8192xf32> -> vector<4x8192xf32>
      %broadcast_in_dim3A_857 = arith.constant -1.500000e+00 : f32
      %broadcast_in_dim3A_858 = vector.broadcast %broadcast_in_dim3A_857 : f32 to vector<4x1xf32>
      %broadcast_in_dim3A_859 = arith.constant 1.500000e+00 : f32
      %broadcast_in_dim3A_860 = vector.broadcast %broadcast_in_dim3A_859 : f32 to vector<4x1xf32>
      %add3A_861 = arith.addf %broadcast_in_dim3A_858, %broadcast_in_dim3A_860 : vector<4x1xf32>
      %mul3A_862 = arith.constant 5.000000e-01 : f32
      %mul3A_863 = vector.broadcast %mul3A_862 : f32 to vector<4x1xf32>
      %mul3A_864 = arith.mulf %mul3A_863, %add3A_861 : vector<4x1xf32>
      %ge3A = vector.broadcast %mul3A_864 : vector<4x1xf32> to vector<4x8192xf32>
      %ge3A_865 = arith.cmpf oge, %concatenate3A_856, %ge3A : vector<4x8192xf32>
      %jit3A_866 = arith.constant 1.000000e+00 : f32
      %jit3A_867 = arith.constant 0.000000e+00 : f32
      %broadcast_in_dim3A_868 = vector.broadcast %jit3A_866 : f32 to vector<4x8192xf32>
      %broadcast_in_dim3A_869 = vector.broadcast %jit3A_867 : f32 to vector<4x8192xf32>
      %select_n3A_870 = arith.select %ge3A_865, %broadcast_in_dim3A_868, %broadcast_in_dim3A_869 : vector<4x8192xi1>, vector<4x8192xf32>
      %reduce_sum3A_871 = arith.constant dense<0.000000e+00> : vector<4xf32>
      %reduce_sum3A_872 = vector.multi_reduction <add>, %select_n3A_870, %reduce_sum3A_871 [1] : vector<4x8192xf32> to vector<4xf32>
      %broadcast_in_dim3A_873 = vector.shape_cast %reduce_sum3A_872 : vector<4xf32> to vector<4x1xf32>
      %ge3A_874 = arith.constant 3.200000e+01 : f32
      %ge3A_875 = vector.broadcast %ge3A_874 : f32 to vector<4x1xf32>
      %ge3A_876 = arith.cmpf oge, %broadcast_in_dim3A_873, %ge3A_875 : vector<4x1xf32>
      %select_n3A_877 = arith.select %ge3A_876, %mul3A_864, %broadcast_in_dim3A_858 : vector<4x1xi1>, vector<4x1xf32>
      %select_n3A_878 = arith.select %ge3A_876, %broadcast_in_dim3A_860, %mul3A_864 : vector<4x1xi1>, vector<4x1xf32>
      %add3A_879 = arith.addf %select_n3A_877, %select_n3A_878 : vector<4x1xf32>
      %mul3A_880 = arith.constant 5.000000e-01 : f32
      %mul3A_881 = vector.broadcast %mul3A_880 : f32 to vector<4x1xf32>
      %mul3A_882 = arith.mulf %mul3A_881, %add3A_879 : vector<4x1xf32>
      %ge3A_883 = vector.broadcast %mul3A_882 : vector<4x1xf32> to vector<4x8192xf32>
      %ge3A_884 = arith.cmpf oge, %concatenate3A_856, %ge3A_883 : vector<4x8192xf32>
      %jit3A_885 = arith.constant 1.000000e+00 : f32
      %jit3A_886 = arith.constant 0.000000e+00 : f32
      %broadcast_in_dim3A_887 = vector.broadcast %jit3A_885 : f32 to vector<4x8192xf32>
      %broadcast_in_dim3A_888 = vector.broadcast %jit3A_886 : f32 to vector<4x8192xf32>
      %select_n3A_889 = arith.select %ge3A_884, %broadcast_in_dim3A_887, %broadcast_in_dim3A_888 : vector<4x8192xi1>, vector<4x8192xf32>
      %reduce_sum3A_890 = arith.constant dense<0.000000e+00> : vector<4xf32>
      %reduce_sum3A_891 = vector.multi_reduction <add>, %select_n3A_889, %reduce_sum3A_890 [1] : vector<4x8192xf32> to vector<4xf32>
      %broadcast_in_dim3A_892 = vector.shape_cast %reduce_sum3A_891 : vector<4xf32> to vector<4x1xf32>
      %ge3A_893 = arith.constant 3.200000e+01 : f32
      %ge3A_894 = vector.broadcast %ge3A_893 : f32 to vector<4x1xf32>
      %ge3A_895 = arith.cmpf oge, %broadcast_in_dim3A_892, %ge3A_894 : vector<4x1xf32>
      %select_n3A_896 = arith.select %ge3A_895, %mul3A_882, %select_n3A_877 : vector<4x1xi1>, vector<4x1xf32>
      %select_n3A_897 = arith.select %ge3A_895, %select_n3A_878, %mul3A_882 : vector<4x1xi1>, vector<4x1xf32>
      %add3A_898 = arith.addf %select_n3A_896, %select_n3A_897 : vector<4x1xf32>
      %mul3A_899 = arith.constant 5.000000e-01 : f32
      %mul3A_900 = vector.broadcast %mul3A_899 : f32 to vector<4x1xf32>
      %mul3A_901 = arith.mulf %mul3A_900, %add3A_898 : vector<4x1xf32>
      %ge3A_902 = vector.broadcast %mul3A_901 : vector<4x1xf32> to vector<4x8192xf32>
      %ge3A_903 = arith.cmpf oge, %concatenate3A_856, %ge3A_902 : vector<4x8192xf32>
      %jit3A_904 = arith.constant 1.000000e+00 : f32
      %jit3A_905 = arith.constant 0.000000e+00 : f32
      %broadcast_in_dim3A_906 = vector.broadcast %jit3A_904 : f32 to vector<4x8192xf32>
      %broadcast_in_dim3A_907 = vector.broadcast %jit3A_905 : f32 to vector<4x8192xf32>
      %select_n3A_908 = arith.select %ge3A_903, %broadcast_in_dim3A_906, %broadcast_in_dim3A_907 : vector<4x8192xi1>, vector<4x8192xf32>
      %reduce_sum3A_909 = arith.constant dense<0.000000e+00> : vector<4xf32>
      %reduce_sum3A_910 = vector.multi_reduction <add>, %select_n3A_908, %reduce_sum3A_909 [1] : vector<4x8192xf32> to vector<4xf32>
      %broadcast_in_dim3A_911 = vector.shape_cast %reduce_sum3A_910 : vector<4xf32> to vector<4x1xf32>
      %ge3A_912 = arith.constant 3.200000e+01 : f32
      %ge3A_913 = vector.broadcast %ge3A_912 : f32 to vector<4x1xf32>
      %ge3A_914 = arith.cmpf oge, %broadcast_in_dim3A_911, %ge3A_913 : vector<4x1xf32>
      %select_n3A_915 = arith.select %ge3A_914, %mul3A_901, %select_n3A_896 : vector<4x1xi1>, vector<4x1xf32>
      %select_n3A_916 = arith.select %ge3A_914, %select_n3A_897, %mul3A_901 : vector<4x1xi1>, vector<4x1xf32>
      %add3A_917 = arith.addf %select_n3A_915, %select_n3A_916 : vector<4x1xf32>
      %mul3A_918 = arith.constant 5.000000e-01 : f32
      %mul3A_919 = vector.broadcast %mul3A_918 : f32 to vector<4x1xf32>
      %mul3A_920 = arith.mulf %mul3A_919, %add3A_917 : vector<4x1xf32>
      %ge3A_921 = vector.broadcast %mul3A_920 : vector<4x1xf32> to vector<4x8192xf32>
      %ge3A_922 = arith.cmpf oge, %concatenate3A_856, %ge3A_921 : vector<4x8192xf32>
      %jit3A_923 = arith.constant 1.000000e+00 : f32
      %jit3A_924 = arith.constant 0.000000e+00 : f32
      %broadcast_in_dim3A_925 = vector.broadcast %jit3A_923 : f32 to vector<4x8192xf32>
      %broadcast_in_dim3A_926 = vector.broadcast %jit3A_924 : f32 to vector<4x8192xf32>
      %select_n3A_927 = arith.select %ge3A_922, %broadcast_in_dim3A_925, %broadcast_in_dim3A_926 : vector<4x8192xi1>, vector<4x8192xf32>
      %reduce_sum3A_928 = arith.constant dense<0.000000e+00> : vector<4xf32>
      %reduce_sum3A_929 = vector.multi_reduction <add>, %select_n3A_927, %reduce_sum3A_928 [1] : vector<4x8192xf32> to vector<4xf32>
      %broadcast_in_dim3A_930 = vector.shape_cast %reduce_sum3A_929 : vector<4xf32> to vector<4x1xf32>
      %ge3A_931 = arith.constant 3.200000e+01 : f32
      %ge3A_932 = vector.broadcast %ge3A_931 : f32 to vector<4x1xf32>
      %ge3A_933 = arith.cmpf oge, %broadcast_in_dim3A_930, %ge3A_932 : vector<4x1xf32>
      %select_n3A_934 = arith.select %ge3A_933, %mul3A_920, %select_n3A_915 : vector<4x1xi1>, vector<4x1xf32>
      %select_n3A_935 = arith.select %ge3A_933, %select_n3A_916, %mul3A_920 : vector<4x1xi1>, vector<4x1xf32>
      %add3A_936 = arith.addf %select_n3A_934, %select_n3A_935 : vector<4x1xf32>
      %mul3A_937 = arith.constant 5.000000e-01 : f32
      %mul3A_938 = vector.broadcast %mul3A_937 : f32 to vector<4x1xf32>
      %mul3A_939 = arith.mulf %mul3A_938, %add3A_936 : vector<4x1xf32>
      %ge3A_940 = vector.broadcast %mul3A_939 : vector<4x1xf32> to vector<4x8192xf32>
      %ge3A_941 = arith.cmpf oge, %concatenate3A_856, %ge3A_940 : vector<4x8192xf32>
      %jit3A_942 = arith.constant 1.000000e+00 : f32
      %jit3A_943 = arith.constant 0.000000e+00 : f32
      %broadcast_in_dim3A_944 = vector.broadcast %jit3A_942 : f32 to vector<4x8192xf32>
      %broadcast_in_dim3A_945 = vector.broadcast %jit3A_943 : f32 to vector<4x8192xf32>
      %select_n3A_946 = arith.select %ge3A_941, %broadcast_in_dim3A_944, %broadcast_in_dim3A_945 : vector<4x8192xi1>, vector<4x8192xf32>
      %reduce_sum3A_947 = arith.constant dense<0.000000e+00> : vector<4xf32>
      %reduce_sum3A_948 = vector.multi_reduction <add>, %select_n3A_946, %reduce_sum3A_947 [1] : vector<4x8192xf32> to vector<4xf32>
      %broadcast_in_dim3A_949 = vector.shape_cast %reduce_sum3A_948 : vector<4xf32> to vector<4x1xf32>
      %ge3A_950 = arith.constant 3.200000e+01 : f32
      %ge3A_951 = vector.broadcast %ge3A_950 : f32 to vector<4x1xf32>
      %ge3A_952 = arith.cmpf oge, %broadcast_in_dim3A_949, %ge3A_951 : vector<4x1xf32>
      %select_n3A_953 = arith.select %ge3A_952, %mul3A_939, %select_n3A_934 : vector<4x1xi1>, vector<4x1xf32>
      %select_n3A_954 = arith.select %ge3A_952, %select_n3A_935, %mul3A_939 : vector<4x1xi1>, vector<4x1xf32>
      %add3A_955 = arith.addf %select_n3A_953, %select_n3A_954 : vector<4x1xf32>
      %mul3A_956 = arith.constant 5.000000e-01 : f32
      %mul3A_957 = vector.broadcast %mul3A_956 : f32 to vector<4x1xf32>
      %mul3A_958 = arith.mulf %mul3A_957, %add3A_955 : vector<4x1xf32>
      %ge3A_959 = vector.broadcast %mul3A_958 : vector<4x1xf32> to vector<4x8192xf32>
      %ge3A_960 = arith.cmpf oge, %concatenate3A_856, %ge3A_959 : vector<4x8192xf32>
      %jit3A_961 = arith.constant 1.000000e+00 : f32
      %jit3A_962 = arith.constant 0.000000e+00 : f32
      %broadcast_in_dim3A_963 = vector.broadcast %jit3A_961 : f32 to vector<4x8192xf32>
      %broadcast_in_dim3A_964 = vector.broadcast %jit3A_962 : f32 to vector<4x8192xf32>
      %select_n3A_965 = arith.select %ge3A_960, %broadcast_in_dim3A_963, %broadcast_in_dim3A_964 : vector<4x8192xi1>, vector<4x8192xf32>
      %reduce_sum3A_966 = arith.constant dense<0.000000e+00> : vector<4xf32>
      %reduce_sum3A_967 = vector.multi_reduction <add>, %select_n3A_965, %reduce_sum3A_966 [1] : vector<4x8192xf32> to vector<4xf32>
      %broadcast_in_dim3A_968 = vector.shape_cast %reduce_sum3A_967 : vector<4xf32> to vector<4x1xf32>
      %ge3A_969 = arith.constant 3.200000e+01 : f32
      %ge3A_970 = vector.broadcast %ge3A_969 : f32 to vector<4x1xf32>
      %ge3A_971 = arith.cmpf oge, %broadcast_in_dim3A_968, %ge3A_970 : vector<4x1xf32>
      %select_n3A_972 = arith.select %ge3A_971, %mul3A_958, %select_n3A_953 : vector<4x1xi1>, vector<4x1xf32>
      %select_n3A_973 = arith.select %ge3A_971, %select_n3A_954, %mul3A_958 : vector<4x1xi1>, vector<4x1xf32>
      %add3A_974 = arith.addf %select_n3A_972, %select_n3A_973 : vector<4x1xf32>
      %mul3A_975 = arith.constant 5.000000e-01 : f32
      %mul3A_976 = vector.broadcast %mul3A_975 : f32 to vector<4x1xf32>
      %mul3A_977 = arith.mulf %mul3A_976, %add3A_974 : vector<4x1xf32>
      %ge3A_978 = vector.broadcast %mul3A_977 : vector<4x1xf32> to vector<4x8192xf32>
      %ge3A_979 = arith.cmpf oge, %concatenate3A_856, %ge3A_978 : vector<4x8192xf32>
      %jit3A_980 = arith.constant 1.000000e+00 : f32
      %jit3A_981 = arith.constant 0.000000e+00 : f32
      %broadcast_in_dim3A_982 = vector.broadcast %jit3A_980 : f32 to vector<4x8192xf32>
      %broadcast_in_dim3A_983 = vector.broadcast %jit3A_981 : f32 to vector<4x8192xf32>
      %select_n3A_984 = arith.select %ge3A_979, %broadcast_in_dim3A_982, %broadcast_in_dim3A_983 : vector<4x8192xi1>, vector<4x8192xf32>
      %reduce_sum3A_985 = arith.constant dense<0.000000e+00> : vector<4xf32>
      %reduce_sum3A_986 = vector.multi_reduction <add>, %select_n3A_984, %reduce_sum3A_985 [1] : vector<4x8192xf32> to vector<4xf32>
      %broadcast_in_dim3A_987 = vector.shape_cast %reduce_sum3A_986 : vector<4xf32> to vector<4x1xf32>
      %ge3A_988 = arith.constant 3.200000e+01 : f32
      %ge3A_989 = vector.broadcast %ge3A_988 : f32 to vector<4x1xf32>
      %ge3A_990 = arith.cmpf oge, %broadcast_in_dim3A_987, %ge3A_989 : vector<4x1xf32>
      %select_n3A_991 = arith.select %ge3A_990, %mul3A_977, %select_n3A_972 : vector<4x1xi1>, vector<4x1xf32>
      %select_n3A_992 = arith.select %ge3A_990, %select_n3A_973, %mul3A_977 : vector<4x1xi1>, vector<4x1xf32>
      %add3A_993 = arith.addf %select_n3A_991, %select_n3A_992 : vector<4x1xf32>
      %mul3A_994 = arith.constant 5.000000e-01 : f32
      %mul3A_995 = vector.broadcast %mul3A_994 : f32 to vector<4x1xf32>
      %mul3A_996 = arith.mulf %mul3A_995, %add3A_993 : vector<4x1xf32>
      %ge3A_997 = vector.broadcast %mul3A_996 : vector<4x1xf32> to vector<4x8192xf32>
      %ge3A_998 = arith.cmpf oge, %concatenate3A_856, %ge3A_997 : vector<4x8192xf32>
      %jit3A_999 = arith.constant 1.000000e+00 : f32
      %jit3A_1000 = arith.constant 0.000000e+00 : f32
      %broadcast_in_dim3A_1001 = vector.broadcast %jit3A_999 : f32 to vector<4x8192xf32>
      %broadcast_in_dim3A_1002 = vector.broadcast %jit3A_1000 : f32 to vector<4x8192xf32>
      %select_n3A_1003 = arith.select %ge3A_998, %broadcast_in_dim3A_1001, %broadcast_in_dim3A_1002 : vector<4x8192xi1>, vector<4x8192xf32>
      %reduce_sum3A_1004 = arith.constant dense<0.000000e+00> : vector<4xf32>
      %reduce_sum3A_1005 = vector.multi_reduction <add>, %select_n3A_1003, %reduce_sum3A_1004 [1] : vector<4x8192xf32> to vector<4xf32>
      %broadcast_in_dim3A_1006 = vector.shape_cast %reduce_sum3A_1005 : vector<4xf32> to vector<4x1xf32>
      %ge3A_1007 = arith.constant 3.200000e+01 : f32
      %ge3A_1008 = vector.broadcast %ge3A_1007 : f32 to vector<4x1xf32>
      %ge3A_1009 = arith.cmpf oge, %broadcast_in_dim3A_1006, %ge3A_1008 : vector<4x1xf32>
      %select_n3A_1010 = arith.select %ge3A_1009, %mul3A_996, %select_n3A_991 : vector<4x1xi1>, vector<4x1xf32>
      %select_n3A_1011 = arith.select %ge3A_1009, %select_n3A_992, %mul3A_996 : vector<4x1xi1>, vector<4x1xf32>
      %add3A_1012 = arith.addf %select_n3A_1010, %select_n3A_1011 : vector<4x1xf32>
      %mul3A_1013 = arith.constant 5.000000e-01 : f32
      %mul3A_1014 = vector.broadcast %mul3A_1013 : f32 to vector<4x1xf32>
      %mul3A_1015 = arith.mulf %mul3A_1014, %add3A_1012 : vector<4x1xf32>
      %ge3A_1016 = vector.broadcast %mul3A_1015 : vector<4x1xf32> to vector<4x8192xf32>
      %ge3A_1017 = arith.cmpf oge, %concatenate3A_856, %ge3A_1016 : vector<4x8192xf32>
      %jit3A_1018 = arith.constant 1.000000e+00 : f32
      %jit3A_1019 = arith.constant 0.000000e+00 : f32
      %broadcast_in_dim3A_1020 = vector.broadcast %jit3A_1018 : f32 to vector<4x8192xf32>
      %broadcast_in_dim3A_1021 = vector.broadcast %jit3A_1019 : f32 to vector<4x8192xf32>
      %select_n3A_1022 = arith.select %ge3A_1017, %broadcast_in_dim3A_1020, %broadcast_in_dim3A_1021 : vector<4x8192xi1>, vector<4x8192xf32>
      %reduce_sum3A_1023 = arith.constant dense<0.000000e+00> : vector<4xf32>
      %reduce_sum3A_1024 = vector.multi_reduction <add>, %select_n3A_1022, %reduce_sum3A_1023 [1] : vector<4x8192xf32> to vector<4xf32>
      %broadcast_in_dim3A_1025 = vector.shape_cast %reduce_sum3A_1024 : vector<4xf32> to vector<4x1xf32>
      %ge3A_1026 = arith.constant 3.200000e+01 : f32
      %ge3A_1027 = vector.broadcast %ge3A_1026 : f32 to vector<4x1xf32>
      %ge3A_1028 = arith.cmpf oge, %broadcast_in_dim3A_1025, %ge3A_1027 : vector<4x1xf32>
      %select_n3A_1029 = arith.select %ge3A_1028, %mul3A_1015, %select_n3A_1010 : vector<4x1xi1>, vector<4x1xf32>
      %select_n3A_1030 = arith.select %ge3A_1028, %select_n3A_1011, %mul3A_1015 : vector<4x1xi1>, vector<4x1xf32>
      %add3A_1031 = arith.addf %select_n3A_1029, %select_n3A_1030 : vector<4x1xf32>
      %mul3A_1032 = arith.constant 5.000000e-01 : f32
      %mul3A_1033 = vector.broadcast %mul3A_1032 : f32 to vector<4x1xf32>
      %mul3A_1034 = arith.mulf %mul3A_1033, %add3A_1031 : vector<4x1xf32>
      %ge3A_1035 = vector.broadcast %mul3A_1034 : vector<4x1xf32> to vector<4x8192xf32>
      %ge3A_1036 = arith.cmpf oge, %concatenate3A_856, %ge3A_1035 : vector<4x8192xf32>
      %jit3A_1037 = arith.constant 1.000000e+00 : f32
      %jit3A_1038 = arith.constant 0.000000e+00 : f32
      %broadcast_in_dim3A_1039 = vector.broadcast %jit3A_1037 : f32 to vector<4x8192xf32>
      %broadcast_in_dim3A_1040 = vector.broadcast %jit3A_1038 : f32 to vector<4x8192xf32>
      %select_n3A_1041 = arith.select %ge3A_1036, %broadcast_in_dim3A_1039, %broadcast_in_dim3A_1040 : vector<4x8192xi1>, vector<4x8192xf32>
      %reduce_sum3A_1042 = arith.constant dense<0.000000e+00> : vector<4xf32>
      %reduce_sum3A_1043 = vector.multi_reduction <add>, %select_n3A_1041, %reduce_sum3A_1042 [1] : vector<4x8192xf32> to vector<4xf32>
      %broadcast_in_dim3A_1044 = vector.shape_cast %reduce_sum3A_1043 : vector<4xf32> to vector<4x1xf32>
      %ge3A_1045 = arith.constant 3.200000e+01 : f32
      %ge3A_1046 = vector.broadcast %ge3A_1045 : f32 to vector<4x1xf32>
      %ge3A_1047 = arith.cmpf oge, %broadcast_in_dim3A_1044, %ge3A_1046 : vector<4x1xf32>
      %select_n3A_1048 = arith.select %ge3A_1047, %mul3A_1034, %select_n3A_1029 : vector<4x1xi1>, vector<4x1xf32>
      %select_n3A_1049 = arith.select %ge3A_1047, %select_n3A_1030, %mul3A_1034 : vector<4x1xi1>, vector<4x1xf32>
      %add3A_1050 = arith.addf %select_n3A_1048, %select_n3A_1049 : vector<4x1xf32>
      %mul3A_1051 = arith.constant 5.000000e-01 : f32
      %mul3A_1052 = vector.broadcast %mul3A_1051 : f32 to vector<4x1xf32>
      %mul3A_1053 = arith.mulf %mul3A_1052, %add3A_1050 : vector<4x1xf32>
      %ge3A_1054 = vector.broadcast %mul3A_1053 : vector<4x1xf32> to vector<4x8192xf32>
      %ge3A_1055 = arith.cmpf oge, %concatenate3A_856, %ge3A_1054 : vector<4x8192xf32>
      %jit3A_1056 = arith.constant 1.000000e+00 : f32
      %jit3A_1057 = arith.constant 0.000000e+00 : f32
      %broadcast_in_dim3A_1058 = vector.broadcast %jit3A_1056 : f32 to vector<4x8192xf32>
      %broadcast_in_dim3A_1059 = vector.broadcast %jit3A_1057 : f32 to vector<4x8192xf32>
      %select_n3A_1060 = arith.select %ge3A_1055, %broadcast_in_dim3A_1058, %broadcast_in_dim3A_1059 : vector<4x8192xi1>, vector<4x8192xf32>
      %reduce_sum3A_1061 = arith.constant dense<0.000000e+00> : vector<4xf32>
      %reduce_sum3A_1062 = vector.multi_reduction <add>, %select_n3A_1060, %reduce_sum3A_1061 [1] : vector<4x8192xf32> to vector<4xf32>
      %broadcast_in_dim3A_1063 = vector.shape_cast %reduce_sum3A_1062 : vector<4xf32> to vector<4x1xf32>
      %ge3A_1064 = arith.constant 3.200000e+01 : f32
      %ge3A_1065 = vector.broadcast %ge3A_1064 : f32 to vector<4x1xf32>
      %ge3A_1066 = arith.cmpf oge, %broadcast_in_dim3A_1063, %ge3A_1065 : vector<4x1xf32>
      %select_n3A_1067 = arith.select %ge3A_1066, %mul3A_1053, %select_n3A_1048 : vector<4x1xi1>, vector<4x1xf32>
      %select_n3A_1068 = arith.select %ge3A_1066, %select_n3A_1049, %mul3A_1053 : vector<4x1xi1>, vector<4x1xf32>
      %add3A_1069 = arith.addf %select_n3A_1067, %select_n3A_1068 : vector<4x1xf32>
      %mul3A_1070 = arith.constant 5.000000e-01 : f32
      %mul3A_1071 = vector.broadcast %mul3A_1070 : f32 to vector<4x1xf32>
      %mul3A_1072 = arith.mulf %mul3A_1071, %add3A_1069 : vector<4x1xf32>
      %ge3A_1073 = vector.broadcast %mul3A_1072 : vector<4x1xf32> to vector<4x8192xf32>
      %ge3A_1074 = arith.cmpf oge, %concatenate3A_856, %ge3A_1073 : vector<4x8192xf32>
      %jit3A_1075 = arith.constant 1.000000e+00 : f32
      %jit3A_1076 = arith.constant 0.000000e+00 : f32
      %broadcast_in_dim3A_1077 = vector.broadcast %jit3A_1075 : f32 to vector<4x8192xf32>
      %broadcast_in_dim3A_1078 = vector.broadcast %jit3A_1076 : f32 to vector<4x8192xf32>
      %select_n3A_1079 = arith.select %ge3A_1074, %broadcast_in_dim3A_1077, %broadcast_in_dim3A_1078 : vector<4x8192xi1>, vector<4x8192xf32>
      %reduce_sum3A_1080 = arith.constant dense<0.000000e+00> : vector<4xf32>
      %reduce_sum3A_1081 = vector.multi_reduction <add>, %select_n3A_1079, %reduce_sum3A_1080 [1] : vector<4x8192xf32> to vector<4xf32>
      %broadcast_in_dim3A_1082 = vector.shape_cast %reduce_sum3A_1081 : vector<4xf32> to vector<4x1xf32>
      %ge3A_1083 = arith.constant 3.200000e+01 : f32
      %ge3A_1084 = vector.broadcast %ge3A_1083 : f32 to vector<4x1xf32>
      %ge3A_1085 = arith.cmpf oge, %broadcast_in_dim3A_1082, %ge3A_1084 : vector<4x1xf32>
      %select_n3A_1086 = arith.select %ge3A_1085, %mul3A_1072, %select_n3A_1067 : vector<4x1xi1>, vector<4x1xf32>
      %select_n3A_1087 = arith.select %ge3A_1085, %select_n3A_1068, %mul3A_1072 : vector<4x1xi1>, vector<4x1xf32>
      %add3A_1088 = arith.addf %select_n3A_1086, %select_n3A_1087 : vector<4x1xf32>
      %mul3A_1089 = arith.constant 5.000000e-01 : f32
      %mul3A_1090 = vector.broadcast %mul3A_1089 : f32 to vector<4x1xf32>
      %mul3A_1091 = arith.mulf %mul3A_1090, %add3A_1088 : vector<4x1xf32>
      %ge3A_1092 = vector.broadcast %mul3A_1091 : vector<4x1xf32> to vector<4x8192xf32>
      %ge3A_1093 = arith.cmpf oge, %concatenate3A_856, %ge3A_1092 : vector<4x8192xf32>
      %jit3A_1094 = arith.constant 1.000000e+00 : f32
      %jit3A_1095 = arith.constant 0.000000e+00 : f32
      %broadcast_in_dim3A_1096 = vector.broadcast %jit3A_1094 : f32 to vector<4x8192xf32>
      %broadcast_in_dim3A_1097 = vector.broadcast %jit3A_1095 : f32 to vector<4x8192xf32>
      %select_n3A_1098 = arith.select %ge3A_1093, %broadcast_in_dim3A_1096, %broadcast_in_dim3A_1097 : vector<4x8192xi1>, vector<4x8192xf32>
      %reduce_sum3A_1099 = arith.constant dense<0.000000e+00> : vector<4xf32>
      %reduce_sum3A_1100 = vector.multi_reduction <add>, %select_n3A_1098, %reduce_sum3A_1099 [1] : vector<4x8192xf32> to vector<4xf32>
      %broadcast_in_dim3A_1101 = vector.shape_cast %reduce_sum3A_1100 : vector<4xf32> to vector<4x1xf32>
      %ge3A_1102 = arith.constant 3.200000e+01 : f32
      %ge3A_1103 = vector.broadcast %ge3A_1102 : f32 to vector<4x1xf32>
      %ge3A_1104 = arith.cmpf oge, %broadcast_in_dim3A_1101, %ge3A_1103 : vector<4x1xf32>
      %select_n3A_1105 = arith.select %ge3A_1104, %mul3A_1091, %select_n3A_1086 : vector<4x1xi1>, vector<4x1xf32>
      %select_n3A_1106 = arith.select %ge3A_1104, %select_n3A_1087, %mul3A_1091 : vector<4x1xi1>, vector<4x1xf32>
      %add3A_1107 = arith.addf %select_n3A_1105, %select_n3A_1106 : vector<4x1xf32>
      %mul3A_1108 = arith.constant 5.000000e-01 : f32
      %mul3A_1109 = vector.broadcast %mul3A_1108 : f32 to vector<4x1xf32>
      %mul3A_1110 = arith.mulf %mul3A_1109, %add3A_1107 : vector<4x1xf32>
      %ge3A_1111 = vector.broadcast %mul3A_1110 : vector<4x1xf32> to vector<4x8192xf32>
      %ge3A_1112 = arith.cmpf oge, %concatenate3A_856, %ge3A_1111 : vector<4x8192xf32>
      %jit3A_1113 = arith.constant 1.000000e+00 : f32
      %jit3A_1114 = arith.constant 0.000000e+00 : f32
      %broadcast_in_dim3A_1115 = vector.broadcast %jit3A_1113 : f32 to vector<4x8192xf32>
      %broadcast_in_dim3A_1116 = vector.broadcast %jit3A_1114 : f32 to vector<4x8192xf32>
      %select_n3A_1117 = arith.select %ge3A_1112, %broadcast_in_dim3A_1115, %broadcast_in_dim3A_1116 : vector<4x8192xi1>, vector<4x8192xf32>
      %reduce_sum3A_1118 = arith.constant dense<0.000000e+00> : vector<4xf32>
      %reduce_sum3A_1119 = vector.multi_reduction <add>, %select_n3A_1117, %reduce_sum3A_1118 [1] : vector<4x8192xf32> to vector<4xf32>
      %broadcast_in_dim3A_1120 = vector.shape_cast %reduce_sum3A_1119 : vector<4xf32> to vector<4x1xf32>
      %ge3A_1121 = arith.constant 3.200000e+01 : f32
      %ge3A_1122 = vector.broadcast %ge3A_1121 : f32 to vector<4x1xf32>
      %ge3A_1123 = arith.cmpf oge, %broadcast_in_dim3A_1120, %ge3A_1122 : vector<4x1xf32>
      %select_n3A_1124 = arith.select %ge3A_1123, %mul3A_1110, %select_n3A_1105 : vector<4x1xi1>, vector<4x1xf32>
      %select_n3A_1125 = arith.select %ge3A_1123, %select_n3A_1106, %mul3A_1110 : vector<4x1xi1>, vector<4x1xf32>
      %add3A_1126 = arith.addf %select_n3A_1124, %select_n3A_1125 : vector<4x1xf32>
      %mul3A_1127 = arith.constant 5.000000e-01 : f32
      %mul3A_1128 = vector.broadcast %mul3A_1127 : f32 to vector<4x1xf32>
      %mul3A_1129 = arith.mulf %mul3A_1128, %add3A_1126 : vector<4x1xf32>
      %ge3A_1130 = vector.broadcast %mul3A_1129 : vector<4x1xf32> to vector<4x8192xf32>
      %ge3A_1131 = arith.cmpf oge, %concatenate3A_856, %ge3A_1130 : vector<4x8192xf32>
      %jit3A_1132 = arith.constant 1.000000e+00 : f32
      %jit3A_1133 = arith.constant 0.000000e+00 : f32
      %broadcast_in_dim3A_1134 = vector.broadcast %jit3A_1132 : f32 to vector<4x8192xf32>
      %broadcast_in_dim3A_1135 = vector.broadcast %jit3A_1133 : f32 to vector<4x8192xf32>
      %select_n3A_1136 = arith.select %ge3A_1131, %broadcast_in_dim3A_1134, %broadcast_in_dim3A_1135 : vector<4x8192xi1>, vector<4x8192xf32>
      %reduce_sum3A_1137 = arith.constant dense<0.000000e+00> : vector<4xf32>
      %reduce_sum3A_1138 = vector.multi_reduction <add>, %select_n3A_1136, %reduce_sum3A_1137 [1] : vector<4x8192xf32> to vector<4xf32>
      %broadcast_in_dim3A_1139 = vector.shape_cast %reduce_sum3A_1138 : vector<4xf32> to vector<4x1xf32>
      %ge3A_1140 = arith.constant 3.200000e+01 : f32
      %ge3A_1141 = vector.broadcast %ge3A_1140 : f32 to vector<4x1xf32>
      %ge3A_1142 = arith.cmpf oge, %broadcast_in_dim3A_1139, %ge3A_1141 : vector<4x1xf32>
      %select_n3A_1143 = arith.select %ge3A_1142, %mul3A_1129, %select_n3A_1124 : vector<4x1xi1>, vector<4x1xf32>
      %select_n3A_1144 = arith.select %ge3A_1142, %select_n3A_1125, %mul3A_1129 : vector<4x1xi1>, vector<4x1xf32>
      %add3A_1145 = arith.addf %select_n3A_1143, %select_n3A_1144 : vector<4x1xf32>
      %mul3A_1146 = arith.constant 5.000000e-01 : f32
      %mul3A_1147 = vector.broadcast %mul3A_1146 : f32 to vector<4x1xf32>
      %mul3A_1148 = arith.mulf %mul3A_1147, %add3A_1145 : vector<4x1xf32>
      %ge3A_1149 = vector.broadcast %mul3A_1148 : vector<4x1xf32> to vector<4x8192xf32>
      %ge3A_1150 = arith.cmpf oge, %concatenate3A_856, %ge3A_1149 : vector<4x8192xf32>
      %jit3A_1151 = arith.constant 1.000000e+00 : f32
      %jit3A_1152 = arith.constant 0.000000e+00 : f32
      %broadcast_in_dim3A_1153 = vector.broadcast %jit3A_1151 : f32 to vector<4x8192xf32>
      %broadcast_in_dim3A_1154 = vector.broadcast %jit3A_1152 : f32 to vector<4x8192xf32>
      %select_n3A_1155 = arith.select %ge3A_1150, %broadcast_in_dim3A_1153, %broadcast_in_dim3A_1154 : vector<4x8192xi1>, vector<4x8192xf32>
      %reduce_sum3A_1156 = arith.constant dense<0.000000e+00> : vector<4xf32>
      %reduce_sum3A_1157 = vector.multi_reduction <add>, %select_n3A_1155, %reduce_sum3A_1156 [1] : vector<4x8192xf32> to vector<4xf32>
      %broadcast_in_dim3A_1158 = vector.shape_cast %reduce_sum3A_1157 : vector<4xf32> to vector<4x1xf32>
      %ge3A_1159 = arith.constant 3.200000e+01 : f32
      %ge3A_1160 = vector.broadcast %ge3A_1159 : f32 to vector<4x1xf32>
      %ge3A_1161 = arith.cmpf oge, %broadcast_in_dim3A_1158, %ge3A_1160 : vector<4x1xf32>
      %select_n3A_1162 = arith.select %ge3A_1161, %mul3A_1148, %select_n3A_1143 : vector<4x1xi1>, vector<4x1xf32>
      %select_n3A_1163 = arith.select %ge3A_1161, %select_n3A_1144, %mul3A_1148 : vector<4x1xi1>, vector<4x1xf32>
      %add3A_1164 = arith.addf %select_n3A_1162, %select_n3A_1163 : vector<4x1xf32>
      %mul3A_1165 = arith.constant 5.000000e-01 : f32
      %mul3A_1166 = vector.broadcast %mul3A_1165 : f32 to vector<4x1xf32>
      %mul3A_1167 = arith.mulf %mul3A_1166, %add3A_1164 : vector<4x1xf32>
      %ge3A_1168 = vector.broadcast %mul3A_1167 : vector<4x1xf32> to vector<4x8192xf32>
      %ge3A_1169 = arith.cmpf oge, %concatenate3A_856, %ge3A_1168 : vector<4x8192xf32>
      %jit3A_1170 = arith.constant 1.000000e+00 : f32
      %jit3A_1171 = arith.constant 0.000000e+00 : f32
      %broadcast_in_dim3A_1172 = vector.broadcast %jit3A_1170 : f32 to vector<4x8192xf32>
      %broadcast_in_dim3A_1173 = vector.broadcast %jit3A_1171 : f32 to vector<4x8192xf32>
      %select_n3A_1174 = arith.select %ge3A_1169, %broadcast_in_dim3A_1172, %broadcast_in_dim3A_1173 : vector<4x8192xi1>, vector<4x8192xf32>
      %reduce_sum3A_1175 = arith.constant dense<0.000000e+00> : vector<4xf32>
      %reduce_sum3A_1176 = vector.multi_reduction <add>, %select_n3A_1174, %reduce_sum3A_1175 [1] : vector<4x8192xf32> to vector<4xf32>
      %broadcast_in_dim3A_1177 = vector.shape_cast %reduce_sum3A_1176 : vector<4xf32> to vector<4x1xf32>
      %ge3A_1178 = arith.constant 3.200000e+01 : f32
      %ge3A_1179 = vector.broadcast %ge3A_1178 : f32 to vector<4x1xf32>
      %ge3A_1180 = arith.cmpf oge, %broadcast_in_dim3A_1177, %ge3A_1179 : vector<4x1xf32>
      %select_n3A_1181 = arith.select %ge3A_1180, %mul3A_1167, %select_n3A_1162 : vector<4x1xi1>, vector<4x1xf32>
      %select_n3A_1182 = arith.select %ge3A_1180, %select_n3A_1163, %mul3A_1167 : vector<4x1xi1>, vector<4x1xf32>
      %add3A_1183 = arith.addf %select_n3A_1181, %select_n3A_1182 : vector<4x1xf32>
      %mul3A_1184 = arith.constant 5.000000e-01 : f32
      %mul3A_1185 = vector.broadcast %mul3A_1184 : f32 to vector<4x1xf32>
      %mul3A_1186 = arith.mulf %mul3A_1185, %add3A_1183 : vector<4x1xf32>
      %ge3A_1187 = vector.broadcast %mul3A_1186 : vector<4x1xf32> to vector<4x8192xf32>
      %ge3A_1188 = arith.cmpf oge, %concatenate3A_856, %ge3A_1187 : vector<4x8192xf32>
      %jit3A_1189 = arith.constant 1.000000e+00 : f32
      %jit3A_1190 = arith.constant 0.000000e+00 : f32
      %broadcast_in_dim3A_1191 = vector.broadcast %jit3A_1189 : f32 to vector<4x8192xf32>
      %broadcast_in_dim3A_1192 = vector.broadcast %jit3A_1190 : f32 to vector<4x8192xf32>
      %select_n3A_1193 = arith.select %ge3A_1188, %broadcast_in_dim3A_1191, %broadcast_in_dim3A_1192 : vector<4x8192xi1>, vector<4x8192xf32>
      %reduce_sum3A_1194 = arith.constant dense<0.000000e+00> : vector<4xf32>
      %reduce_sum3A_1195 = vector.multi_reduction <add>, %select_n3A_1193, %reduce_sum3A_1194 [1] : vector<4x8192xf32> to vector<4xf32>
      %broadcast_in_dim3A_1196 = vector.shape_cast %reduce_sum3A_1195 : vector<4xf32> to vector<4x1xf32>
      %ge3A_1197 = arith.constant 3.200000e+01 : f32
      %ge3A_1198 = vector.broadcast %ge3A_1197 : f32 to vector<4x1xf32>
      %ge3A_1199 = arith.cmpf oge, %broadcast_in_dim3A_1196, %ge3A_1198 : vector<4x1xf32>
      %select_n3A_1200 = arith.select %ge3A_1199, %mul3A_1186, %select_n3A_1181 : vector<4x1xi1>, vector<4x1xf32>
      %select_n3A_1201 = arith.select %ge3A_1199, %select_n3A_1182, %mul3A_1186 : vector<4x1xi1>, vector<4x1xf32>
      %add3A_1202 = arith.addf %select_n3A_1200, %select_n3A_1201 : vector<4x1xf32>
      %mul3A_1203 = arith.constant 5.000000e-01 : f32
      %mul3A_1204 = vector.broadcast %mul3A_1203 : f32 to vector<4x1xf32>
      %mul3A_1205 = arith.mulf %mul3A_1204, %add3A_1202 : vector<4x1xf32>
      %ge3A_1206 = vector.broadcast %mul3A_1205 : vector<4x1xf32> to vector<4x8192xf32>
      %ge3A_1207 = arith.cmpf oge, %concatenate3A_856, %ge3A_1206 : vector<4x8192xf32>
      %jit3A_1208 = arith.constant 1.000000e+00 : f32
      %jit3A_1209 = arith.constant 0.000000e+00 : f32
      %broadcast_in_dim3A_1210 = vector.broadcast %jit3A_1208 : f32 to vector<4x8192xf32>
      %broadcast_in_dim3A_1211 = vector.broadcast %jit3A_1209 : f32 to vector<4x8192xf32>
      %select_n3A_1212 = arith.select %ge3A_1207, %broadcast_in_dim3A_1210, %broadcast_in_dim3A_1211 : vector<4x8192xi1>, vector<4x8192xf32>
      %reduce_sum3A_1213 = arith.constant dense<0.000000e+00> : vector<4xf32>
      %reduce_sum3A_1214 = vector.multi_reduction <add>, %select_n3A_1212, %reduce_sum3A_1213 [1] : vector<4x8192xf32> to vector<4xf32>
      %broadcast_in_dim3A_1215 = vector.shape_cast %reduce_sum3A_1214 : vector<4xf32> to vector<4x1xf32>
      %ge3A_1216 = arith.constant 3.200000e+01 : f32
      %ge3A_1217 = vector.broadcast %ge3A_1216 : f32 to vector<4x1xf32>
      %ge3A_1218 = arith.cmpf oge, %broadcast_in_dim3A_1215, %ge3A_1217 : vector<4x1xf32>
      %select_n3A_1219 = arith.select %ge3A_1218, %mul3A_1205, %select_n3A_1200 : vector<4x1xi1>, vector<4x1xf32>
      %select_n3A_1220 = arith.select %ge3A_1218, %select_n3A_1201, %mul3A_1205 : vector<4x1xi1>, vector<4x1xf32>
      %add3A_1221 = arith.addf %select_n3A_1219, %select_n3A_1220 : vector<4x1xf32>
      %mul3A_1222 = arith.constant 5.000000e-01 : f32
      %mul3A_1223 = vector.broadcast %mul3A_1222 : f32 to vector<4x1xf32>
      %mul3A_1224 = arith.mulf %mul3A_1223, %add3A_1221 : vector<4x1xf32>
      %ge3A_1225 = vector.broadcast %mul3A_1224 : vector<4x1xf32> to vector<4x8192xf32>
      %ge3A_1226 = arith.cmpf oge, %concatenate3A_856, %ge3A_1225 : vector<4x8192xf32>
      %jit3A_1227 = arith.constant 1.000000e+00 : f32
      %jit3A_1228 = arith.constant 0.000000e+00 : f32
      %broadcast_in_dim3A_1229 = vector.broadcast %jit3A_1227 : f32 to vector<4x8192xf32>
      %broadcast_in_dim3A_1230 = vector.broadcast %jit3A_1228 : f32 to vector<4x8192xf32>
      %select_n3A_1231 = arith.select %ge3A_1226, %broadcast_in_dim3A_1229, %broadcast_in_dim3A_1230 : vector<4x8192xi1>, vector<4x8192xf32>
      %reduce_sum3A_1232 = arith.constant dense<0.000000e+00> : vector<4xf32>
      %reduce_sum3A_1233 = vector.multi_reduction <add>, %select_n3A_1231, %reduce_sum3A_1232 [1] : vector<4x8192xf32> to vector<4xf32>
      %broadcast_in_dim3A_1234 = vector.shape_cast %reduce_sum3A_1233 : vector<4xf32> to vector<4x1xf32>
      %ge3A_1235 = arith.constant 3.200000e+01 : f32
      %ge3A_1236 = vector.broadcast %ge3A_1235 : f32 to vector<4x1xf32>
      %ge3A_1237 = arith.cmpf oge, %broadcast_in_dim3A_1234, %ge3A_1236 : vector<4x1xf32>
      %select_n3A_1238 = arith.select %ge3A_1237, %mul3A_1224, %select_n3A_1219 : vector<4x1xi1>, vector<4x1xf32>
      %select_n3A_1239 = arith.select %ge3A_1237, %select_n3A_1220, %mul3A_1224 : vector<4x1xi1>, vector<4x1xf32>
      %add3A_1240 = arith.addf %select_n3A_1238, %select_n3A_1239 : vector<4x1xf32>
      %mul3A_1241 = arith.constant 5.000000e-01 : f32
      %mul3A_1242 = vector.broadcast %mul3A_1241 : f32 to vector<4x1xf32>
      %mul3A_1243 = arith.mulf %mul3A_1242, %add3A_1240 : vector<4x1xf32>
      %ge3A_1244 = vector.broadcast %mul3A_1243 : vector<4x1xf32> to vector<4x8192xf32>
      %ge3A_1245 = arith.cmpf oge, %concatenate3A_856, %ge3A_1244 : vector<4x8192xf32>
      %jit3A_1246 = arith.constant 1.000000e+00 : f32
      %jit3A_1247 = arith.constant 0.000000e+00 : f32
      %broadcast_in_dim3A_1248 = vector.broadcast %jit3A_1246 : f32 to vector<4x8192xf32>
      %broadcast_in_dim3A_1249 = vector.broadcast %jit3A_1247 : f32 to vector<4x8192xf32>
      %select_n3A_1250 = arith.select %ge3A_1245, %broadcast_in_dim3A_1248, %broadcast_in_dim3A_1249 : vector<4x8192xi1>, vector<4x8192xf32>
      %reduce_sum3A_1251 = arith.constant dense<0.000000e+00> : vector<4xf32>
      %reduce_sum3A_1252 = vector.multi_reduction <add>, %select_n3A_1250, %reduce_sum3A_1251 [1] : vector<4x8192xf32> to vector<4xf32>
      %broadcast_in_dim3A_1253 = vector.shape_cast %reduce_sum3A_1252 : vector<4xf32> to vector<4x1xf32>
      %ge3A_1254 = arith.constant 3.200000e+01 : f32
      %ge3A_1255 = vector.broadcast %ge3A_1254 : f32 to vector<4x1xf32>
      %ge3A_1256 = arith.cmpf oge, %broadcast_in_dim3A_1253, %ge3A_1255 : vector<4x1xf32>
      %select_n3A_1257 = arith.select %ge3A_1256, %mul3A_1243, %select_n3A_1238 : vector<4x1xi1>, vector<4x1xf32>
      %select_n3A_1258 = arith.select %ge3A_1256, %select_n3A_1239, %mul3A_1243 : vector<4x1xi1>, vector<4x1xf32>
      %add3A_1259 = arith.addf %select_n3A_1257, %select_n3A_1258 : vector<4x1xf32>
      %mul3A_1260 = arith.constant 5.000000e-01 : f32
      %mul3A_1261 = vector.broadcast %mul3A_1260 : f32 to vector<4x1xf32>
      %mul3A_1262 = arith.mulf %mul3A_1261, %add3A_1259 : vector<4x1xf32>
      %ge3A_1263 = vector.broadcast %mul3A_1262 : vector<4x1xf32> to vector<4x8192xf32>
      %ge3A_1264 = arith.cmpf oge, %concatenate3A_856, %ge3A_1263 : vector<4x8192xf32>
      %jit3A_1265 = arith.constant 1.000000e+00 : f32
      %jit3A_1266 = arith.constant 0.000000e+00 : f32
      %broadcast_in_dim3A_1267 = vector.broadcast %jit3A_1265 : f32 to vector<4x8192xf32>
      %broadcast_in_dim3A_1268 = vector.broadcast %jit3A_1266 : f32 to vector<4x8192xf32>
      %select_n3A_1269 = arith.select %ge3A_1264, %broadcast_in_dim3A_1267, %broadcast_in_dim3A_1268 : vector<4x8192xi1>, vector<4x8192xf32>
      %reduce_sum3A_1270 = arith.constant dense<0.000000e+00> : vector<4xf32>
      %reduce_sum3A_1271 = vector.multi_reduction <add>, %select_n3A_1269, %reduce_sum3A_1270 [1] : vector<4x8192xf32> to vector<4xf32>
      %broadcast_in_dim3A_1272 = vector.shape_cast %reduce_sum3A_1271 : vector<4xf32> to vector<4x1xf32>
      %ge3A_1273 = arith.constant 3.200000e+01 : f32
      %ge3A_1274 = vector.broadcast %ge3A_1273 : f32 to vector<4x1xf32>
      %ge3A_1275 = arith.cmpf oge, %broadcast_in_dim3A_1272, %ge3A_1274 : vector<4x1xf32>
      %select_n3A_1276 = arith.select %ge3A_1275, %mul3A_1262, %select_n3A_1257 : vector<4x1xi1>, vector<4x1xf32>
      %select_n3A_1277 = arith.select %ge3A_1275, %select_n3A_1258, %mul3A_1262 : vector<4x1xi1>, vector<4x1xf32>
      %add3A_1278 = arith.addf %select_n3A_1276, %select_n3A_1277 : vector<4x1xf32>
      %mul3A_1279 = arith.constant 5.000000e-01 : f32
      %mul3A_1280 = vector.broadcast %mul3A_1279 : f32 to vector<4x1xf32>
      %mul3A_1281 = arith.mulf %mul3A_1280, %add3A_1278 : vector<4x1xf32>
      %ge3A_1282 = vector.broadcast %mul3A_1281 : vector<4x1xf32> to vector<4x8192xf32>
      %ge3A_1283 = arith.cmpf oge, %concatenate3A_856, %ge3A_1282 : vector<4x8192xf32>
      %jit3A_1284 = arith.constant 1.000000e+00 : f32
      %jit3A_1285 = arith.constant 0.000000e+00 : f32
      %broadcast_in_dim3A_1286 = vector.broadcast %jit3A_1284 : f32 to vector<4x8192xf32>
      %broadcast_in_dim3A_1287 = vector.broadcast %jit3A_1285 : f32 to vector<4x8192xf32>
      %select_n3A_1288 = arith.select %ge3A_1283, %broadcast_in_dim3A_1286, %broadcast_in_dim3A_1287 : vector<4x8192xi1>, vector<4x8192xf32>
      %reduce_sum3A_1289 = arith.constant dense<0.000000e+00> : vector<4xf32>
      %reduce_sum3A_1290 = vector.multi_reduction <add>, %select_n3A_1288, %reduce_sum3A_1289 [1] : vector<4x8192xf32> to vector<4xf32>
      %broadcast_in_dim3A_1291 = vector.shape_cast %reduce_sum3A_1290 : vector<4xf32> to vector<4x1xf32>
      %ge3A_1292 = arith.constant 3.200000e+01 : f32
      %ge3A_1293 = vector.broadcast %ge3A_1292 : f32 to vector<4x1xf32>
      %ge3A_1294 = arith.cmpf oge, %broadcast_in_dim3A_1291, %ge3A_1293 : vector<4x1xf32>
      %select_n3A_1295 = arith.select %ge3A_1294, %mul3A_1281, %select_n3A_1276 : vector<4x1xi1>, vector<4x1xf32>
      %select_n3A_1296 = arith.select %ge3A_1294, %select_n3A_1277, %mul3A_1281 : vector<4x1xi1>, vector<4x1xf32>
      %add3A_1297 = arith.addf %select_n3A_1295, %select_n3A_1296 : vector<4x1xf32>
      %mul3A_1298 = arith.constant 5.000000e-01 : f32
      %mul3A_1299 = vector.broadcast %mul3A_1298 : f32 to vector<4x1xf32>
      %mul3A_1300 = arith.mulf %mul3A_1299, %add3A_1297 : vector<4x1xf32>
      %ge3A_1301 = vector.broadcast %mul3A_1300 : vector<4x1xf32> to vector<4x8192xf32>
      %ge3A_1302 = arith.cmpf oge, %concatenate3A_856, %ge3A_1301 : vector<4x8192xf32>
      %jit3A_1303 = arith.constant 1.000000e+00 : f32
      %jit3A_1304 = arith.constant 0.000000e+00 : f32
      %broadcast_in_dim3A_1305 = vector.broadcast %jit3A_1303 : f32 to vector<4x8192xf32>
      %broadcast_in_dim3A_1306 = vector.broadcast %jit3A_1304 : f32 to vector<4x8192xf32>
      %select_n3A_1307 = arith.select %ge3A_1302, %broadcast_in_dim3A_1305, %broadcast_in_dim3A_1306 : vector<4x8192xi1>, vector<4x8192xf32>
      %reduce_sum3A_1308 = arith.constant dense<0.000000e+00> : vector<4xf32>
      %reduce_sum3A_1309 = vector.multi_reduction <add>, %select_n3A_1307, %reduce_sum3A_1308 [1] : vector<4x8192xf32> to vector<4xf32>
      %broadcast_in_dim3A_1310 = vector.shape_cast %reduce_sum3A_1309 : vector<4xf32> to vector<4x1xf32>
      %ge3A_1311 = arith.constant 3.200000e+01 : f32
      %ge3A_1312 = vector.broadcast %ge3A_1311 : f32 to vector<4x1xf32>
      %ge3A_1313 = arith.cmpf oge, %broadcast_in_dim3A_1310, %ge3A_1312 : vector<4x1xf32>
      %select_n3A_1314 = arith.select %ge3A_1313, %mul3A_1300, %select_n3A_1295 : vector<4x1xi1>, vector<4x1xf32>
      %select_n3A_1315 = arith.select %ge3A_1313, %select_n3A_1296, %mul3A_1300 : vector<4x1xi1>, vector<4x1xf32>
      %add3A_1316 = arith.addf %select_n3A_1314, %select_n3A_1315 : vector<4x1xf32>
      %mul3A_1317 = arith.constant 5.000000e-01 : f32
      %mul3A_1318 = vector.broadcast %mul3A_1317 : f32 to vector<4x1xf32>
      %mul3A_1319 = arith.mulf %mul3A_1318, %add3A_1316 : vector<4x1xf32>
      %ge3A_1320 = vector.broadcast %mul3A_1319 : vector<4x1xf32> to vector<4x8192xf32>
      %ge3A_1321 = arith.cmpf oge, %concatenate3A_856, %ge3A_1320 : vector<4x8192xf32>
      %jit3A_1322 = arith.constant 1.000000e+00 : f32
      %jit3A_1323 = arith.constant 0.000000e+00 : f32
      %broadcast_in_dim3A_1324 = vector.broadcast %jit3A_1322 : f32 to vector<4x8192xf32>
      %broadcast_in_dim3A_1325 = vector.broadcast %jit3A_1323 : f32 to vector<4x8192xf32>
      %select_n3A_1326 = arith.select %ge3A_1321, %broadcast_in_dim3A_1324, %broadcast_in_dim3A_1325 : vector<4x8192xi1>, vector<4x8192xf32>
      %reduce_sum3A_1327 = arith.constant dense<0.000000e+00> : vector<4xf32>
      %reduce_sum3A_1328 = vector.multi_reduction <add>, %select_n3A_1326, %reduce_sum3A_1327 [1] : vector<4x8192xf32> to vector<4xf32>
      %broadcast_in_dim3A_1329 = vector.shape_cast %reduce_sum3A_1328 : vector<4xf32> to vector<4x1xf32>
      %ge3A_1330 = arith.constant 3.200000e+01 : f32
      %ge3A_1331 = vector.broadcast %ge3A_1330 : f32 to vector<4x1xf32>
      %ge3A_1332 = arith.cmpf oge, %broadcast_in_dim3A_1329, %ge3A_1331 : vector<4x1xf32>
      %select_n3A_1333 = arith.select %ge3A_1332, %mul3A_1319, %select_n3A_1314 : vector<4x1xi1>, vector<4x1xf32>
      %select_n3A_1334 = arith.select %ge3A_1332, %select_n3A_1315, %mul3A_1319 : vector<4x1xi1>, vector<4x1xf32>
      %add3A_1335 = arith.addf %select_n3A_1333, %select_n3A_1334 : vector<4x1xf32>
      %mul3A_1336 = arith.constant 5.000000e-01 : f32
      %mul3A_1337 = vector.broadcast %mul3A_1336 : f32 to vector<4x1xf32>
      %mul3A_1338 = arith.mulf %mul3A_1337, %add3A_1335 : vector<4x1xf32>
      %ge3A_1339 = vector.broadcast %mul3A_1338 : vector<4x1xf32> to vector<4x8192xf32>
      %ge3A_1340 = arith.cmpf oge, %concatenate3A_856, %ge3A_1339 : vector<4x8192xf32>
      %jit3A_1341 = arith.constant 1.000000e+00 : f32
      %jit3A_1342 = arith.constant 0.000000e+00 : f32
      %broadcast_in_dim3A_1343 = vector.broadcast %jit3A_1341 : f32 to vector<4x8192xf32>
      %broadcast_in_dim3A_1344 = vector.broadcast %jit3A_1342 : f32 to vector<4x8192xf32>
      %select_n3A_1345 = arith.select %ge3A_1340, %broadcast_in_dim3A_1343, %broadcast_in_dim3A_1344 : vector<4x8192xi1>, vector<4x8192xf32>
      %reduce_sum3A_1346 = arith.constant dense<0.000000e+00> : vector<4xf32>
      %reduce_sum3A_1347 = vector.multi_reduction <add>, %select_n3A_1345, %reduce_sum3A_1346 [1] : vector<4x8192xf32> to vector<4xf32>
      %broadcast_in_dim3A_1348 = vector.shape_cast %reduce_sum3A_1347 : vector<4xf32> to vector<4x1xf32>
      %ge3A_1349 = arith.constant 3.200000e+01 : f32
      %ge3A_1350 = vector.broadcast %ge3A_1349 : f32 to vector<4x1xf32>
      %ge3A_1351 = arith.cmpf oge, %broadcast_in_dim3A_1348, %ge3A_1350 : vector<4x1xf32>
      %select_n3A_1352 = arith.select %ge3A_1351, %mul3A_1338, %select_n3A_1333 : vector<4x1xi1>, vector<4x1xf32>
      %select_n3A_1353 = arith.select %ge3A_1351, %select_n3A_1334, %mul3A_1338 : vector<4x1xi1>, vector<4x1xf32>
      %add3A_1354 = arith.addf %select_n3A_1352, %select_n3A_1353 : vector<4x1xf32>
      %mul3A_1355 = arith.constant 5.000000e-01 : f32
      %mul3A_1356 = vector.broadcast %mul3A_1355 : f32 to vector<4x1xf32>
      %mul3A_1357 = arith.mulf %mul3A_1356, %add3A_1354 : vector<4x1xf32>
      %ge3A_1358 = vector.broadcast %mul3A_1357 : vector<4x1xf32> to vector<4x8192xf32>
      %ge3A_1359 = arith.cmpf oge, %concatenate3A_856, %ge3A_1358 : vector<4x8192xf32>
      %jit3A_1360 = arith.constant 1.000000e+00 : f32
      %jit3A_1361 = arith.constant 0.000000e+00 : f32
      %broadcast_in_dim3A_1362 = vector.broadcast %jit3A_1360 : f32 to vector<4x8192xf32>
      %broadcast_in_dim3A_1363 = vector.broadcast %jit3A_1361 : f32 to vector<4x8192xf32>
      %select_n3A_1364 = arith.select %ge3A_1359, %broadcast_in_dim3A_1362, %broadcast_in_dim3A_1363 : vector<4x8192xi1>, vector<4x8192xf32>
      %reduce_sum3A_1365 = arith.constant dense<0.000000e+00> : vector<4xf32>
      %reduce_sum3A_1366 = vector.multi_reduction <add>, %select_n3A_1364, %reduce_sum3A_1365 [1] : vector<4x8192xf32> to vector<4xf32>
      %broadcast_in_dim3A_1367 = vector.shape_cast %reduce_sum3A_1366 : vector<4xf32> to vector<4x1xf32>
      %ge3A_1368 = arith.constant 3.200000e+01 : f32
      %ge3A_1369 = vector.broadcast %ge3A_1368 : f32 to vector<4x1xf32>
      %ge3A_1370 = arith.cmpf oge, %broadcast_in_dim3A_1367, %ge3A_1369 : vector<4x1xf32>
      %select_n3A_1371 = arith.select %ge3A_1370, %mul3A_1357, %select_n3A_1352 : vector<4x1xi1>, vector<4x1xf32>
      %select_n3A_1372 = arith.select %ge3A_1370, %select_n3A_1353, %mul3A_1357 : vector<4x1xi1>, vector<4x1xf32>
      %add3A_1373 = arith.addf %select_n3A_1371, %select_n3A_1372 : vector<4x1xf32>
      %mul3A_1374 = arith.constant 5.000000e-01 : f32
      %mul3A_1375 = vector.broadcast %mul3A_1374 : f32 to vector<4x1xf32>
      %mul3A_1376 = arith.mulf %mul3A_1375, %add3A_1373 : vector<4x1xf32>
      %ge3A_1377 = vector.broadcast %mul3A_1376 : vector<4x1xf32> to vector<4x8192xf32>
      %ge3A_1378 = arith.cmpf oge, %concatenate3A_856, %ge3A_1377 : vector<4x8192xf32>
      %jit3A_1379 = arith.constant 1.000000e+00 : f32
      %jit3A_1380 = arith.constant 0.000000e+00 : f32
      %broadcast_in_dim3A_1381 = vector.broadcast %jit3A_1379 : f32 to vector<4x8192xf32>
      %broadcast_in_dim3A_1382 = vector.broadcast %jit3A_1380 : f32 to vector<4x8192xf32>
      %select_n3A_1383 = arith.select %ge3A_1378, %broadcast_in_dim3A_1381, %broadcast_in_dim3A_1382 : vector<4x8192xi1>, vector<4x8192xf32>
      %reduce_sum3A_1384 = arith.constant dense<0.000000e+00> : vector<4xf32>
      %reduce_sum3A_1385 = vector.multi_reduction <add>, %select_n3A_1383, %reduce_sum3A_1384 [1] : vector<4x8192xf32> to vector<4xf32>
      %broadcast_in_dim3A_1386 = vector.shape_cast %reduce_sum3A_1385 : vector<4xf32> to vector<4x1xf32>
      %ge3A_1387 = arith.constant 3.200000e+01 : f32
      %ge3A_1388 = vector.broadcast %ge3A_1387 : f32 to vector<4x1xf32>
      %ge3A_1389 = arith.cmpf oge, %broadcast_in_dim3A_1386, %ge3A_1388 : vector<4x1xf32>
      %select_n3A_1390 = arith.select %ge3A_1389, %mul3A_1376, %select_n3A_1371 : vector<4x1xi1>, vector<4x1xf32>
      %select_n3A_1391 = arith.select %ge3A_1389, %select_n3A_1372, %mul3A_1376 : vector<4x1xi1>, vector<4x1xf32>
      %add3A_1392 = arith.addf %select_n3A_1390, %select_n3A_1391 : vector<4x1xf32>
      %mul3A_1393 = arith.constant 5.000000e-01 : f32
      %mul3A_1394 = vector.broadcast %mul3A_1393 : f32 to vector<4x1xf32>
      %mul3A_1395 = arith.mulf %mul3A_1394, %add3A_1392 : vector<4x1xf32>
      %ge3A_1396 = vector.broadcast %mul3A_1395 : vector<4x1xf32> to vector<4x8192xf32>
      %ge3A_1397 = arith.cmpf oge, %concatenate3A_856, %ge3A_1396 : vector<4x8192xf32>
      %jit3A_1398 = arith.constant 1.000000e+00 : f32
      %jit3A_1399 = arith.constant 0.000000e+00 : f32
      %broadcast_in_dim3A_1400 = vector.broadcast %jit3A_1398 : f32 to vector<4x8192xf32>
      %broadcast_in_dim3A_1401 = vector.broadcast %jit3A_1399 : f32 to vector<4x8192xf32>
      %select_n3A_1402 = arith.select %ge3A_1397, %broadcast_in_dim3A_1400, %broadcast_in_dim3A_1401 : vector<4x8192xi1>, vector<4x8192xf32>
      %reduce_sum3A_1403 = arith.constant dense<0.000000e+00> : vector<4xf32>
      %reduce_sum3A_1404 = vector.multi_reduction <add>, %select_n3A_1402, %reduce_sum3A_1403 [1] : vector<4x8192xf32> to vector<4xf32>
      %broadcast_in_dim3A_1405 = vector.shape_cast %reduce_sum3A_1404 : vector<4xf32> to vector<4x1xf32>
      %ge3A_1406 = arith.constant 3.200000e+01 : f32
      %ge3A_1407 = vector.broadcast %ge3A_1406 : f32 to vector<4x1xf32>
      %ge3A_1408 = arith.cmpf oge, %broadcast_in_dim3A_1405, %ge3A_1407 : vector<4x1xf32>
      %select_n3A_1409 = arith.select %ge3A_1408, %mul3A_1395, %select_n3A_1390 : vector<4x1xi1>, vector<4x1xf32>
      %select_n3A_1410 = arith.select %ge3A_1408, %select_n3A_1391, %mul3A_1395 : vector<4x1xi1>, vector<4x1xf32>
      %add3A_1411 = arith.addf %select_n3A_1409, %select_n3A_1410 : vector<4x1xf32>
      %mul3A_1412 = arith.constant 5.000000e-01 : f32
      %mul3A_1413 = vector.broadcast %mul3A_1412 : f32 to vector<4x1xf32>
      %mul3A_1414 = arith.mulf %mul3A_1413, %add3A_1411 : vector<4x1xf32>
      %ge3A_1415 = vector.broadcast %mul3A_1414 : vector<4x1xf32> to vector<4x8192xf32>
      %ge3A_1416 = arith.cmpf oge, %concatenate3A_856, %ge3A_1415 : vector<4x8192xf32>
      %jit3A_1417 = arith.constant 1.000000e+00 : f32
      %jit3A_1418 = arith.constant 0.000000e+00 : f32
      %broadcast_in_dim3A_1419 = vector.broadcast %jit3A_1417 : f32 to vector<4x8192xf32>
      %broadcast_in_dim3A_1420 = vector.broadcast %jit3A_1418 : f32 to vector<4x8192xf32>
      %select_n3A_1421 = arith.select %ge3A_1416, %broadcast_in_dim3A_1419, %broadcast_in_dim3A_1420 : vector<4x8192xi1>, vector<4x8192xf32>
      %reduce_sum3A_1422 = arith.constant dense<0.000000e+00> : vector<4xf32>
      %reduce_sum3A_1423 = vector.multi_reduction <add>, %select_n3A_1421, %reduce_sum3A_1422 [1] : vector<4x8192xf32> to vector<4xf32>
      %broadcast_in_dim3A_1424 = vector.shape_cast %reduce_sum3A_1423 : vector<4xf32> to vector<4x1xf32>
      %ge3A_1425 = arith.constant 3.200000e+01 : f32
      %ge3A_1426 = vector.broadcast %ge3A_1425 : f32 to vector<4x1xf32>
      %ge3A_1427 = arith.cmpf oge, %broadcast_in_dim3A_1424, %ge3A_1426 : vector<4x1xf32>
      %select_n3A_1428 = arith.select %ge3A_1427, %mul3A_1414, %select_n3A_1409 : vector<4x1xi1>, vector<4x1xf32>
      %select_n3A_1429 = arith.select %ge3A_1427, %select_n3A_1410, %mul3A_1414 : vector<4x1xi1>, vector<4x1xf32>
      %add3A_1430 = arith.addf %select_n3A_1428, %select_n3A_1429 : vector<4x1xf32>
      %mul3A_1431 = arith.constant 5.000000e-01 : f32
      %mul3A_1432 = vector.broadcast %mul3A_1431 : f32 to vector<4x1xf32>
      %mul3A_1433 = arith.mulf %mul3A_1432, %add3A_1430 : vector<4x1xf32>
      %ge3A_1434 = vector.broadcast %mul3A_1433 : vector<4x1xf32> to vector<4x8192xf32>
      %ge3A_1435 = arith.cmpf oge, %concatenate3A_856, %ge3A_1434 : vector<4x8192xf32>
      %jit3A_1436 = arith.constant 1.000000e+00 : f32
      %jit3A_1437 = arith.constant 0.000000e+00 : f32
      %broadcast_in_dim3A_1438 = vector.broadcast %jit3A_1436 : f32 to vector<4x8192xf32>
      %broadcast_in_dim3A_1439 = vector.broadcast %jit3A_1437 : f32 to vector<4x8192xf32>
      %select_n3A_1440 = arith.select %ge3A_1435, %broadcast_in_dim3A_1438, %broadcast_in_dim3A_1439 : vector<4x8192xi1>, vector<4x8192xf32>
      %reduce_sum3A_1441 = arith.constant dense<0.000000e+00> : vector<4xf32>
      %reduce_sum3A_1442 = vector.multi_reduction <add>, %select_n3A_1440, %reduce_sum3A_1441 [1] : vector<4x8192xf32> to vector<4xf32>
      %broadcast_in_dim3A_1443 = vector.shape_cast %reduce_sum3A_1442 : vector<4xf32> to vector<4x1xf32>
      %ge3A_1444 = arith.constant 3.200000e+01 : f32
      %ge3A_1445 = vector.broadcast %ge3A_1444 : f32 to vector<4x1xf32>
      %ge3A_1446 = arith.cmpf oge, %broadcast_in_dim3A_1443, %ge3A_1445 : vector<4x1xf32>
      %select_n3A_1447 = arith.select %ge3A_1446, %mul3A_1433, %select_n3A_1428 : vector<4x1xi1>, vector<4x1xf32>
      %select_n3A_1448 = arith.select %ge3A_1446, %select_n3A_1429, %mul3A_1433 : vector<4x1xi1>, vector<4x1xf32>
      %add3A_1449 = arith.addf %select_n3A_1447, %select_n3A_1448 : vector<4x1xf32>
      %mul3A_1450 = arith.constant 5.000000e-01 : f32
      %mul3A_1451 = vector.broadcast %mul3A_1450 : f32 to vector<4x1xf32>
      %mul3A_1452 = arith.mulf %mul3A_1451, %add3A_1449 : vector<4x1xf32>
      %ge3A_1453 = vector.broadcast %mul3A_1452 : vector<4x1xf32> to vector<4x8192xf32>
      %ge3A_1454 = arith.cmpf oge, %concatenate3A_856, %ge3A_1453 : vector<4x8192xf32>
      %jit3A_1455 = arith.constant 1.000000e+00 : f32
      %jit3A_1456 = arith.constant 0.000000e+00 : f32
      %broadcast_in_dim3A_1457 = vector.broadcast %jit3A_1455 : f32 to vector<4x8192xf32>
      %broadcast_in_dim3A_1458 = vector.broadcast %jit3A_1456 : f32 to vector<4x8192xf32>
      %select_n3A_1459 = arith.select %ge3A_1454, %broadcast_in_dim3A_1457, %broadcast_in_dim3A_1458 : vector<4x8192xi1>, vector<4x8192xf32>
      %reduce_sum3A_1460 = arith.constant dense<0.000000e+00> : vector<4xf32>
      %reduce_sum3A_1461 = vector.multi_reduction <add>, %select_n3A_1459, %reduce_sum3A_1460 [1] : vector<4x8192xf32> to vector<4xf32>
      %broadcast_in_dim3A_1462 = vector.shape_cast %reduce_sum3A_1461 : vector<4xf32> to vector<4x1xf32>
      %ge3A_1463 = arith.constant 3.200000e+01 : f32
      %ge3A_1464 = vector.broadcast %ge3A_1463 : f32 to vector<4x1xf32>
      %ge3A_1465 = arith.cmpf oge, %broadcast_in_dim3A_1462, %ge3A_1464 : vector<4x1xf32>
      %select_n3A_1466 = arith.select %ge3A_1465, %mul3A_1452, %select_n3A_1447 : vector<4x1xi1>, vector<4x1xf32>
      %select_n3A_1467 = arith.select %ge3A_1465, %select_n3A_1448, %mul3A_1452 : vector<4x1xi1>, vector<4x1xf32>
      %add3A_1468 = arith.addf %select_n3A_1466, %select_n3A_1467 : vector<4x1xf32>
      %mul3A_1469 = arith.constant 5.000000e-01 : f32
      %mul3A_1470 = vector.broadcast %mul3A_1469 : f32 to vector<4x1xf32>
      %mul3A_1471 = arith.mulf %mul3A_1470, %add3A_1468 : vector<4x1xf32>
      %ge3A_1472 = vector.broadcast %mul3A_1471 : vector<4x1xf32> to vector<4x8192xf32>
      %ge3A_1473 = arith.cmpf oge, %concatenate3A_856, %ge3A_1472 : vector<4x8192xf32>
      %jit3A_1474 = arith.constant 1.000000e+00 : f32
      %jit3A_1475 = arith.constant 0.000000e+00 : f32
      %broadcast_in_dim3A_1476 = vector.broadcast %jit3A_1474 : f32 to vector<4x8192xf32>
      %broadcast_in_dim3A_1477 = vector.broadcast %jit3A_1475 : f32 to vector<4x8192xf32>
      %select_n3A_1478 = arith.select %ge3A_1473, %broadcast_in_dim3A_1476, %broadcast_in_dim3A_1477 : vector<4x8192xi1>, vector<4x8192xf32>
      %reduce_sum3A_1479 = arith.constant dense<0.000000e+00> : vector<4xf32>
      %reduce_sum3A_1480 = vector.multi_reduction <add>, %select_n3A_1478, %reduce_sum3A_1479 [1] : vector<4x8192xf32> to vector<4xf32>
      %broadcast_in_dim3A_1481 = vector.shape_cast %reduce_sum3A_1480 : vector<4xf32> to vector<4x1xf32>
      %ge3A_1482 = arith.constant 3.200000e+01 : f32
      %ge3A_1483 = vector.broadcast %ge3A_1482 : f32 to vector<4x1xf32>
      %ge3A_1484 = arith.cmpf oge, %broadcast_in_dim3A_1481, %ge3A_1483 : vector<4x1xf32>
      %select_n3A_1485 = arith.select %ge3A_1484, %mul3A_1471, %select_n3A_1466 : vector<4x1xi1>, vector<4x1xf32>
      %select_n3A_1486 = arith.select %ge3A_1484, %select_n3A_1467, %mul3A_1471 : vector<4x1xi1>, vector<4x1xf32>
      %add3A_1487 = arith.addf %select_n3A_1485, %select_n3A_1486 : vector<4x1xf32>
      %mul3A_1488 = arith.constant 5.000000e-01 : f32
      %mul3A_1489 = vector.broadcast %mul3A_1488 : f32 to vector<4x1xf32>
      %mul3A_1490 = arith.mulf %mul3A_1489, %add3A_1487 : vector<4x1xf32>
      %ge3A_1491 = vector.broadcast %mul3A_1490 : vector<4x1xf32> to vector<4x8192xf32>
      %ge3A_1492 = arith.cmpf oge, %concatenate3A_856, %ge3A_1491 : vector<4x8192xf32>
      %jit3A_1493 = arith.constant 1.000000e+00 : f32
      %jit3A_1494 = arith.constant 0.000000e+00 : f32
      %broadcast_in_dim3A_1495 = vector.broadcast %jit3A_1493 : f32 to vector<4x8192xf32>
      %broadcast_in_dim3A_1496 = vector.broadcast %jit3A_1494 : f32 to vector<4x8192xf32>
      %select_n3A_1497 = arith.select %ge3A_1492, %broadcast_in_dim3A_1495, %broadcast_in_dim3A_1496 : vector<4x8192xi1>, vector<4x8192xf32>
      %reduce_sum3A_1498 = arith.constant dense<0.000000e+00> : vector<4xf32>
      %reduce_sum3A_1499 = vector.multi_reduction <add>, %select_n3A_1497, %reduce_sum3A_1498 [1] : vector<4x8192xf32> to vector<4xf32>
      %broadcast_in_dim3A_1500 = vector.shape_cast %reduce_sum3A_1499 : vector<4xf32> to vector<4x1xf32>
      %ge3A_1501 = arith.constant 3.200000e+01 : f32
      %ge3A_1502 = vector.broadcast %ge3A_1501 : f32 to vector<4x1xf32>
      %ge3A_1503 = arith.cmpf oge, %broadcast_in_dim3A_1500, %ge3A_1502 : vector<4x1xf32>
      %select_n3A_1504 = arith.select %ge3A_1503, %mul3A_1490, %select_n3A_1485 : vector<4x1xi1>, vector<4x1xf32>
      %select_n3A_1505 = arith.select %ge3A_1503, %select_n3A_1486, %mul3A_1490 : vector<4x1xi1>, vector<4x1xf32>
      %add3A_1506 = arith.addf %select_n3A_1504, %select_n3A_1505 : vector<4x1xf32>
      %mul3A_1507 = arith.constant 5.000000e-01 : f32
      %mul3A_1508 = vector.broadcast %mul3A_1507 : f32 to vector<4x1xf32>
      %mul3A_1509 = arith.mulf %mul3A_1508, %add3A_1506 : vector<4x1xf32>
      %ge3A_1510 = vector.broadcast %mul3A_1509 : vector<4x1xf32> to vector<4x8192xf32>
      %ge3A_1511 = arith.cmpf oge, %concatenate3A_856, %ge3A_1510 : vector<4x8192xf32>
      %jit3A_1512 = arith.constant 1.000000e+00 : f32
      %jit3A_1513 = arith.constant 0.000000e+00 : f32
      %broadcast_in_dim3A_1514 = vector.broadcast %jit3A_1512 : f32 to vector<4x8192xf32>
      %broadcast_in_dim3A_1515 = vector.broadcast %jit3A_1513 : f32 to vector<4x8192xf32>
      %select_n3A_1516 = arith.select %ge3A_1511, %broadcast_in_dim3A_1514, %broadcast_in_dim3A_1515 : vector<4x8192xi1>, vector<4x8192xf32>
      %reduce_sum3A_1517 = arith.constant dense<0.000000e+00> : vector<4xf32>
      %reduce_sum3A_1518 = vector.multi_reduction <add>, %select_n3A_1516, %reduce_sum3A_1517 [1] : vector<4x8192xf32> to vector<4xf32>
      %broadcast_in_dim3A_1519 = vector.shape_cast %reduce_sum3A_1518 : vector<4xf32> to vector<4x1xf32>
      %ge3A_1520 = arith.constant 3.200000e+01 : f32
      %ge3A_1521 = vector.broadcast %ge3A_1520 : f32 to vector<4x1xf32>
      %ge3A_1522 = arith.cmpf oge, %broadcast_in_dim3A_1519, %ge3A_1521 : vector<4x1xf32>
      %select_n3A_1523 = arith.select %ge3A_1522, %mul3A_1509, %select_n3A_1504 : vector<4x1xi1>, vector<4x1xf32>
      %select_n3A_1524 = arith.select %ge3A_1522, %select_n3A_1505, %mul3A_1509 : vector<4x1xi1>, vector<4x1xf32>
      %add3A_1525 = arith.addf %select_n3A_1523, %select_n3A_1524 : vector<4x1xf32>
      %mul3A_1526 = arith.constant 5.000000e-01 : f32
      %mul3A_1527 = vector.broadcast %mul3A_1526 : f32 to vector<4x1xf32>
      %mul3A_1528 = arith.mulf %mul3A_1527, %add3A_1525 : vector<4x1xf32>
      %ge3A_1529 = vector.broadcast %mul3A_1528 : vector<4x1xf32> to vector<4x8192xf32>
      %ge3A_1530 = arith.cmpf oge, %concatenate3A_856, %ge3A_1529 : vector<4x8192xf32>
      %jit3A_1531 = arith.constant 1.000000e+00 : f32
      %jit3A_1532 = arith.constant 0.000000e+00 : f32
      %broadcast_in_dim3A_1533 = vector.broadcast %jit3A_1531 : f32 to vector<4x8192xf32>
      %broadcast_in_dim3A_1534 = vector.broadcast %jit3A_1532 : f32 to vector<4x8192xf32>
      %select_n3A_1535 = arith.select %ge3A_1530, %broadcast_in_dim3A_1533, %broadcast_in_dim3A_1534 : vector<4x8192xi1>, vector<4x8192xf32>
      %reduce_sum3A_1536 = arith.constant dense<0.000000e+00> : vector<4xf32>
      %reduce_sum3A_1537 = vector.multi_reduction <add>, %select_n3A_1535, %reduce_sum3A_1536 [1] : vector<4x8192xf32> to vector<4xf32>
      %broadcast_in_dim3A_1538 = vector.shape_cast %reduce_sum3A_1537 : vector<4xf32> to vector<4x1xf32>
      %ge3A_1539 = arith.constant 3.200000e+01 : f32
      %ge3A_1540 = vector.broadcast %ge3A_1539 : f32 to vector<4x1xf32>
      %ge3A_1541 = arith.cmpf oge, %broadcast_in_dim3A_1538, %ge3A_1540 : vector<4x1xf32>
      %select_n3A_1542 = arith.select %ge3A_1541, %mul3A_1528, %select_n3A_1523 : vector<4x1xi1>, vector<4x1xf32>
      %select_n3A_1543 = arith.select %ge3A_1541, %select_n3A_1524, %mul3A_1528 : vector<4x1xi1>, vector<4x1xf32>
      %add3A_1544 = arith.addf %select_n3A_1542, %select_n3A_1543 : vector<4x1xf32>
      %mul3A_1545 = arith.constant 5.000000e-01 : f32
      %mul3A_1546 = vector.broadcast %mul3A_1545 : f32 to vector<4x1xf32>
      %mul3A_1547 = arith.mulf %mul3A_1546, %add3A_1544 : vector<4x1xf32>
      %ge3A_1548 = vector.broadcast %mul3A_1547 : vector<4x1xf32> to vector<4x8192xf32>
      %ge3A_1549 = arith.cmpf oge, %concatenate3A_856, %ge3A_1548 : vector<4x8192xf32>
      %jit3A_1550 = arith.constant 1.000000e+00 : f32
      %jit3A_1551 = arith.constant 0.000000e+00 : f32
      %broadcast_in_dim3A_1552 = vector.broadcast %jit3A_1550 : f32 to vector<4x8192xf32>
      %broadcast_in_dim3A_1553 = vector.broadcast %jit3A_1551 : f32 to vector<4x8192xf32>
      %select_n3A_1554 = arith.select %ge3A_1549, %broadcast_in_dim3A_1552, %broadcast_in_dim3A_1553 : vector<4x8192xi1>, vector<4x8192xf32>
      %reduce_sum3A_1555 = arith.constant dense<0.000000e+00> : vector<4xf32>
      %reduce_sum3A_1556 = vector.multi_reduction <add>, %select_n3A_1554, %reduce_sum3A_1555 [1] : vector<4x8192xf32> to vector<4xf32>
      %broadcast_in_dim3A_1557 = vector.shape_cast %reduce_sum3A_1556 : vector<4xf32> to vector<4x1xf32>
      %ge3A_1558 = arith.constant 3.200000e+01 : f32
      %ge3A_1559 = vector.broadcast %ge3A_1558 : f32 to vector<4x1xf32>
      %ge3A_1560 = arith.cmpf oge, %broadcast_in_dim3A_1557, %ge3A_1559 : vector<4x1xf32>
      %select_n3A_1561 = arith.select %ge3A_1560, %mul3A_1547, %select_n3A_1542 : vector<4x1xi1>, vector<4x1xf32>
      %select_n3A_1562 = arith.select %ge3A_1560, %select_n3A_1543, %mul3A_1547 : vector<4x1xi1>, vector<4x1xf32>
      %add3A_1563 = arith.addf %select_n3A_1561, %select_n3A_1562 : vector<4x1xf32>
      %mul3A_1564 = arith.constant 5.000000e-01 : f32
      %mul3A_1565 = vector.broadcast %mul3A_1564 : f32 to vector<4x1xf32>
      %mul3A_1566 = arith.mulf %mul3A_1565, %add3A_1563 : vector<4x1xf32>
      %ge3A_1567 = vector.broadcast %mul3A_1566 : vector<4x1xf32> to vector<4x8192xf32>
      %ge3A_1568 = arith.cmpf oge, %concatenate3A_856, %ge3A_1567 : vector<4x8192xf32>
      %jit3A_1569 = arith.constant 1.000000e+00 : f32
      %jit3A_1570 = arith.constant 0.000000e+00 : f32
      %broadcast_in_dim3A_1571 = vector.broadcast %jit3A_1569 : f32 to vector<4x8192xf32>
      %broadcast_in_dim3A_1572 = vector.broadcast %jit3A_1570 : f32 to vector<4x8192xf32>
      %select_n3A_1573 = arith.select %ge3A_1568, %broadcast_in_dim3A_1571, %broadcast_in_dim3A_1572 : vector<4x8192xi1>, vector<4x8192xf32>
      %reduce_sum3A_1574 = arith.constant dense<0.000000e+00> : vector<4xf32>
      %reduce_sum3A_1575 = vector.multi_reduction <add>, %select_n3A_1573, %reduce_sum3A_1574 [1] : vector<4x8192xf32> to vector<4xf32>
      %broadcast_in_dim3A_1576 = vector.shape_cast %reduce_sum3A_1575 : vector<4xf32> to vector<4x1xf32>
      %ge3A_1577 = arith.constant 3.200000e+01 : f32
      %ge3A_1578 = vector.broadcast %ge3A_1577 : f32 to vector<4x1xf32>
      %ge3A_1579 = arith.cmpf oge, %broadcast_in_dim3A_1576, %ge3A_1578 : vector<4x1xf32>
      %select_n3A_1580 = arith.select %ge3A_1579, %mul3A_1566, %select_n3A_1561 : vector<4x1xi1>, vector<4x1xf32>
      %select_n3A_1581 = arith.select %ge3A_1579, %select_n3A_1562, %mul3A_1566 : vector<4x1xi1>, vector<4x1xf32>
      %add3A_1582 = arith.addf %select_n3A_1580, %select_n3A_1581 : vector<4x1xf32>
      %mul3A_1583 = arith.constant 5.000000e-01 : f32
      %mul3A_1584 = vector.broadcast %mul3A_1583 : f32 to vector<4x1xf32>
      %mul3A_1585 = arith.mulf %mul3A_1584, %add3A_1582 : vector<4x1xf32>
      %ge3A_1586 = vector.broadcast %mul3A_1585 : vector<4x1xf32> to vector<4x8192xf32>
      %ge3A_1587 = arith.cmpf oge, %concatenate3A_856, %ge3A_1586 : vector<4x8192xf32>
      %jit3A_1588 = arith.constant 1.000000e+00 : f32
      %jit3A_1589 = arith.constant 0.000000e+00 : f32
      %broadcast_in_dim3A_1590 = vector.broadcast %jit3A_1588 : f32 to vector<4x8192xf32>
      %broadcast_in_dim3A_1591 = vector.broadcast %jit3A_1589 : f32 to vector<4x8192xf32>
      %select_n3A_1592 = arith.select %ge3A_1587, %broadcast_in_dim3A_1590, %broadcast_in_dim3A_1591 : vector<4x8192xi1>, vector<4x8192xf32>
      %reduce_sum3A_1593 = arith.constant dense<0.000000e+00> : vector<4xf32>
      %reduce_sum3A_1594 = vector.multi_reduction <add>, %select_n3A_1592, %reduce_sum3A_1593 [1] : vector<4x8192xf32> to vector<4xf32>
      %broadcast_in_dim3A_1595 = vector.shape_cast %reduce_sum3A_1594 : vector<4xf32> to vector<4x1xf32>
      %ge3A_1596 = arith.constant 3.200000e+01 : f32
      %ge3A_1597 = vector.broadcast %ge3A_1596 : f32 to vector<4x1xf32>
      %ge3A_1598 = arith.cmpf oge, %broadcast_in_dim3A_1595, %ge3A_1597 : vector<4x1xf32>
      %select_n3A_1599 = arith.select %ge3A_1598, %mul3A_1585, %select_n3A_1580 : vector<4x1xi1>, vector<4x1xf32>
      %select_n3A_1600 = arith.select %ge3A_1598, %select_n3A_1581, %mul3A_1585 : vector<4x1xi1>, vector<4x1xf32>
      %add3A_1601 = arith.addf %select_n3A_1599, %select_n3A_1600 : vector<4x1xf32>
      %mul3A_1602 = arith.constant 5.000000e-01 : f32
      %mul3A_1603 = vector.broadcast %mul3A_1602 : f32 to vector<4x1xf32>
      %mul3A_1604 = arith.mulf %mul3A_1603, %add3A_1601 : vector<4x1xf32>
      %ge3A_1605 = vector.broadcast %mul3A_1604 : vector<4x1xf32> to vector<4x8192xf32>
      %ge3A_1606 = arith.cmpf oge, %concatenate3A_856, %ge3A_1605 : vector<4x8192xf32>
      %jit3A_1607 = arith.constant 1.000000e+00 : f32
      %jit3A_1608 = arith.constant 0.000000e+00 : f32
      %broadcast_in_dim3A_1609 = vector.broadcast %jit3A_1607 : f32 to vector<4x8192xf32>
      %broadcast_in_dim3A_1610 = vector.broadcast %jit3A_1608 : f32 to vector<4x8192xf32>
      %select_n3A_1611 = arith.select %ge3A_1606, %broadcast_in_dim3A_1609, %broadcast_in_dim3A_1610 : vector<4x8192xi1>, vector<4x8192xf32>
      %reduce_sum3A_1612 = arith.constant dense<0.000000e+00> : vector<4xf32>
      %reduce_sum3A_1613 = vector.multi_reduction <add>, %select_n3A_1611, %reduce_sum3A_1612 [1] : vector<4x8192xf32> to vector<4xf32>
      %broadcast_in_dim3A_1614 = vector.shape_cast %reduce_sum3A_1613 : vector<4xf32> to vector<4x1xf32>
      %ge3A_1615 = arith.constant 3.200000e+01 : f32
      %ge3A_1616 = vector.broadcast %ge3A_1615 : f32 to vector<4x1xf32>
      %ge3A_1617 = arith.cmpf oge, %broadcast_in_dim3A_1614, %ge3A_1616 : vector<4x1xf32>
      %select_n3A_1618 = arith.select %ge3A_1617, %mul3A_1604, %select_n3A_1599 : vector<4x1xi1>, vector<4x1xf32>
      %ge3A_1619 = vector.broadcast %select_n3A_1618 : vector<4x1xf32> to vector<4x8192xf32>
      %ge3A_1620 = arith.cmpf oge, %concatenate3A_856, %ge3A_1619 : vector<4x8192xf32>
      %jit3A_1621 = arith.constant 1.000000e+00 : f32
      %jit3A_1622 = arith.constant 0.000000e+00 : f32
      %broadcast_in_dim3A_1623 = vector.broadcast %jit3A_1621 : f32 to vector<4x8192xf32>
      %broadcast_in_dim3A_1624 = vector.broadcast %jit3A_1622 : f32 to vector<4x8192xf32>
      %select_n3A_1625 = arith.select %ge3A_1620, %broadcast_in_dim3A_1623, %broadcast_in_dim3A_1624 : vector<4x8192xi1>, vector<4x8192xf32>
      %iota3A_1626 = tpu.iota {dimensions = array<i32: 1>} : vector<4x8192xi32>
      %ge3A_1627 = arith.constant 1 : i32
      %ge3A_1628 = vector.broadcast %ge3A_1627 : i32 to vector<4x8192xi32>
      %ge3A_1629 = arith.cmpi sge, %iota3A_1626, %ge3A_1628 : vector<4x8192xi32>
      %roll3A = arith.constant 1 : i32
      %roll3A_1630 = tpu.dynamic_rotate %select_n3A_1625 by %roll3A dim 1 : vector<4x8192xf32>, i32 -> vector<4x8192xf32>
      %jit3A_1631 = arith.constant 0.000000e+00 : f32
      %broadcast_in_dim3A_1632 = vector.broadcast %jit3A_1631 : f32 to vector<4x8192xf32>
      %select_n3A_1633 = arith.select %ge3A_1629, %roll3A_1630, %broadcast_in_dim3A_1632 : vector<4x8192xi1>, vector<4x8192xf32>
      %add3A_1634 = arith.addf %select_n3A_1625, %select_n3A_1633 : vector<4x8192xf32>
      %ge3A_1635 = arith.constant 2 : i32
      %ge3A_1636 = vector.broadcast %ge3A_1635 : i32 to vector<4x8192xi32>
      %ge3A_1637 = arith.cmpi sge, %iota3A_1626, %ge3A_1636 : vector<4x8192xi32>
      %roll3A_1638 = arith.constant 2 : i32
      %roll3A_1639 = tpu.dynamic_rotate %add3A_1634 by %roll3A_1638 dim 1 : vector<4x8192xf32>, i32 -> vector<4x8192xf32>
      %jit3A_1640 = arith.constant 0.000000e+00 : f32
      %broadcast_in_dim3A_1641 = vector.broadcast %jit3A_1640 : f32 to vector<4x8192xf32>
      %select_n3A_1642 = arith.select %ge3A_1637, %roll3A_1639, %broadcast_in_dim3A_1641 : vector<4x8192xi1>, vector<4x8192xf32>
      %add3A_1643 = arith.addf %add3A_1634, %select_n3A_1642 : vector<4x8192xf32>
      %ge3A_1644 = arith.constant 4 : i32
      %ge3A_1645 = vector.broadcast %ge3A_1644 : i32 to vector<4x8192xi32>
      %ge3A_1646 = arith.cmpi sge, %iota3A_1626, %ge3A_1645 : vector<4x8192xi32>
      %roll3A_1647 = arith.constant 4 : i32
      %roll3A_1648 = tpu.dynamic_rotate %add3A_1643 by %roll3A_1647 dim 1 : vector<4x8192xf32>, i32 -> vector<4x8192xf32>
      %jit3A_1649 = arith.constant 0.000000e+00 : f32
      %broadcast_in_dim3A_1650 = vector.broadcast %jit3A_1649 : f32 to vector<4x8192xf32>
      %select_n3A_1651 = arith.select %ge3A_1646, %roll3A_1648, %broadcast_in_dim3A_1650 : vector<4x8192xi1>, vector<4x8192xf32>
      %add3A_1652 = arith.addf %add3A_1643, %select_n3A_1651 : vector<4x8192xf32>
      %ge3A_1653 = arith.constant 8 : i32
      %ge3A_1654 = vector.broadcast %ge3A_1653 : i32 to vector<4x8192xi32>
      %ge3A_1655 = arith.cmpi sge, %iota3A_1626, %ge3A_1654 : vector<4x8192xi32>
      %roll3A_1656 = arith.constant 8 : i32
      %roll3A_1657 = tpu.dynamic_rotate %add3A_1652 by %roll3A_1656 dim 1 : vector<4x8192xf32>, i32 -> vector<4x8192xf32>
      %jit3A_1658 = arith.constant 0.000000e+00 : f32
      %broadcast_in_dim3A_1659 = vector.broadcast %jit3A_1658 : f32 to vector<4x8192xf32>
      %select_n3A_1660 = arith.select %ge3A_1655, %roll3A_1657, %broadcast_in_dim3A_1659 : vector<4x8192xi1>, vector<4x8192xf32>
      %add3A_1661 = arith.addf %add3A_1652, %select_n3A_1660 : vector<4x8192xf32>
      %ge3A_1662 = arith.constant 16 : i32
      %ge3A_1663 = vector.broadcast %ge3A_1662 : i32 to vector<4x8192xi32>
      %ge3A_1664 = arith.cmpi sge, %iota3A_1626, %ge3A_1663 : vector<4x8192xi32>
      %roll3A_1665 = arith.constant 16 : i32
      %roll3A_1666 = tpu.dynamic_rotate %add3A_1661 by %roll3A_1665 dim 1 : vector<4x8192xf32>, i32 -> vector<4x8192xf32>
      %jit3A_1667 = arith.constant 0.000000e+00 : f32
      %broadcast_in_dim3A_1668 = vector.broadcast %jit3A_1667 : f32 to vector<4x8192xf32>
      %select_n3A_1669 = arith.select %ge3A_1664, %roll3A_1666, %broadcast_in_dim3A_1668 : vector<4x8192xi1>, vector<4x8192xf32>
      %add3A_1670 = arith.addf %add3A_1661, %select_n3A_1669 : vector<4x8192xf32>
      %ge3A_1671 = arith.constant 32 : i32
      %ge3A_1672 = vector.broadcast %ge3A_1671 : i32 to vector<4x8192xi32>
      %ge3A_1673 = arith.cmpi sge, %iota3A_1626, %ge3A_1672 : vector<4x8192xi32>
      %roll3A_1674 = arith.constant 32 : i32
      %roll3A_1675 = tpu.dynamic_rotate %add3A_1670 by %roll3A_1674 dim 1 : vector<4x8192xf32>, i32 -> vector<4x8192xf32>
      %jit3A_1676 = arith.constant 0.000000e+00 : f32
      %broadcast_in_dim3A_1677 = vector.broadcast %jit3A_1676 : f32 to vector<4x8192xf32>
      %select_n3A_1678 = arith.select %ge3A_1673, %roll3A_1675, %broadcast_in_dim3A_1677 : vector<4x8192xi1>, vector<4x8192xf32>
      %add3A_1679 = arith.addf %add3A_1670, %select_n3A_1678 : vector<4x8192xf32>
      %ge3A_1680 = arith.constant 64 : i32
      %ge3A_1681 = vector.broadcast %ge3A_1680 : i32 to vector<4x8192xi32>
      %ge3A_1682 = arith.cmpi sge, %iota3A_1626, %ge3A_1681 : vector<4x8192xi32>
      %roll3A_1683 = arith.constant 64 : i32
      %roll3A_1684 = tpu.dynamic_rotate %add3A_1679 by %roll3A_1683 dim 1 : vector<4x8192xf32>, i32 -> vector<4x8192xf32>
      %jit3A_1685 = arith.constant 0.000000e+00 : f32
      %broadcast_in_dim3A_1686 = vector.broadcast %jit3A_1685 : f32 to vector<4x8192xf32>
      %select_n3A_1687 = arith.select %ge3A_1682, %roll3A_1684, %broadcast_in_dim3A_1686 : vector<4x8192xi1>, vector<4x8192xf32>
      %add3A_1688 = arith.addf %add3A_1679, %select_n3A_1687 : vector<4x8192xf32>
      %ge3A_1689 = arith.constant 128 : i32
      %ge3A_1690 = vector.broadcast %ge3A_1689 : i32 to vector<4x8192xi32>
      %ge3A_1691 = arith.cmpi sge, %iota3A_1626, %ge3A_1690 : vector<4x8192xi32>
      %roll3A_1692 = arith.constant 128 : i32
      %roll3A_1693 = tpu.dynamic_rotate %add3A_1688 by %roll3A_1692 dim 1 : vector<4x8192xf32>, i32 -> vector<4x8192xf32>
      %jit3A_1694 = arith.constant 0.000000e+00 : f32
      %broadcast_in_dim3A_1695 = vector.broadcast %jit3A_1694 : f32 to vector<4x8192xf32>
      %select_n3A_1696 = arith.select %ge3A_1691, %roll3A_1693, %broadcast_in_dim3A_1695 : vector<4x8192xi1>, vector<4x8192xf32>
      %add3A_1697 = arith.addf %add3A_1688, %select_n3A_1696 : vector<4x8192xf32>
      %ge3A_1698 = arith.constant 256 : i32
      %ge3A_1699 = vector.broadcast %ge3A_1698 : i32 to vector<4x8192xi32>
      %ge3A_1700 = arith.cmpi sge, %iota3A_1626, %ge3A_1699 : vector<4x8192xi32>
      %roll3A_1701 = arith.constant 256 : i32
      %roll3A_1702 = tpu.dynamic_rotate %add3A_1697 by %roll3A_1701 dim 1 : vector<4x8192xf32>, i32 -> vector<4x8192xf32>
      %jit3A_1703 = arith.constant 0.000000e+00 : f32
      %broadcast_in_dim3A_1704 = vector.broadcast %jit3A_1703 : f32 to vector<4x8192xf32>
      %select_n3A_1705 = arith.select %ge3A_1700, %roll3A_1702, %broadcast_in_dim3A_1704 : vector<4x8192xi1>, vector<4x8192xf32>
      %add3A_1706 = arith.addf %add3A_1697, %select_n3A_1705 : vector<4x8192xf32>
      %ge3A_1707 = arith.constant 512 : i32
      %ge3A_1708 = vector.broadcast %ge3A_1707 : i32 to vector<4x8192xi32>
      %ge3A_1709 = arith.cmpi sge, %iota3A_1626, %ge3A_1708 : vector<4x8192xi32>
      %roll3A_1710 = arith.constant 512 : i32
      %roll3A_1711 = tpu.dynamic_rotate %add3A_1706 by %roll3A_1710 dim 1 : vector<4x8192xf32>, i32 -> vector<4x8192xf32>
      %jit3A_1712 = arith.constant 0.000000e+00 : f32
      %broadcast_in_dim3A_1713 = vector.broadcast %jit3A_1712 : f32 to vector<4x8192xf32>
      %select_n3A_1714 = arith.select %ge3A_1709, %roll3A_1711, %broadcast_in_dim3A_1713 : vector<4x8192xi1>, vector<4x8192xf32>
      %add3A_1715 = arith.addf %add3A_1706, %select_n3A_1714 : vector<4x8192xf32>
      %ge3A_1716 = arith.constant 1024 : i32
      %ge3A_1717 = vector.broadcast %ge3A_1716 : i32 to vector<4x8192xi32>
      %ge3A_1718 = arith.cmpi sge, %iota3A_1626, %ge3A_1717 : vector<4x8192xi32>
      %roll3A_1719 = arith.constant 1024 : i32
      %roll3A_1720 = tpu.dynamic_rotate %add3A_1715 by %roll3A_1719 dim 1 : vector<4x8192xf32>, i32 -> vector<4x8192xf32>
      %jit3A_1721 = arith.constant 0.000000e+00 : f32
      %broadcast_in_dim3A_1722 = vector.broadcast %jit3A_1721 : f32 to vector<4x8192xf32>
      %select_n3A_1723 = arith.select %ge3A_1718, %roll3A_1720, %broadcast_in_dim3A_1722 : vector<4x8192xi1>, vector<4x8192xf32>
      %add3A_1724 = arith.addf %add3A_1715, %select_n3A_1723 : vector<4x8192xf32>
      %ge3A_1725 = arith.constant 2048 : i32
      %ge3A_1726 = vector.broadcast %ge3A_1725 : i32 to vector<4x8192xi32>
      %ge3A_1727 = arith.cmpi sge, %iota3A_1626, %ge3A_1726 : vector<4x8192xi32>
      %roll3A_1728 = arith.constant 2048 : i32
      %roll3A_1729 = tpu.dynamic_rotate %add3A_1724 by %roll3A_1728 dim 1 : vector<4x8192xf32>, i32 -> vector<4x8192xf32>
      %jit3A_1730 = arith.constant 0.000000e+00 : f32
      %broadcast_in_dim3A_1731 = vector.broadcast %jit3A_1730 : f32 to vector<4x8192xf32>
      %select_n3A_1732 = arith.select %ge3A_1727, %roll3A_1729, %broadcast_in_dim3A_1731 : vector<4x8192xi1>, vector<4x8192xf32>
      %add3A_1733 = arith.addf %add3A_1724, %select_n3A_1732 : vector<4x8192xf32>
      %ge3A_1734 = arith.constant 4096 : i32
      %ge3A_1735 = vector.broadcast %ge3A_1734 : i32 to vector<4x8192xi32>
      %ge3A_1736 = arith.cmpi sge, %iota3A_1626, %ge3A_1735 : vector<4x8192xi32>
      %roll3A_1737 = arith.constant 4096 : i32
      %roll3A_1738 = tpu.dynamic_rotate %add3A_1733 by %roll3A_1737 dim 1 : vector<4x8192xf32>, i32 -> vector<4x8192xf32>
      %jit3A_1739 = arith.constant 0.000000e+00 : f32
      %broadcast_in_dim3A_1740 = vector.broadcast %jit3A_1739 : f32 to vector<4x8192xf32>
      %select_n3A_1741 = arith.select %ge3A_1736, %roll3A_1738, %broadcast_in_dim3A_1740 : vector<4x8192xi1>, vector<4x8192xf32>
      %add3A_1742 = arith.addf %add3A_1733, %select_n3A_1741 : vector<4x8192xf32>
      %iota3A_1743 = tpu.iota {dimensions = array<i32: 1>} : vector<1x32xi32>
      %convert_element_type3A_1744 = arith.sitofp %iota3A_1743 : vector<1x32xi32> to vector<1x32xf32>
      %broadcast_in_dim3A_1745 = arith.constant 0.000000e+00 : f32
      %broadcast_in_dim3A_1746 = vector.broadcast %broadcast_in_dim3A_1745 : f32 to vector<4x32xf32>
      %le3A = arith.constant 0.000000e+00 : f32
      %le3A_1747 = vector.broadcast %le3A : f32 to vector<4x8192xf32>
      %le3A_1748 = arith.cmpf ole, %add3A_1742, %le3A_1747 : vector<4x8192xf32>
      %jit3A_1749 = arith.constant 1.000000e+00 : f32
      %jit3A_1750 = arith.constant 0.000000e+00 : f32
      %broadcast_in_dim3A_1751 = vector.broadcast %jit3A_1749 : f32 to vector<4x8192xf32>
      %broadcast_in_dim3A_1752 = vector.broadcast %jit3A_1750 : f32 to vector<4x8192xf32>
      %select_n3A_1753 = arith.select %le3A_1748, %broadcast_in_dim3A_1751, %broadcast_in_dim3A_1752 : vector<4x8192xi1>, vector<4x8192xf32>
      %reduce_sum3A_1754 = arith.constant dense<0.000000e+00> : vector<4xf32>
      %reduce_sum3A_1755 = vector.multi_reduction <add>, %select_n3A_1753, %reduce_sum3A_1754 [1] : vector<4x8192xf32> to vector<4xf32>
      %broadcast_in_dim3A_1756 = vector.shape_cast %reduce_sum3A_1755 : vector<4xf32> to vector<4x1xf32>
      %eq3A_1757 = arith.constant 0.000000e+00 : f32
      %eq3A_1758 = vector.broadcast %eq3A_1757 : f32 to vector<1x32xf32>
      %eq3A_1759 = arith.cmpf oeq, %convert_element_type3A_1744, %eq3A_1758 : vector<1x32xf32>
      %jit3A_1760 = arith.constant 0.000000e+00 : f32
      %broadcast_in_dim3A_1761 = vector.shape_cast %eq3A_1759 : vector<1x32xi1> to vector<1x32xi1>
      %broadcast_in_dim3A_1762 = vector.broadcast %broadcast_in_dim3A_1761 : vector<1x32xi1> to vector<4x32xi1>
      %broadcast_in_dim3A_1763 = vector.shape_cast %broadcast_in_dim3A_1756 : vector<4x1xf32> to vector<4x1xf32>
      %broadcast_in_dim3A_1764 = vector.broadcast %broadcast_in_dim3A_1763 : vector<4x1xf32> to vector<4x32xf32>
      %broadcast_in_dim3A_1765 = vector.broadcast %jit3A_1760 : f32 to vector<4x32xf32>
      %select_n3A_1766 = arith.select %broadcast_in_dim3A_1762, %broadcast_in_dim3A_1764, %broadcast_in_dim3A_1765 : vector<4x32xi1>, vector<4x32xf32>
      %add3A_1767 = arith.addf %broadcast_in_dim3A_1746, %select_n3A_1766 : vector<4x32xf32>
      %le3A_1768 = arith.constant 1.000000e+00 : f32
      %le3A_1769 = vector.broadcast %le3A_1768 : f32 to vector<4x8192xf32>
      %le3A_1770 = arith.cmpf ole, %add3A_1742, %le3A_1769 : vector<4x8192xf32>
      %jit3A_1771 = arith.constant 1.000000e+00 : f32
      %jit3A_1772 = arith.constant 0.000000e+00 : f32
      %broadcast_in_dim3A_1773 = vector.broadcast %jit3A_1771 : f32 to vector<4x8192xf32>
      %broadcast_in_dim3A_1774 = vector.broadcast %jit3A_1772 : f32 to vector<4x8192xf32>
      %select_n3A_1775 = arith.select %le3A_1770, %broadcast_in_dim3A_1773, %broadcast_in_dim3A_1774 : vector<4x8192xi1>, vector<4x8192xf32>
      %reduce_sum3A_1776 = arith.constant dense<0.000000e+00> : vector<4xf32>
      %reduce_sum3A_1777 = vector.multi_reduction <add>, %select_n3A_1775, %reduce_sum3A_1776 [1] : vector<4x8192xf32> to vector<4xf32>
      %broadcast_in_dim3A_1778 = vector.shape_cast %reduce_sum3A_1777 : vector<4xf32> to vector<4x1xf32>
      %eq3A_1779 = arith.constant 1.000000e+00 : f32
      %eq3A_1780 = vector.broadcast %eq3A_1779 : f32 to vector<1x32xf32>
      %eq3A_1781 = arith.cmpf oeq, %convert_element_type3A_1744, %eq3A_1780 : vector<1x32xf32>
      %jit3A_1782 = arith.constant 0.000000e+00 : f32
      %broadcast_in_dim3A_1783 = vector.shape_cast %eq3A_1781 : vector<1x32xi1> to vector<1x32xi1>
      %broadcast_in_dim3A_1784 = vector.broadcast %broadcast_in_dim3A_1783 : vector<1x32xi1> to vector<4x32xi1>
      %broadcast_in_dim3A_1785 = vector.shape_cast %broadcast_in_dim3A_1778 : vector<4x1xf32> to vector<4x1xf32>
      %broadcast_in_dim3A_1786 = vector.broadcast %broadcast_in_dim3A_1785 : vector<4x1xf32> to vector<4x32xf32>
      %broadcast_in_dim3A_1787 = vector.broadcast %jit3A_1782 : f32 to vector<4x32xf32>
      %select_n3A_1788 = arith.select %broadcast_in_dim3A_1784, %broadcast_in_dim3A_1786, %broadcast_in_dim3A_1787 : vector<4x32xi1>, vector<4x32xf32>
      %add3A_1789 = arith.addf %add3A_1767, %select_n3A_1788 : vector<4x32xf32>
      %le3A_1790 = arith.constant 2.000000e+00 : f32
      %le3A_1791 = vector.broadcast %le3A_1790 : f32 to vector<4x8192xf32>
      %le3A_1792 = arith.cmpf ole, %add3A_1742, %le3A_1791 : vector<4x8192xf32>
      %jit3A_1793 = arith.constant 1.000000e+00 : f32
      %jit3A_1794 = arith.constant 0.000000e+00 : f32
      %broadcast_in_dim3A_1795 = vector.broadcast %jit3A_1793 : f32 to vector<4x8192xf32>
      %broadcast_in_dim3A_1796 = vector.broadcast %jit3A_1794 : f32 to vector<4x8192xf32>
      %select_n3A_1797 = arith.select %le3A_1792, %broadcast_in_dim3A_1795, %broadcast_in_dim3A_1796 : vector<4x8192xi1>, vector<4x8192xf32>
      %reduce_sum3A_1798 = arith.constant dense<0.000000e+00> : vector<4xf32>
      %reduce_sum3A_1799 = vector.multi_reduction <add>, %select_n3A_1797, %reduce_sum3A_1798 [1] : vector<4x8192xf32> to vector<4xf32>
      %broadcast_in_dim3A_1800 = vector.shape_cast %reduce_sum3A_1799 : vector<4xf32> to vector<4x1xf32>
      %eq3A_1801 = arith.constant 2.000000e+00 : f32
      %eq3A_1802 = vector.broadcast %eq3A_1801 : f32 to vector<1x32xf32>
      %eq3A_1803 = arith.cmpf oeq, %convert_element_type3A_1744, %eq3A_1802 : vector<1x32xf32>
      %jit3A_1804 = arith.constant 0.000000e+00 : f32
      %broadcast_in_dim3A_1805 = vector.shape_cast %eq3A_1803 : vector<1x32xi1> to vector<1x32xi1>
      %broadcast_in_dim3A_1806 = vector.broadcast %broadcast_in_dim3A_1805 : vector<1x32xi1> to vector<4x32xi1>
      %broadcast_in_dim3A_1807 = vector.shape_cast %broadcast_in_dim3A_1800 : vector<4x1xf32> to vector<4x1xf32>
      %broadcast_in_dim3A_1808 = vector.broadcast %broadcast_in_dim3A_1807 : vector<4x1xf32> to vector<4x32xf32>
      %broadcast_in_dim3A_1809 = vector.broadcast %jit3A_1804 : f32 to vector<4x32xf32>
      %select_n3A_1810 = arith.select %broadcast_in_dim3A_1806, %broadcast_in_dim3A_1808, %broadcast_in_dim3A_1809 : vector<4x32xi1>, vector<4x32xf32>
      %add3A_1811 = arith.addf %add3A_1789, %select_n3A_1810 : vector<4x32xf32>
      %le3A_1812 = arith.constant 3.000000e+00 : f32
      %le3A_1813 = vector.broadcast %le3A_1812 : f32 to vector<4x8192xf32>
      %le3A_1814 = arith.cmpf ole, %add3A_1742, %le3A_1813 : vector<4x8192xf32>
      %jit3A_1815 = arith.constant 1.000000e+00 : f32
      %jit3A_1816 = arith.constant 0.000000e+00 : f32
      %broadcast_in_dim3A_1817 = vector.broadcast %jit3A_1815 : f32 to vector<4x8192xf32>
      %broadcast_in_dim3A_1818 = vector.broadcast %jit3A_1816 : f32 to vector<4x8192xf32>
      %select_n3A_1819 = arith.select %le3A_1814, %broadcast_in_dim3A_1817, %broadcast_in_dim3A_1818 : vector<4x8192xi1>, vector<4x8192xf32>
      %reduce_sum3A_1820 = arith.constant dense<0.000000e+00> : vector<4xf32>
      %reduce_sum3A_1821 = vector.multi_reduction <add>, %select_n3A_1819, %reduce_sum3A_1820 [1] : vector<4x8192xf32> to vector<4xf32>
      %broadcast_in_dim3A_1822 = vector.shape_cast %reduce_sum3A_1821 : vector<4xf32> to vector<4x1xf32>
      %eq3A_1823 = arith.constant 3.000000e+00 : f32
      %eq3A_1824 = vector.broadcast %eq3A_1823 : f32 to vector<1x32xf32>
      %eq3A_1825 = arith.cmpf oeq, %convert_element_type3A_1744, %eq3A_1824 : vector<1x32xf32>
      %jit3A_1826 = arith.constant 0.000000e+00 : f32
      %broadcast_in_dim3A_1827 = vector.shape_cast %eq3A_1825 : vector<1x32xi1> to vector<1x32xi1>
      %broadcast_in_dim3A_1828 = vector.broadcast %broadcast_in_dim3A_1827 : vector<1x32xi1> to vector<4x32xi1>
      %broadcast_in_dim3A_1829 = vector.shape_cast %broadcast_in_dim3A_1822 : vector<4x1xf32> to vector<4x1xf32>
      %broadcast_in_dim3A_1830 = vector.broadcast %broadcast_in_dim3A_1829 : vector<4x1xf32> to vector<4x32xf32>
      %broadcast_in_dim3A_1831 = vector.broadcast %jit3A_1826 : f32 to vector<4x32xf32>
      %select_n3A_1832 = arith.select %broadcast_in_dim3A_1828, %broadcast_in_dim3A_1830, %broadcast_in_dim3A_1831 : vector<4x32xi1>, vector<4x32xf32>
      %add3A_1833 = arith.addf %add3A_1811, %select_n3A_1832 : vector<4x32xf32>
      %le3A_1834 = arith.constant 4.000000e+00 : f32
      %le3A_1835 = vector.broadcast %le3A_1834 : f32 to vector<4x8192xf32>
      %le3A_1836 = arith.cmpf ole, %add3A_1742, %le3A_1835 : vector<4x8192xf32>
      %jit3A_1837 = arith.constant 1.000000e+00 : f32
      %jit3A_1838 = arith.constant 0.000000e+00 : f32
      %broadcast_in_dim3A_1839 = vector.broadcast %jit3A_1837 : f32 to vector<4x8192xf32>
      %broadcast_in_dim3A_1840 = vector.broadcast %jit3A_1838 : f32 to vector<4x8192xf32>
      %select_n3A_1841 = arith.select %le3A_1836, %broadcast_in_dim3A_1839, %broadcast_in_dim3A_1840 : vector<4x8192xi1>, vector<4x8192xf32>
      %reduce_sum3A_1842 = arith.constant dense<0.000000e+00> : vector<4xf32>
      %reduce_sum3A_1843 = vector.multi_reduction <add>, %select_n3A_1841, %reduce_sum3A_1842 [1] : vector<4x8192xf32> to vector<4xf32>
      %broadcast_in_dim3A_1844 = vector.shape_cast %reduce_sum3A_1843 : vector<4xf32> to vector<4x1xf32>
      %eq3A_1845 = arith.constant 4.000000e+00 : f32
      %eq3A_1846 = vector.broadcast %eq3A_1845 : f32 to vector<1x32xf32>
      %eq3A_1847 = arith.cmpf oeq, %convert_element_type3A_1744, %eq3A_1846 : vector<1x32xf32>
      %jit3A_1848 = arith.constant 0.000000e+00 : f32
      %broadcast_in_dim3A_1849 = vector.shape_cast %eq3A_1847 : vector<1x32xi1> to vector<1x32xi1>
      %broadcast_in_dim3A_1850 = vector.broadcast %broadcast_in_dim3A_1849 : vector<1x32xi1> to vector<4x32xi1>
      %broadcast_in_dim3A_1851 = vector.shape_cast %broadcast_in_dim3A_1844 : vector<4x1xf32> to vector<4x1xf32>
      %broadcast_in_dim3A_1852 = vector.broadcast %broadcast_in_dim3A_1851 : vector<4x1xf32> to vector<4x32xf32>
      %broadcast_in_dim3A_1853 = vector.broadcast %jit3A_1848 : f32 to vector<4x32xf32>
      %select_n3A_1854 = arith.select %broadcast_in_dim3A_1850, %broadcast_in_dim3A_1852, %broadcast_in_dim3A_1853 : vector<4x32xi1>, vector<4x32xf32>
      %add3A_1855 = arith.addf %add3A_1833, %select_n3A_1854 : vector<4x32xf32>
      %le3A_1856 = arith.constant 5.000000e+00 : f32
      %le3A_1857 = vector.broadcast %le3A_1856 : f32 to vector<4x8192xf32>
      %le3A_1858 = arith.cmpf ole, %add3A_1742, %le3A_1857 : vector<4x8192xf32>
      %jit3A_1859 = arith.constant 1.000000e+00 : f32
      %jit3A_1860 = arith.constant 0.000000e+00 : f32
      %broadcast_in_dim3A_1861 = vector.broadcast %jit3A_1859 : f32 to vector<4x8192xf32>
      %broadcast_in_dim3A_1862 = vector.broadcast %jit3A_1860 : f32 to vector<4x8192xf32>
      %select_n3A_1863 = arith.select %le3A_1858, %broadcast_in_dim3A_1861, %broadcast_in_dim3A_1862 : vector<4x8192xi1>, vector<4x8192xf32>
      %reduce_sum3A_1864 = arith.constant dense<0.000000e+00> : vector<4xf32>
      %reduce_sum3A_1865 = vector.multi_reduction <add>, %select_n3A_1863, %reduce_sum3A_1864 [1] : vector<4x8192xf32> to vector<4xf32>
      %broadcast_in_dim3A_1866 = vector.shape_cast %reduce_sum3A_1865 : vector<4xf32> to vector<4x1xf32>
      %eq3A_1867 = arith.constant 5.000000e+00 : f32
      %eq3A_1868 = vector.broadcast %eq3A_1867 : f32 to vector<1x32xf32>
      %eq3A_1869 = arith.cmpf oeq, %convert_element_type3A_1744, %eq3A_1868 : vector<1x32xf32>
      %jit3A_1870 = arith.constant 0.000000e+00 : f32
      %broadcast_in_dim3A_1871 = vector.shape_cast %eq3A_1869 : vector<1x32xi1> to vector<1x32xi1>
      %broadcast_in_dim3A_1872 = vector.broadcast %broadcast_in_dim3A_1871 : vector<1x32xi1> to vector<4x32xi1>
      %broadcast_in_dim3A_1873 = vector.shape_cast %broadcast_in_dim3A_1866 : vector<4x1xf32> to vector<4x1xf32>
      %broadcast_in_dim3A_1874 = vector.broadcast %broadcast_in_dim3A_1873 : vector<4x1xf32> to vector<4x32xf32>
      %broadcast_in_dim3A_1875 = vector.broadcast %jit3A_1870 : f32 to vector<4x32xf32>
      %select_n3A_1876 = arith.select %broadcast_in_dim3A_1872, %broadcast_in_dim3A_1874, %broadcast_in_dim3A_1875 : vector<4x32xi1>, vector<4x32xf32>
      %add3A_1877 = arith.addf %add3A_1855, %select_n3A_1876 : vector<4x32xf32>
      %le3A_1878 = arith.constant 6.000000e+00 : f32
      %le3A_1879 = vector.broadcast %le3A_1878 : f32 to vector<4x8192xf32>
      %le3A_1880 = arith.cmpf ole, %add3A_1742, %le3A_1879 : vector<4x8192xf32>
      %jit3A_1881 = arith.constant 1.000000e+00 : f32
      %jit3A_1882 = arith.constant 0.000000e+00 : f32
      %broadcast_in_dim3A_1883 = vector.broadcast %jit3A_1881 : f32 to vector<4x8192xf32>
      %broadcast_in_dim3A_1884 = vector.broadcast %jit3A_1882 : f32 to vector<4x8192xf32>
      %select_n3A_1885 = arith.select %le3A_1880, %broadcast_in_dim3A_1883, %broadcast_in_dim3A_1884 : vector<4x8192xi1>, vector<4x8192xf32>
      %reduce_sum3A_1886 = arith.constant dense<0.000000e+00> : vector<4xf32>
      %reduce_sum3A_1887 = vector.multi_reduction <add>, %select_n3A_1885, %reduce_sum3A_1886 [1] : vector<4x8192xf32> to vector<4xf32>
      %broadcast_in_dim3A_1888 = vector.shape_cast %reduce_sum3A_1887 : vector<4xf32> to vector<4x1xf32>
      %eq3A_1889 = arith.constant 6.000000e+00 : f32
      %eq3A_1890 = vector.broadcast %eq3A_1889 : f32 to vector<1x32xf32>
      %eq3A_1891 = arith.cmpf oeq, %convert_element_type3A_1744, %eq3A_1890 : vector<1x32xf32>
      %jit3A_1892 = arith.constant 0.000000e+00 : f32
      %broadcast_in_dim3A_1893 = vector.shape_cast %eq3A_1891 : vector<1x32xi1> to vector<1x32xi1>
      %broadcast_in_dim3A_1894 = vector.broadcast %broadcast_in_dim3A_1893 : vector<1x32xi1> to vector<4x32xi1>
      %broadcast_in_dim3A_1895 = vector.shape_cast %broadcast_in_dim3A_1888 : vector<4x1xf32> to vector<4x1xf32>
      %broadcast_in_dim3A_1896 = vector.broadcast %broadcast_in_dim3A_1895 : vector<4x1xf32> to vector<4x32xf32>
      %broadcast_in_dim3A_1897 = vector.broadcast %jit3A_1892 : f32 to vector<4x32xf32>
      %select_n3A_1898 = arith.select %broadcast_in_dim3A_1894, %broadcast_in_dim3A_1896, %broadcast_in_dim3A_1897 : vector<4x32xi1>, vector<4x32xf32>
      %add3A_1899 = arith.addf %add3A_1877, %select_n3A_1898 : vector<4x32xf32>
      %le3A_1900 = arith.constant 7.000000e+00 : f32
      %le3A_1901 = vector.broadcast %le3A_1900 : f32 to vector<4x8192xf32>
      %le3A_1902 = arith.cmpf ole, %add3A_1742, %le3A_1901 : vector<4x8192xf32>
      %jit3A_1903 = arith.constant 1.000000e+00 : f32
      %jit3A_1904 = arith.constant 0.000000e+00 : f32
      %broadcast_in_dim3A_1905 = vector.broadcast %jit3A_1903 : f32 to vector<4x8192xf32>
      %broadcast_in_dim3A_1906 = vector.broadcast %jit3A_1904 : f32 to vector<4x8192xf32>
      %select_n3A_1907 = arith.select %le3A_1902, %broadcast_in_dim3A_1905, %broadcast_in_dim3A_1906 : vector<4x8192xi1>, vector<4x8192xf32>
      %reduce_sum3A_1908 = arith.constant dense<0.000000e+00> : vector<4xf32>
      %reduce_sum3A_1909 = vector.multi_reduction <add>, %select_n3A_1907, %reduce_sum3A_1908 [1] : vector<4x8192xf32> to vector<4xf32>
      %broadcast_in_dim3A_1910 = vector.shape_cast %reduce_sum3A_1909 : vector<4xf32> to vector<4x1xf32>
      %eq3A_1911 = arith.constant 7.000000e+00 : f32
      %eq3A_1912 = vector.broadcast %eq3A_1911 : f32 to vector<1x32xf32>
      %eq3A_1913 = arith.cmpf oeq, %convert_element_type3A_1744, %eq3A_1912 : vector<1x32xf32>
      %jit3A_1914 = arith.constant 0.000000e+00 : f32
      %broadcast_in_dim3A_1915 = vector.shape_cast %eq3A_1913 : vector<1x32xi1> to vector<1x32xi1>
      %broadcast_in_dim3A_1916 = vector.broadcast %broadcast_in_dim3A_1915 : vector<1x32xi1> to vector<4x32xi1>
      %broadcast_in_dim3A_1917 = vector.shape_cast %broadcast_in_dim3A_1910 : vector<4x1xf32> to vector<4x1xf32>
      %broadcast_in_dim3A_1918 = vector.broadcast %broadcast_in_dim3A_1917 : vector<4x1xf32> to vector<4x32xf32>
      %broadcast_in_dim3A_1919 = vector.broadcast %jit3A_1914 : f32 to vector<4x32xf32>
      %select_n3A_1920 = arith.select %broadcast_in_dim3A_1916, %broadcast_in_dim3A_1918, %broadcast_in_dim3A_1919 : vector<4x32xi1>, vector<4x32xf32>
      %add3A_1921 = arith.addf %add3A_1899, %select_n3A_1920 : vector<4x32xf32>
      %le3A_1922 = arith.constant 8.000000e+00 : f32
      %le3A_1923 = vector.broadcast %le3A_1922 : f32 to vector<4x8192xf32>
      %le3A_1924 = arith.cmpf ole, %add3A_1742, %le3A_1923 : vector<4x8192xf32>
      %jit3A_1925 = arith.constant 1.000000e+00 : f32
      %jit3A_1926 = arith.constant 0.000000e+00 : f32
      %broadcast_in_dim3A_1927 = vector.broadcast %jit3A_1925 : f32 to vector<4x8192xf32>
      %broadcast_in_dim3A_1928 = vector.broadcast %jit3A_1926 : f32 to vector<4x8192xf32>
      %select_n3A_1929 = arith.select %le3A_1924, %broadcast_in_dim3A_1927, %broadcast_in_dim3A_1928 : vector<4x8192xi1>, vector<4x8192xf32>
      %reduce_sum3A_1930 = arith.constant dense<0.000000e+00> : vector<4xf32>
      %reduce_sum3A_1931 = vector.multi_reduction <add>, %select_n3A_1929, %reduce_sum3A_1930 [1] : vector<4x8192xf32> to vector<4xf32>
      %broadcast_in_dim3A_1932 = vector.shape_cast %reduce_sum3A_1931 : vector<4xf32> to vector<4x1xf32>
      %eq3A_1933 = arith.constant 8.000000e+00 : f32
      %eq3A_1934 = vector.broadcast %eq3A_1933 : f32 to vector<1x32xf32>
      %eq3A_1935 = arith.cmpf oeq, %convert_element_type3A_1744, %eq3A_1934 : vector<1x32xf32>
      %jit3A_1936 = arith.constant 0.000000e+00 : f32
      %broadcast_in_dim3A_1937 = vector.shape_cast %eq3A_1935 : vector<1x32xi1> to vector<1x32xi1>
      %broadcast_in_dim3A_1938 = vector.broadcast %broadcast_in_dim3A_1937 : vector<1x32xi1> to vector<4x32xi1>
      %broadcast_in_dim3A_1939 = vector.shape_cast %broadcast_in_dim3A_1932 : vector<4x1xf32> to vector<4x1xf32>
      %broadcast_in_dim3A_1940 = vector.broadcast %broadcast_in_dim3A_1939 : vector<4x1xf32> to vector<4x32xf32>
      %broadcast_in_dim3A_1941 = vector.broadcast %jit3A_1936 : f32 to vector<4x32xf32>
      %select_n3A_1942 = arith.select %broadcast_in_dim3A_1938, %broadcast_in_dim3A_1940, %broadcast_in_dim3A_1941 : vector<4x32xi1>, vector<4x32xf32>
      %add3A_1943 = arith.addf %add3A_1921, %select_n3A_1942 : vector<4x32xf32>
      %le3A_1944 = arith.constant 9.000000e+00 : f32
      %le3A_1945 = vector.broadcast %le3A_1944 : f32 to vector<4x8192xf32>
      %le3A_1946 = arith.cmpf ole, %add3A_1742, %le3A_1945 : vector<4x8192xf32>
      %jit3A_1947 = arith.constant 1.000000e+00 : f32
      %jit3A_1948 = arith.constant 0.000000e+00 : f32
      %broadcast_in_dim3A_1949 = vector.broadcast %jit3A_1947 : f32 to vector<4x8192xf32>
      %broadcast_in_dim3A_1950 = vector.broadcast %jit3A_1948 : f32 to vector<4x8192xf32>
      %select_n3A_1951 = arith.select %le3A_1946, %broadcast_in_dim3A_1949, %broadcast_in_dim3A_1950 : vector<4x8192xi1>, vector<4x8192xf32>
      %reduce_sum3A_1952 = arith.constant dense<0.000000e+00> : vector<4xf32>
      %reduce_sum3A_1953 = vector.multi_reduction <add>, %select_n3A_1951, %reduce_sum3A_1952 [1] : vector<4x8192xf32> to vector<4xf32>
      %broadcast_in_dim3A_1954 = vector.shape_cast %reduce_sum3A_1953 : vector<4xf32> to vector<4x1xf32>
      %eq3A_1955 = arith.constant 9.000000e+00 : f32
      %eq3A_1956 = vector.broadcast %eq3A_1955 : f32 to vector<1x32xf32>
      %eq3A_1957 = arith.cmpf oeq, %convert_element_type3A_1744, %eq3A_1956 : vector<1x32xf32>
      %jit3A_1958 = arith.constant 0.000000e+00 : f32
      %broadcast_in_dim3A_1959 = vector.shape_cast %eq3A_1957 : vector<1x32xi1> to vector<1x32xi1>
      %broadcast_in_dim3A_1960 = vector.broadcast %broadcast_in_dim3A_1959 : vector<1x32xi1> to vector<4x32xi1>
      %broadcast_in_dim3A_1961 = vector.shape_cast %broadcast_in_dim3A_1954 : vector<4x1xf32> to vector<4x1xf32>
      %broadcast_in_dim3A_1962 = vector.broadcast %broadcast_in_dim3A_1961 : vector<4x1xf32> to vector<4x32xf32>
      %broadcast_in_dim3A_1963 = vector.broadcast %jit3A_1958 : f32 to vector<4x32xf32>
      %select_n3A_1964 = arith.select %broadcast_in_dim3A_1960, %broadcast_in_dim3A_1962, %broadcast_in_dim3A_1963 : vector<4x32xi1>, vector<4x32xf32>
      %add3A_1965 = arith.addf %add3A_1943, %select_n3A_1964 : vector<4x32xf32>
      %le3A_1966 = arith.constant 1.000000e+01 : f32
      %le3A_1967 = vector.broadcast %le3A_1966 : f32 to vector<4x8192xf32>
      %le3A_1968 = arith.cmpf ole, %add3A_1742, %le3A_1967 : vector<4x8192xf32>
      %jit3A_1969 = arith.constant 1.000000e+00 : f32
      %jit3A_1970 = arith.constant 0.000000e+00 : f32
      %broadcast_in_dim3A_1971 = vector.broadcast %jit3A_1969 : f32 to vector<4x8192xf32>
      %broadcast_in_dim3A_1972 = vector.broadcast %jit3A_1970 : f32 to vector<4x8192xf32>
      %select_n3A_1973 = arith.select %le3A_1968, %broadcast_in_dim3A_1971, %broadcast_in_dim3A_1972 : vector<4x8192xi1>, vector<4x8192xf32>
      %reduce_sum3A_1974 = arith.constant dense<0.000000e+00> : vector<4xf32>
      %reduce_sum3A_1975 = vector.multi_reduction <add>, %select_n3A_1973, %reduce_sum3A_1974 [1] : vector<4x8192xf32> to vector<4xf32>
      %broadcast_in_dim3A_1976 = vector.shape_cast %reduce_sum3A_1975 : vector<4xf32> to vector<4x1xf32>
      %eq3A_1977 = arith.constant 1.000000e+01 : f32
      %eq3A_1978 = vector.broadcast %eq3A_1977 : f32 to vector<1x32xf32>
      %eq3A_1979 = arith.cmpf oeq, %convert_element_type3A_1744, %eq3A_1978 : vector<1x32xf32>
      %jit3A_1980 = arith.constant 0.000000e+00 : f32
      %broadcast_in_dim3A_1981 = vector.shape_cast %eq3A_1979 : vector<1x32xi1> to vector<1x32xi1>
      %broadcast_in_dim3A_1982 = vector.broadcast %broadcast_in_dim3A_1981 : vector<1x32xi1> to vector<4x32xi1>
      %broadcast_in_dim3A_1983 = vector.shape_cast %broadcast_in_dim3A_1976 : vector<4x1xf32> to vector<4x1xf32>
      %broadcast_in_dim3A_1984 = vector.broadcast %broadcast_in_dim3A_1983 : vector<4x1xf32> to vector<4x32xf32>
      %broadcast_in_dim3A_1985 = vector.broadcast %jit3A_1980 : f32 to vector<4x32xf32>
      %select_n3A_1986 = arith.select %broadcast_in_dim3A_1982, %broadcast_in_dim3A_1984, %broadcast_in_dim3A_1985 : vector<4x32xi1>, vector<4x32xf32>
      %add3A_1987 = arith.addf %add3A_1965, %select_n3A_1986 : vector<4x32xf32>
      %le3A_1988 = arith.constant 1.100000e+01 : f32
      %le3A_1989 = vector.broadcast %le3A_1988 : f32 to vector<4x8192xf32>
      %le3A_1990 = arith.cmpf ole, %add3A_1742, %le3A_1989 : vector<4x8192xf32>
      %jit3A_1991 = arith.constant 1.000000e+00 : f32
      %jit3A_1992 = arith.constant 0.000000e+00 : f32
      %broadcast_in_dim3A_1993 = vector.broadcast %jit3A_1991 : f32 to vector<4x8192xf32>
      %broadcast_in_dim3A_1994 = vector.broadcast %jit3A_1992 : f32 to vector<4x8192xf32>
      %select_n3A_1995 = arith.select %le3A_1990, %broadcast_in_dim3A_1993, %broadcast_in_dim3A_1994 : vector<4x8192xi1>, vector<4x8192xf32>
      %reduce_sum3A_1996 = arith.constant dense<0.000000e+00> : vector<4xf32>
      %reduce_sum3A_1997 = vector.multi_reduction <add>, %select_n3A_1995, %reduce_sum3A_1996 [1] : vector<4x8192xf32> to vector<4xf32>
      %broadcast_in_dim3A_1998 = vector.shape_cast %reduce_sum3A_1997 : vector<4xf32> to vector<4x1xf32>
      %eq3A_1999 = arith.constant 1.100000e+01 : f32
      %eq3A_2000 = vector.broadcast %eq3A_1999 : f32 to vector<1x32xf32>
      %eq3A_2001 = arith.cmpf oeq, %convert_element_type3A_1744, %eq3A_2000 : vector<1x32xf32>
      %jit3A_2002 = arith.constant 0.000000e+00 : f32
      %broadcast_in_dim3A_2003 = vector.shape_cast %eq3A_2001 : vector<1x32xi1> to vector<1x32xi1>
      %broadcast_in_dim3A_2004 = vector.broadcast %broadcast_in_dim3A_2003 : vector<1x32xi1> to vector<4x32xi1>
      %broadcast_in_dim3A_2005 = vector.shape_cast %broadcast_in_dim3A_1998 : vector<4x1xf32> to vector<4x1xf32>
      %broadcast_in_dim3A_2006 = vector.broadcast %broadcast_in_dim3A_2005 : vector<4x1xf32> to vector<4x32xf32>
      %broadcast_in_dim3A_2007 = vector.broadcast %jit3A_2002 : f32 to vector<4x32xf32>
      %select_n3A_2008 = arith.select %broadcast_in_dim3A_2004, %broadcast_in_dim3A_2006, %broadcast_in_dim3A_2007 : vector<4x32xi1>, vector<4x32xf32>
      %add3A_2009 = arith.addf %add3A_1987, %select_n3A_2008 : vector<4x32xf32>
      %le3A_2010 = arith.constant 1.200000e+01 : f32
      %le3A_2011 = vector.broadcast %le3A_2010 : f32 to vector<4x8192xf32>
      %le3A_2012 = arith.cmpf ole, %add3A_1742, %le3A_2011 : vector<4x8192xf32>
      %jit3A_2013 = arith.constant 1.000000e+00 : f32
      %jit3A_2014 = arith.constant 0.000000e+00 : f32
      %broadcast_in_dim3A_2015 = vector.broadcast %jit3A_2013 : f32 to vector<4x8192xf32>
      %broadcast_in_dim3A_2016 = vector.broadcast %jit3A_2014 : f32 to vector<4x8192xf32>
      %select_n3A_2017 = arith.select %le3A_2012, %broadcast_in_dim3A_2015, %broadcast_in_dim3A_2016 : vector<4x8192xi1>, vector<4x8192xf32>
      %reduce_sum3A_2018 = arith.constant dense<0.000000e+00> : vector<4xf32>
      %reduce_sum3A_2019 = vector.multi_reduction <add>, %select_n3A_2017, %reduce_sum3A_2018 [1] : vector<4x8192xf32> to vector<4xf32>
      %broadcast_in_dim3A_2020 = vector.shape_cast %reduce_sum3A_2019 : vector<4xf32> to vector<4x1xf32>
      %eq3A_2021 = arith.constant 1.200000e+01 : f32
      %eq3A_2022 = vector.broadcast %eq3A_2021 : f32 to vector<1x32xf32>
      %eq3A_2023 = arith.cmpf oeq, %convert_element_type3A_1744, %eq3A_2022 : vector<1x32xf32>
      %jit3A_2024 = arith.constant 0.000000e+00 : f32
      %broadcast_in_dim3A_2025 = vector.shape_cast %eq3A_2023 : vector<1x32xi1> to vector<1x32xi1>
      %broadcast_in_dim3A_2026 = vector.broadcast %broadcast_in_dim3A_2025 : vector<1x32xi1> to vector<4x32xi1>
      %broadcast_in_dim3A_2027 = vector.shape_cast %broadcast_in_dim3A_2020 : vector<4x1xf32> to vector<4x1xf32>
      %broadcast_in_dim3A_2028 = vector.broadcast %broadcast_in_dim3A_2027 : vector<4x1xf32> to vector<4x32xf32>
      %broadcast_in_dim3A_2029 = vector.broadcast %jit3A_2024 : f32 to vector<4x32xf32>
      %select_n3A_2030 = arith.select %broadcast_in_dim3A_2026, %broadcast_in_dim3A_2028, %broadcast_in_dim3A_2029 : vector<4x32xi1>, vector<4x32xf32>
      %add3A_2031 = arith.addf %add3A_2009, %select_n3A_2030 : vector<4x32xf32>
      %le3A_2032 = arith.constant 1.300000e+01 : f32
      %le3A_2033 = vector.broadcast %le3A_2032 : f32 to vector<4x8192xf32>
      %le3A_2034 = arith.cmpf ole, %add3A_1742, %le3A_2033 : vector<4x8192xf32>
      %jit3A_2035 = arith.constant 1.000000e+00 : f32
      %jit3A_2036 = arith.constant 0.000000e+00 : f32
      %broadcast_in_dim3A_2037 = vector.broadcast %jit3A_2035 : f32 to vector<4x8192xf32>
      %broadcast_in_dim3A_2038 = vector.broadcast %jit3A_2036 : f32 to vector<4x8192xf32>
      %select_n3A_2039 = arith.select %le3A_2034, %broadcast_in_dim3A_2037, %broadcast_in_dim3A_2038 : vector<4x8192xi1>, vector<4x8192xf32>
      %reduce_sum3A_2040 = arith.constant dense<0.000000e+00> : vector<4xf32>
      %reduce_sum3A_2041 = vector.multi_reduction <add>, %select_n3A_2039, %reduce_sum3A_2040 [1] : vector<4x8192xf32> to vector<4xf32>
      %broadcast_in_dim3A_2042 = vector.shape_cast %reduce_sum3A_2041 : vector<4xf32> to vector<4x1xf32>
      %eq3A_2043 = arith.constant 1.300000e+01 : f32
      %eq3A_2044 = vector.broadcast %eq3A_2043 : f32 to vector<1x32xf32>
      %eq3A_2045 = arith.cmpf oeq, %convert_element_type3A_1744, %eq3A_2044 : vector<1x32xf32>
      %jit3A_2046 = arith.constant 0.000000e+00 : f32
      %broadcast_in_dim3A_2047 = vector.shape_cast %eq3A_2045 : vector<1x32xi1> to vector<1x32xi1>
      %broadcast_in_dim3A_2048 = vector.broadcast %broadcast_in_dim3A_2047 : vector<1x32xi1> to vector<4x32xi1>
      %broadcast_in_dim3A_2049 = vector.shape_cast %broadcast_in_dim3A_2042 : vector<4x1xf32> to vector<4x1xf32>
      %broadcast_in_dim3A_2050 = vector.broadcast %broadcast_in_dim3A_2049 : vector<4x1xf32> to vector<4x32xf32>
      %broadcast_in_dim3A_2051 = vector.broadcast %jit3A_2046 : f32 to vector<4x32xf32>
      %select_n3A_2052 = arith.select %broadcast_in_dim3A_2048, %broadcast_in_dim3A_2050, %broadcast_in_dim3A_2051 : vector<4x32xi1>, vector<4x32xf32>
      %add3A_2053 = arith.addf %add3A_2031, %select_n3A_2052 : vector<4x32xf32>
      %le3A_2054 = arith.constant 1.400000e+01 : f32
      %le3A_2055 = vector.broadcast %le3A_2054 : f32 to vector<4x8192xf32>
      %le3A_2056 = arith.cmpf ole, %add3A_1742, %le3A_2055 : vector<4x8192xf32>
      %jit3A_2057 = arith.constant 1.000000e+00 : f32
      %jit3A_2058 = arith.constant 0.000000e+00 : f32
      %broadcast_in_dim3A_2059 = vector.broadcast %jit3A_2057 : f32 to vector<4x8192xf32>
      %broadcast_in_dim3A_2060 = vector.broadcast %jit3A_2058 : f32 to vector<4x8192xf32>
      %select_n3A_2061 = arith.select %le3A_2056, %broadcast_in_dim3A_2059, %broadcast_in_dim3A_2060 : vector<4x8192xi1>, vector<4x8192xf32>
      %reduce_sum3A_2062 = arith.constant dense<0.000000e+00> : vector<4xf32>
      %reduce_sum3A_2063 = vector.multi_reduction <add>, %select_n3A_2061, %reduce_sum3A_2062 [1] : vector<4x8192xf32> to vector<4xf32>
      %broadcast_in_dim3A_2064 = vector.shape_cast %reduce_sum3A_2063 : vector<4xf32> to vector<4x1xf32>
      %eq3A_2065 = arith.constant 1.400000e+01 : f32
      %eq3A_2066 = vector.broadcast %eq3A_2065 : f32 to vector<1x32xf32>
      %eq3A_2067 = arith.cmpf oeq, %convert_element_type3A_1744, %eq3A_2066 : vector<1x32xf32>
      %jit3A_2068 = arith.constant 0.000000e+00 : f32
      %broadcast_in_dim3A_2069 = vector.shape_cast %eq3A_2067 : vector<1x32xi1> to vector<1x32xi1>
      %broadcast_in_dim3A_2070 = vector.broadcast %broadcast_in_dim3A_2069 : vector<1x32xi1> to vector<4x32xi1>
      %broadcast_in_dim3A_2071 = vector.shape_cast %broadcast_in_dim3A_2064 : vector<4x1xf32> to vector<4x1xf32>
      %broadcast_in_dim3A_2072 = vector.broadcast %broadcast_in_dim3A_2071 : vector<4x1xf32> to vector<4x32xf32>
      %broadcast_in_dim3A_2073 = vector.broadcast %jit3A_2068 : f32 to vector<4x32xf32>
      %select_n3A_2074 = arith.select %broadcast_in_dim3A_2070, %broadcast_in_dim3A_2072, %broadcast_in_dim3A_2073 : vector<4x32xi1>, vector<4x32xf32>
      %add3A_2075 = arith.addf %add3A_2053, %select_n3A_2074 : vector<4x32xf32>
      %le3A_2076 = arith.constant 1.500000e+01 : f32
      %le3A_2077 = vector.broadcast %le3A_2076 : f32 to vector<4x8192xf32>
      %le3A_2078 = arith.cmpf ole, %add3A_1742, %le3A_2077 : vector<4x8192xf32>
      %jit3A_2079 = arith.constant 1.000000e+00 : f32
      %jit3A_2080 = arith.constant 0.000000e+00 : f32
      %broadcast_in_dim3A_2081 = vector.broadcast %jit3A_2079 : f32 to vector<4x8192xf32>
      %broadcast_in_dim3A_2082 = vector.broadcast %jit3A_2080 : f32 to vector<4x8192xf32>
      %select_n3A_2083 = arith.select %le3A_2078, %broadcast_in_dim3A_2081, %broadcast_in_dim3A_2082 : vector<4x8192xi1>, vector<4x8192xf32>
      %reduce_sum3A_2084 = arith.constant dense<0.000000e+00> : vector<4xf32>
      %reduce_sum3A_2085 = vector.multi_reduction <add>, %select_n3A_2083, %reduce_sum3A_2084 [1] : vector<4x8192xf32> to vector<4xf32>
      %broadcast_in_dim3A_2086 = vector.shape_cast %reduce_sum3A_2085 : vector<4xf32> to vector<4x1xf32>
      %eq3A_2087 = arith.constant 1.500000e+01 : f32
      %eq3A_2088 = vector.broadcast %eq3A_2087 : f32 to vector<1x32xf32>
      %eq3A_2089 = arith.cmpf oeq, %convert_element_type3A_1744, %eq3A_2088 : vector<1x32xf32>
      %jit3A_2090 = arith.constant 0.000000e+00 : f32
      %broadcast_in_dim3A_2091 = vector.shape_cast %eq3A_2089 : vector<1x32xi1> to vector<1x32xi1>
      %broadcast_in_dim3A_2092 = vector.broadcast %broadcast_in_dim3A_2091 : vector<1x32xi1> to vector<4x32xi1>
      %broadcast_in_dim3A_2093 = vector.shape_cast %broadcast_in_dim3A_2086 : vector<4x1xf32> to vector<4x1xf32>
      %broadcast_in_dim3A_2094 = vector.broadcast %broadcast_in_dim3A_2093 : vector<4x1xf32> to vector<4x32xf32>
      %broadcast_in_dim3A_2095 = vector.broadcast %jit3A_2090 : f32 to vector<4x32xf32>
      %select_n3A_2096 = arith.select %broadcast_in_dim3A_2092, %broadcast_in_dim3A_2094, %broadcast_in_dim3A_2095 : vector<4x32xi1>, vector<4x32xf32>
      %add3A_2097 = arith.addf %add3A_2075, %select_n3A_2096 : vector<4x32xf32>
      %le3A_2098 = arith.constant 1.600000e+01 : f32
      %le3A_2099 = vector.broadcast %le3A_2098 : f32 to vector<4x8192xf32>
      %le3A_2100 = arith.cmpf ole, %add3A_1742, %le3A_2099 : vector<4x8192xf32>
      %jit3A_2101 = arith.constant 1.000000e+00 : f32
      %jit3A_2102 = arith.constant 0.000000e+00 : f32
      %broadcast_in_dim3A_2103 = vector.broadcast %jit3A_2101 : f32 to vector<4x8192xf32>
      %broadcast_in_dim3A_2104 = vector.broadcast %jit3A_2102 : f32 to vector<4x8192xf32>
      %select_n3A_2105 = arith.select %le3A_2100, %broadcast_in_dim3A_2103, %broadcast_in_dim3A_2104 : vector<4x8192xi1>, vector<4x8192xf32>
      %reduce_sum3A_2106 = arith.constant dense<0.000000e+00> : vector<4xf32>
      %reduce_sum3A_2107 = vector.multi_reduction <add>, %select_n3A_2105, %reduce_sum3A_2106 [1] : vector<4x8192xf32> to vector<4xf32>
      %broadcast_in_dim3A_2108 = vector.shape_cast %reduce_sum3A_2107 : vector<4xf32> to vector<4x1xf32>
      %eq3A_2109 = arith.constant 1.600000e+01 : f32
      %eq3A_2110 = vector.broadcast %eq3A_2109 : f32 to vector<1x32xf32>
      %eq3A_2111 = arith.cmpf oeq, %convert_element_type3A_1744, %eq3A_2110 : vector<1x32xf32>
      %jit3A_2112 = arith.constant 0.000000e+00 : f32
      %broadcast_in_dim3A_2113 = vector.shape_cast %eq3A_2111 : vector<1x32xi1> to vector<1x32xi1>
      %broadcast_in_dim3A_2114 = vector.broadcast %broadcast_in_dim3A_2113 : vector<1x32xi1> to vector<4x32xi1>
      %broadcast_in_dim3A_2115 = vector.shape_cast %broadcast_in_dim3A_2108 : vector<4x1xf32> to vector<4x1xf32>
      %broadcast_in_dim3A_2116 = vector.broadcast %broadcast_in_dim3A_2115 : vector<4x1xf32> to vector<4x32xf32>
      %broadcast_in_dim3A_2117 = vector.broadcast %jit3A_2112 : f32 to vector<4x32xf32>
      %select_n3A_2118 = arith.select %broadcast_in_dim3A_2114, %broadcast_in_dim3A_2116, %broadcast_in_dim3A_2117 : vector<4x32xi1>, vector<4x32xf32>
      %add3A_2119 = arith.addf %add3A_2097, %select_n3A_2118 : vector<4x32xf32>
      %le3A_2120 = arith.constant 1.700000e+01 : f32
      %le3A_2121 = vector.broadcast %le3A_2120 : f32 to vector<4x8192xf32>
      %le3A_2122 = arith.cmpf ole, %add3A_1742, %le3A_2121 : vector<4x8192xf32>
      %jit3A_2123 = arith.constant 1.000000e+00 : f32
      %jit3A_2124 = arith.constant 0.000000e+00 : f32
      %broadcast_in_dim3A_2125 = vector.broadcast %jit3A_2123 : f32 to vector<4x8192xf32>
      %broadcast_in_dim3A_2126 = vector.broadcast %jit3A_2124 : f32 to vector<4x8192xf32>
      %select_n3A_2127 = arith.select %le3A_2122, %broadcast_in_dim3A_2125, %broadcast_in_dim3A_2126 : vector<4x8192xi1>, vector<4x8192xf32>
      %reduce_sum3A_2128 = arith.constant dense<0.000000e+00> : vector<4xf32>
      %reduce_sum3A_2129 = vector.multi_reduction <add>, %select_n3A_2127, %reduce_sum3A_2128 [1] : vector<4x8192xf32> to vector<4xf32>
      %broadcast_in_dim3A_2130 = vector.shape_cast %reduce_sum3A_2129 : vector<4xf32> to vector<4x1xf32>
      %eq3A_2131 = arith.constant 1.700000e+01 : f32
      %eq3A_2132 = vector.broadcast %eq3A_2131 : f32 to vector<1x32xf32>
      %eq3A_2133 = arith.cmpf oeq, %convert_element_type3A_1744, %eq3A_2132 : vector<1x32xf32>
      %jit3A_2134 = arith.constant 0.000000e+00 : f32
      %broadcast_in_dim3A_2135 = vector.shape_cast %eq3A_2133 : vector<1x32xi1> to vector<1x32xi1>
      %broadcast_in_dim3A_2136 = vector.broadcast %broadcast_in_dim3A_2135 : vector<1x32xi1> to vector<4x32xi1>
      %broadcast_in_dim3A_2137 = vector.shape_cast %broadcast_in_dim3A_2130 : vector<4x1xf32> to vector<4x1xf32>
      %broadcast_in_dim3A_2138 = vector.broadcast %broadcast_in_dim3A_2137 : vector<4x1xf32> to vector<4x32xf32>
      %broadcast_in_dim3A_2139 = vector.broadcast %jit3A_2134 : f32 to vector<4x32xf32>
      %select_n3A_2140 = arith.select %broadcast_in_dim3A_2136, %broadcast_in_dim3A_2138, %broadcast_in_dim3A_2139 : vector<4x32xi1>, vector<4x32xf32>
      %add3A_2141 = arith.addf %add3A_2119, %select_n3A_2140 : vector<4x32xf32>
      %le3A_2142 = arith.constant 1.800000e+01 : f32
      %le3A_2143 = vector.broadcast %le3A_2142 : f32 to vector<4x8192xf32>
      %le3A_2144 = arith.cmpf ole, %add3A_1742, %le3A_2143 : vector<4x8192xf32>
      %jit3A_2145 = arith.constant 1.000000e+00 : f32
      %jit3A_2146 = arith.constant 0.000000e+00 : f32
      %broadcast_in_dim3A_2147 = vector.broadcast %jit3A_2145 : f32 to vector<4x8192xf32>
      %broadcast_in_dim3A_2148 = vector.broadcast %jit3A_2146 : f32 to vector<4x8192xf32>
      %select_n3A_2149 = arith.select %le3A_2144, %broadcast_in_dim3A_2147, %broadcast_in_dim3A_2148 : vector<4x8192xi1>, vector<4x8192xf32>
      %reduce_sum3A_2150 = arith.constant dense<0.000000e+00> : vector<4xf32>
      %reduce_sum3A_2151 = vector.multi_reduction <add>, %select_n3A_2149, %reduce_sum3A_2150 [1] : vector<4x8192xf32> to vector<4xf32>
      %broadcast_in_dim3A_2152 = vector.shape_cast %reduce_sum3A_2151 : vector<4xf32> to vector<4x1xf32>
      %eq3A_2153 = arith.constant 1.800000e+01 : f32
      %eq3A_2154 = vector.broadcast %eq3A_2153 : f32 to vector<1x32xf32>
      %eq3A_2155 = arith.cmpf oeq, %convert_element_type3A_1744, %eq3A_2154 : vector<1x32xf32>
      %jit3A_2156 = arith.constant 0.000000e+00 : f32
      %broadcast_in_dim3A_2157 = vector.shape_cast %eq3A_2155 : vector<1x32xi1> to vector<1x32xi1>
      %broadcast_in_dim3A_2158 = vector.broadcast %broadcast_in_dim3A_2157 : vector<1x32xi1> to vector<4x32xi1>
      %broadcast_in_dim3A_2159 = vector.shape_cast %broadcast_in_dim3A_2152 : vector<4x1xf32> to vector<4x1xf32>
      %broadcast_in_dim3A_2160 = vector.broadcast %broadcast_in_dim3A_2159 : vector<4x1xf32> to vector<4x32xf32>
      %broadcast_in_dim3A_2161 = vector.broadcast %jit3A_2156 : f32 to vector<4x32xf32>
      %select_n3A_2162 = arith.select %broadcast_in_dim3A_2158, %broadcast_in_dim3A_2160, %broadcast_in_dim3A_2161 : vector<4x32xi1>, vector<4x32xf32>
      %add3A_2163 = arith.addf %add3A_2141, %select_n3A_2162 : vector<4x32xf32>
      %le3A_2164 = arith.constant 1.900000e+01 : f32
      %le3A_2165 = vector.broadcast %le3A_2164 : f32 to vector<4x8192xf32>
      %le3A_2166 = arith.cmpf ole, %add3A_1742, %le3A_2165 : vector<4x8192xf32>
      %jit3A_2167 = arith.constant 1.000000e+00 : f32
      %jit3A_2168 = arith.constant 0.000000e+00 : f32
      %broadcast_in_dim3A_2169 = vector.broadcast %jit3A_2167 : f32 to vector<4x8192xf32>
      %broadcast_in_dim3A_2170 = vector.broadcast %jit3A_2168 : f32 to vector<4x8192xf32>
      %select_n3A_2171 = arith.select %le3A_2166, %broadcast_in_dim3A_2169, %broadcast_in_dim3A_2170 : vector<4x8192xi1>, vector<4x8192xf32>
      %reduce_sum3A_2172 = arith.constant dense<0.000000e+00> : vector<4xf32>
      %reduce_sum3A_2173 = vector.multi_reduction <add>, %select_n3A_2171, %reduce_sum3A_2172 [1] : vector<4x8192xf32> to vector<4xf32>
      %broadcast_in_dim3A_2174 = vector.shape_cast %reduce_sum3A_2173 : vector<4xf32> to vector<4x1xf32>
      %eq3A_2175 = arith.constant 1.900000e+01 : f32
      %eq3A_2176 = vector.broadcast %eq3A_2175 : f32 to vector<1x32xf32>
      %eq3A_2177 = arith.cmpf oeq, %convert_element_type3A_1744, %eq3A_2176 : vector<1x32xf32>
      %jit3A_2178 = arith.constant 0.000000e+00 : f32
      %broadcast_in_dim3A_2179 = vector.shape_cast %eq3A_2177 : vector<1x32xi1> to vector<1x32xi1>
      %broadcast_in_dim3A_2180 = vector.broadcast %broadcast_in_dim3A_2179 : vector<1x32xi1> to vector<4x32xi1>
      %broadcast_in_dim3A_2181 = vector.shape_cast %broadcast_in_dim3A_2174 : vector<4x1xf32> to vector<4x1xf32>
      %broadcast_in_dim3A_2182 = vector.broadcast %broadcast_in_dim3A_2181 : vector<4x1xf32> to vector<4x32xf32>
      %broadcast_in_dim3A_2183 = vector.broadcast %jit3A_2178 : f32 to vector<4x32xf32>
      %select_n3A_2184 = arith.select %broadcast_in_dim3A_2180, %broadcast_in_dim3A_2182, %broadcast_in_dim3A_2183 : vector<4x32xi1>, vector<4x32xf32>
      %add3A_2185 = arith.addf %add3A_2163, %select_n3A_2184 : vector<4x32xf32>
      %le3A_2186 = arith.constant 2.000000e+01 : f32
      %le3A_2187 = vector.broadcast %le3A_2186 : f32 to vector<4x8192xf32>
      %le3A_2188 = arith.cmpf ole, %add3A_1742, %le3A_2187 : vector<4x8192xf32>
      %jit3A_2189 = arith.constant 1.000000e+00 : f32
      %jit3A_2190 = arith.constant 0.000000e+00 : f32
      %broadcast_in_dim3A_2191 = vector.broadcast %jit3A_2189 : f32 to vector<4x8192xf32>
      %broadcast_in_dim3A_2192 = vector.broadcast %jit3A_2190 : f32 to vector<4x8192xf32>
      %select_n3A_2193 = arith.select %le3A_2188, %broadcast_in_dim3A_2191, %broadcast_in_dim3A_2192 : vector<4x8192xi1>, vector<4x8192xf32>
      %reduce_sum3A_2194 = arith.constant dense<0.000000e+00> : vector<4xf32>
      %reduce_sum3A_2195 = vector.multi_reduction <add>, %select_n3A_2193, %reduce_sum3A_2194 [1] : vector<4x8192xf32> to vector<4xf32>
      %broadcast_in_dim3A_2196 = vector.shape_cast %reduce_sum3A_2195 : vector<4xf32> to vector<4x1xf32>
      %eq3A_2197 = arith.constant 2.000000e+01 : f32
      %eq3A_2198 = vector.broadcast %eq3A_2197 : f32 to vector<1x32xf32>
      %eq3A_2199 = arith.cmpf oeq, %convert_element_type3A_1744, %eq3A_2198 : vector<1x32xf32>
      %jit3A_2200 = arith.constant 0.000000e+00 : f32
      %broadcast_in_dim3A_2201 = vector.shape_cast %eq3A_2199 : vector<1x32xi1> to vector<1x32xi1>
      %broadcast_in_dim3A_2202 = vector.broadcast %broadcast_in_dim3A_2201 : vector<1x32xi1> to vector<4x32xi1>
      %broadcast_in_dim3A_2203 = vector.shape_cast %broadcast_in_dim3A_2196 : vector<4x1xf32> to vector<4x1xf32>
      %broadcast_in_dim3A_2204 = vector.broadcast %broadcast_in_dim3A_2203 : vector<4x1xf32> to vector<4x32xf32>
      %broadcast_in_dim3A_2205 = vector.broadcast %jit3A_2200 : f32 to vector<4x32xf32>
      %select_n3A_2206 = arith.select %broadcast_in_dim3A_2202, %broadcast_in_dim3A_2204, %broadcast_in_dim3A_2205 : vector<4x32xi1>, vector<4x32xf32>
      %add3A_2207 = arith.addf %add3A_2185, %select_n3A_2206 : vector<4x32xf32>
      %le3A_2208 = arith.constant 2.100000e+01 : f32
      %le3A_2209 = vector.broadcast %le3A_2208 : f32 to vector<4x8192xf32>
      %le3A_2210 = arith.cmpf ole, %add3A_1742, %le3A_2209 : vector<4x8192xf32>
      %jit3A_2211 = arith.constant 1.000000e+00 : f32
      %jit3A_2212 = arith.constant 0.000000e+00 : f32
      %broadcast_in_dim3A_2213 = vector.broadcast %jit3A_2211 : f32 to vector<4x8192xf32>
      %broadcast_in_dim3A_2214 = vector.broadcast %jit3A_2212 : f32 to vector<4x8192xf32>
      %select_n3A_2215 = arith.select %le3A_2210, %broadcast_in_dim3A_2213, %broadcast_in_dim3A_2214 : vector<4x8192xi1>, vector<4x8192xf32>
      %reduce_sum3A_2216 = arith.constant dense<0.000000e+00> : vector<4xf32>
      %reduce_sum3A_2217 = vector.multi_reduction <add>, %select_n3A_2215, %reduce_sum3A_2216 [1] : vector<4x8192xf32> to vector<4xf32>
      %broadcast_in_dim3A_2218 = vector.shape_cast %reduce_sum3A_2217 : vector<4xf32> to vector<4x1xf32>
      %eq3A_2219 = arith.constant 2.100000e+01 : f32
      %eq3A_2220 = vector.broadcast %eq3A_2219 : f32 to vector<1x32xf32>
      %eq3A_2221 = arith.cmpf oeq, %convert_element_type3A_1744, %eq3A_2220 : vector<1x32xf32>
      %jit3A_2222 = arith.constant 0.000000e+00 : f32
      %broadcast_in_dim3A_2223 = vector.shape_cast %eq3A_2221 : vector<1x32xi1> to vector<1x32xi1>
      %broadcast_in_dim3A_2224 = vector.broadcast %broadcast_in_dim3A_2223 : vector<1x32xi1> to vector<4x32xi1>
      %broadcast_in_dim3A_2225 = vector.shape_cast %broadcast_in_dim3A_2218 : vector<4x1xf32> to vector<4x1xf32>
      %broadcast_in_dim3A_2226 = vector.broadcast %broadcast_in_dim3A_2225 : vector<4x1xf32> to vector<4x32xf32>
      %broadcast_in_dim3A_2227 = vector.broadcast %jit3A_2222 : f32 to vector<4x32xf32>
      %select_n3A_2228 = arith.select %broadcast_in_dim3A_2224, %broadcast_in_dim3A_2226, %broadcast_in_dim3A_2227 : vector<4x32xi1>, vector<4x32xf32>
      %add3A_2229 = arith.addf %add3A_2207, %select_n3A_2228 : vector<4x32xf32>
      %le3A_2230 = arith.constant 2.200000e+01 : f32
      %le3A_2231 = vector.broadcast %le3A_2230 : f32 to vector<4x8192xf32>
      %le3A_2232 = arith.cmpf ole, %add3A_1742, %le3A_2231 : vector<4x8192xf32>
      %jit3A_2233 = arith.constant 1.000000e+00 : f32
      %jit3A_2234 = arith.constant 0.000000e+00 : f32
      %broadcast_in_dim3A_2235 = vector.broadcast %jit3A_2233 : f32 to vector<4x8192xf32>
      %broadcast_in_dim3A_2236 = vector.broadcast %jit3A_2234 : f32 to vector<4x8192xf32>
      %select_n3A_2237 = arith.select %le3A_2232, %broadcast_in_dim3A_2235, %broadcast_in_dim3A_2236 : vector<4x8192xi1>, vector<4x8192xf32>
      %reduce_sum3A_2238 = arith.constant dense<0.000000e+00> : vector<4xf32>
      %reduce_sum3A_2239 = vector.multi_reduction <add>, %select_n3A_2237, %reduce_sum3A_2238 [1] : vector<4x8192xf32> to vector<4xf32>
      %broadcast_in_dim3A_2240 = vector.shape_cast %reduce_sum3A_2239 : vector<4xf32> to vector<4x1xf32>
      %eq3A_2241 = arith.constant 2.200000e+01 : f32
      %eq3A_2242 = vector.broadcast %eq3A_2241 : f32 to vector<1x32xf32>
      %eq3A_2243 = arith.cmpf oeq, %convert_element_type3A_1744, %eq3A_2242 : vector<1x32xf32>
      %jit3A_2244 = arith.constant 0.000000e+00 : f32
      %broadcast_in_dim3A_2245 = vector.shape_cast %eq3A_2243 : vector<1x32xi1> to vector<1x32xi1>
      %broadcast_in_dim3A_2246 = vector.broadcast %broadcast_in_dim3A_2245 : vector<1x32xi1> to vector<4x32xi1>
      %broadcast_in_dim3A_2247 = vector.shape_cast %broadcast_in_dim3A_2240 : vector<4x1xf32> to vector<4x1xf32>
      %broadcast_in_dim3A_2248 = vector.broadcast %broadcast_in_dim3A_2247 : vector<4x1xf32> to vector<4x32xf32>
      %broadcast_in_dim3A_2249 = vector.broadcast %jit3A_2244 : f32 to vector<4x32xf32>
      %select_n3A_2250 = arith.select %broadcast_in_dim3A_2246, %broadcast_in_dim3A_2248, %broadcast_in_dim3A_2249 : vector<4x32xi1>, vector<4x32xf32>
      %add3A_2251 = arith.addf %add3A_2229, %select_n3A_2250 : vector<4x32xf32>
      %le3A_2252 = arith.constant 2.300000e+01 : f32
      %le3A_2253 = vector.broadcast %le3A_2252 : f32 to vector<4x8192xf32>
      %le3A_2254 = arith.cmpf ole, %add3A_1742, %le3A_2253 : vector<4x8192xf32>
      %jit3A_2255 = arith.constant 1.000000e+00 : f32
      %jit3A_2256 = arith.constant 0.000000e+00 : f32
      %broadcast_in_dim3A_2257 = vector.broadcast %jit3A_2255 : f32 to vector<4x8192xf32>
      %broadcast_in_dim3A_2258 = vector.broadcast %jit3A_2256 : f32 to vector<4x8192xf32>
      %select_n3A_2259 = arith.select %le3A_2254, %broadcast_in_dim3A_2257, %broadcast_in_dim3A_2258 : vector<4x8192xi1>, vector<4x8192xf32>
      %reduce_sum3A_2260 = arith.constant dense<0.000000e+00> : vector<4xf32>
      %reduce_sum3A_2261 = vector.multi_reduction <add>, %select_n3A_2259, %reduce_sum3A_2260 [1] : vector<4x8192xf32> to vector<4xf32>
      %broadcast_in_dim3A_2262 = vector.shape_cast %reduce_sum3A_2261 : vector<4xf32> to vector<4x1xf32>
      %eq3A_2263 = arith.constant 2.300000e+01 : f32
      %eq3A_2264 = vector.broadcast %eq3A_2263 : f32 to vector<1x32xf32>
      %eq3A_2265 = arith.cmpf oeq, %convert_element_type3A_1744, %eq3A_2264 : vector<1x32xf32>
      %jit3A_2266 = arith.constant 0.000000e+00 : f32
      %broadcast_in_dim3A_2267 = vector.shape_cast %eq3A_2265 : vector<1x32xi1> to vector<1x32xi1>
      %broadcast_in_dim3A_2268 = vector.broadcast %broadcast_in_dim3A_2267 : vector<1x32xi1> to vector<4x32xi1>
      %broadcast_in_dim3A_2269 = vector.shape_cast %broadcast_in_dim3A_2262 : vector<4x1xf32> to vector<4x1xf32>
      %broadcast_in_dim3A_2270 = vector.broadcast %broadcast_in_dim3A_2269 : vector<4x1xf32> to vector<4x32xf32>
      %broadcast_in_dim3A_2271 = vector.broadcast %jit3A_2266 : f32 to vector<4x32xf32>
      %select_n3A_2272 = arith.select %broadcast_in_dim3A_2268, %broadcast_in_dim3A_2270, %broadcast_in_dim3A_2271 : vector<4x32xi1>, vector<4x32xf32>
      %add3A_2273 = arith.addf %add3A_2251, %select_n3A_2272 : vector<4x32xf32>
      %le3A_2274 = arith.constant 2.400000e+01 : f32
      %le3A_2275 = vector.broadcast %le3A_2274 : f32 to vector<4x8192xf32>
      %le3A_2276 = arith.cmpf ole, %add3A_1742, %le3A_2275 : vector<4x8192xf32>
      %jit3A_2277 = arith.constant 1.000000e+00 : f32
      %jit3A_2278 = arith.constant 0.000000e+00 : f32
      %broadcast_in_dim3A_2279 = vector.broadcast %jit3A_2277 : f32 to vector<4x8192xf32>
      %broadcast_in_dim3A_2280 = vector.broadcast %jit3A_2278 : f32 to vector<4x8192xf32>
      %select_n3A_2281 = arith.select %le3A_2276, %broadcast_in_dim3A_2279, %broadcast_in_dim3A_2280 : vector<4x8192xi1>, vector<4x8192xf32>
      %reduce_sum3A_2282 = arith.constant dense<0.000000e+00> : vector<4xf32>
      %reduce_sum3A_2283 = vector.multi_reduction <add>, %select_n3A_2281, %reduce_sum3A_2282 [1] : vector<4x8192xf32> to vector<4xf32>
      %broadcast_in_dim3A_2284 = vector.shape_cast %reduce_sum3A_2283 : vector<4xf32> to vector<4x1xf32>
      %eq3A_2285 = arith.constant 2.400000e+01 : f32
      %eq3A_2286 = vector.broadcast %eq3A_2285 : f32 to vector<1x32xf32>
      %eq3A_2287 = arith.cmpf oeq, %convert_element_type3A_1744, %eq3A_2286 : vector<1x32xf32>
      %jit3A_2288 = arith.constant 0.000000e+00 : f32
      %broadcast_in_dim3A_2289 = vector.shape_cast %eq3A_2287 : vector<1x32xi1> to vector<1x32xi1>
      %broadcast_in_dim3A_2290 = vector.broadcast %broadcast_in_dim3A_2289 : vector<1x32xi1> to vector<4x32xi1>
      %broadcast_in_dim3A_2291 = vector.shape_cast %broadcast_in_dim3A_2284 : vector<4x1xf32> to vector<4x1xf32>
      %broadcast_in_dim3A_2292 = vector.broadcast %broadcast_in_dim3A_2291 : vector<4x1xf32> to vector<4x32xf32>
      %broadcast_in_dim3A_2293 = vector.broadcast %jit3A_2288 : f32 to vector<4x32xf32>
      %select_n3A_2294 = arith.select %broadcast_in_dim3A_2290, %broadcast_in_dim3A_2292, %broadcast_in_dim3A_2293 : vector<4x32xi1>, vector<4x32xf32>
      %add3A_2295 = arith.addf %add3A_2273, %select_n3A_2294 : vector<4x32xf32>
      %le3A_2296 = arith.constant 2.500000e+01 : f32
      %le3A_2297 = vector.broadcast %le3A_2296 : f32 to vector<4x8192xf32>
      %le3A_2298 = arith.cmpf ole, %add3A_1742, %le3A_2297 : vector<4x8192xf32>
      %jit3A_2299 = arith.constant 1.000000e+00 : f32
      %jit3A_2300 = arith.constant 0.000000e+00 : f32
      %broadcast_in_dim3A_2301 = vector.broadcast %jit3A_2299 : f32 to vector<4x8192xf32>
      %broadcast_in_dim3A_2302 = vector.broadcast %jit3A_2300 : f32 to vector<4x8192xf32>
      %select_n3A_2303 = arith.select %le3A_2298, %broadcast_in_dim3A_2301, %broadcast_in_dim3A_2302 : vector<4x8192xi1>, vector<4x8192xf32>
      %reduce_sum3A_2304 = arith.constant dense<0.000000e+00> : vector<4xf32>
      %reduce_sum3A_2305 = vector.multi_reduction <add>, %select_n3A_2303, %reduce_sum3A_2304 [1] : vector<4x8192xf32> to vector<4xf32>
      %broadcast_in_dim3A_2306 = vector.shape_cast %reduce_sum3A_2305 : vector<4xf32> to vector<4x1xf32>
      %eq3A_2307 = arith.constant 2.500000e+01 : f32
      %eq3A_2308 = vector.broadcast %eq3A_2307 : f32 to vector<1x32xf32>
      %eq3A_2309 = arith.cmpf oeq, %convert_element_type3A_1744, %eq3A_2308 : vector<1x32xf32>
      %jit3A_2310 = arith.constant 0.000000e+00 : f32
      %broadcast_in_dim3A_2311 = vector.shape_cast %eq3A_2309 : vector<1x32xi1> to vector<1x32xi1>
      %broadcast_in_dim3A_2312 = vector.broadcast %broadcast_in_dim3A_2311 : vector<1x32xi1> to vector<4x32xi1>
      %broadcast_in_dim3A_2313 = vector.shape_cast %broadcast_in_dim3A_2306 : vector<4x1xf32> to vector<4x1xf32>
      %broadcast_in_dim3A_2314 = vector.broadcast %broadcast_in_dim3A_2313 : vector<4x1xf32> to vector<4x32xf32>
      %broadcast_in_dim3A_2315 = vector.broadcast %jit3A_2310 : f32 to vector<4x32xf32>
      %select_n3A_2316 = arith.select %broadcast_in_dim3A_2312, %broadcast_in_dim3A_2314, %broadcast_in_dim3A_2315 : vector<4x32xi1>, vector<4x32xf32>
      %add3A_2317 = arith.addf %add3A_2295, %select_n3A_2316 : vector<4x32xf32>
      %le3A_2318 = arith.constant 2.600000e+01 : f32
      %le3A_2319 = vector.broadcast %le3A_2318 : f32 to vector<4x8192xf32>
      %le3A_2320 = arith.cmpf ole, %add3A_1742, %le3A_2319 : vector<4x8192xf32>
      %jit3A_2321 = arith.constant 1.000000e+00 : f32
      %jit3A_2322 = arith.constant 0.000000e+00 : f32
      %broadcast_in_dim3A_2323 = vector.broadcast %jit3A_2321 : f32 to vector<4x8192xf32>
      %broadcast_in_dim3A_2324 = vector.broadcast %jit3A_2322 : f32 to vector<4x8192xf32>
      %select_n3A_2325 = arith.select %le3A_2320, %broadcast_in_dim3A_2323, %broadcast_in_dim3A_2324 : vector<4x8192xi1>, vector<4x8192xf32>
      %reduce_sum3A_2326 = arith.constant dense<0.000000e+00> : vector<4xf32>
      %reduce_sum3A_2327 = vector.multi_reduction <add>, %select_n3A_2325, %reduce_sum3A_2326 [1] : vector<4x8192xf32> to vector<4xf32>
      %broadcast_in_dim3A_2328 = vector.shape_cast %reduce_sum3A_2327 : vector<4xf32> to vector<4x1xf32>
      %eq3A_2329 = arith.constant 2.600000e+01 : f32
      %eq3A_2330 = vector.broadcast %eq3A_2329 : f32 to vector<1x32xf32>
      %eq3A_2331 = arith.cmpf oeq, %convert_element_type3A_1744, %eq3A_2330 : vector<1x32xf32>
      %jit3A_2332 = arith.constant 0.000000e+00 : f32
      %broadcast_in_dim3A_2333 = vector.shape_cast %eq3A_2331 : vector<1x32xi1> to vector<1x32xi1>
      %broadcast_in_dim3A_2334 = vector.broadcast %broadcast_in_dim3A_2333 : vector<1x32xi1> to vector<4x32xi1>
      %broadcast_in_dim3A_2335 = vector.shape_cast %broadcast_in_dim3A_2328 : vector<4x1xf32> to vector<4x1xf32>
      %broadcast_in_dim3A_2336 = vector.broadcast %broadcast_in_dim3A_2335 : vector<4x1xf32> to vector<4x32xf32>
      %broadcast_in_dim3A_2337 = vector.broadcast %jit3A_2332 : f32 to vector<4x32xf32>
      %select_n3A_2338 = arith.select %broadcast_in_dim3A_2334, %broadcast_in_dim3A_2336, %broadcast_in_dim3A_2337 : vector<4x32xi1>, vector<4x32xf32>
      %add3A_2339 = arith.addf %add3A_2317, %select_n3A_2338 : vector<4x32xf32>
      %le3A_2340 = arith.constant 2.700000e+01 : f32
      %le3A_2341 = vector.broadcast %le3A_2340 : f32 to vector<4x8192xf32>
      %le3A_2342 = arith.cmpf ole, %add3A_1742, %le3A_2341 : vector<4x8192xf32>
      %jit3A_2343 = arith.constant 1.000000e+00 : f32
      %jit3A_2344 = arith.constant 0.000000e+00 : f32
      %broadcast_in_dim3A_2345 = vector.broadcast %jit3A_2343 : f32 to vector<4x8192xf32>
      %broadcast_in_dim3A_2346 = vector.broadcast %jit3A_2344 : f32 to vector<4x8192xf32>
      %select_n3A_2347 = arith.select %le3A_2342, %broadcast_in_dim3A_2345, %broadcast_in_dim3A_2346 : vector<4x8192xi1>, vector<4x8192xf32>
      %reduce_sum3A_2348 = arith.constant dense<0.000000e+00> : vector<4xf32>
      %reduce_sum3A_2349 = vector.multi_reduction <add>, %select_n3A_2347, %reduce_sum3A_2348 [1] : vector<4x8192xf32> to vector<4xf32>
      %broadcast_in_dim3A_2350 = vector.shape_cast %reduce_sum3A_2349 : vector<4xf32> to vector<4x1xf32>
      %eq3A_2351 = arith.constant 2.700000e+01 : f32
      %eq3A_2352 = vector.broadcast %eq3A_2351 : f32 to vector<1x32xf32>
      %eq3A_2353 = arith.cmpf oeq, %convert_element_type3A_1744, %eq3A_2352 : vector<1x32xf32>
      %jit3A_2354 = arith.constant 0.000000e+00 : f32
      %broadcast_in_dim3A_2355 = vector.shape_cast %eq3A_2353 : vector<1x32xi1> to vector<1x32xi1>
      %broadcast_in_dim3A_2356 = vector.broadcast %broadcast_in_dim3A_2355 : vector<1x32xi1> to vector<4x32xi1>
      %broadcast_in_dim3A_2357 = vector.shape_cast %broadcast_in_dim3A_2350 : vector<4x1xf32> to vector<4x1xf32>
      %broadcast_in_dim3A_2358 = vector.broadcast %broadcast_in_dim3A_2357 : vector<4x1xf32> to vector<4x32xf32>
      %broadcast_in_dim3A_2359 = vector.broadcast %jit3A_2354 : f32 to vector<4x32xf32>
      %select_n3A_2360 = arith.select %broadcast_in_dim3A_2356, %broadcast_in_dim3A_2358, %broadcast_in_dim3A_2359 : vector<4x32xi1>, vector<4x32xf32>
      %add3A_2361 = arith.addf %add3A_2339, %select_n3A_2360 : vector<4x32xf32>
      %le3A_2362 = arith.constant 2.800000e+01 : f32
      %le3A_2363 = vector.broadcast %le3A_2362 : f32 to vector<4x8192xf32>
      %le3A_2364 = arith.cmpf ole, %add3A_1742, %le3A_2363 : vector<4x8192xf32>
      %jit3A_2365 = arith.constant 1.000000e+00 : f32
      %jit3A_2366 = arith.constant 0.000000e+00 : f32
      %broadcast_in_dim3A_2367 = vector.broadcast %jit3A_2365 : f32 to vector<4x8192xf32>
      %broadcast_in_dim3A_2368 = vector.broadcast %jit3A_2366 : f32 to vector<4x8192xf32>
      %select_n3A_2369 = arith.select %le3A_2364, %broadcast_in_dim3A_2367, %broadcast_in_dim3A_2368 : vector<4x8192xi1>, vector<4x8192xf32>
      %reduce_sum3A_2370 = arith.constant dense<0.000000e+00> : vector<4xf32>
      %reduce_sum3A_2371 = vector.multi_reduction <add>, %select_n3A_2369, %reduce_sum3A_2370 [1] : vector<4x8192xf32> to vector<4xf32>
      %broadcast_in_dim3A_2372 = vector.shape_cast %reduce_sum3A_2371 : vector<4xf32> to vector<4x1xf32>
      %eq3A_2373 = arith.constant 2.800000e+01 : f32
      %eq3A_2374 = vector.broadcast %eq3A_2373 : f32 to vector<1x32xf32>
      %eq3A_2375 = arith.cmpf oeq, %convert_element_type3A_1744, %eq3A_2374 : vector<1x32xf32>
      %jit3A_2376 = arith.constant 0.000000e+00 : f32
      %broadcast_in_dim3A_2377 = vector.shape_cast %eq3A_2375 : vector<1x32xi1> to vector<1x32xi1>
      %broadcast_in_dim3A_2378 = vector.broadcast %broadcast_in_dim3A_2377 : vector<1x32xi1> to vector<4x32xi1>
      %broadcast_in_dim3A_2379 = vector.shape_cast %broadcast_in_dim3A_2372 : vector<4x1xf32> to vector<4x1xf32>
      %broadcast_in_dim3A_2380 = vector.broadcast %broadcast_in_dim3A_2379 : vector<4x1xf32> to vector<4x32xf32>
      %broadcast_in_dim3A_2381 = vector.broadcast %jit3A_2376 : f32 to vector<4x32xf32>
      %select_n3A_2382 = arith.select %broadcast_in_dim3A_2378, %broadcast_in_dim3A_2380, %broadcast_in_dim3A_2381 : vector<4x32xi1>, vector<4x32xf32>
      %add3A_2383 = arith.addf %add3A_2361, %select_n3A_2382 : vector<4x32xf32>
      %le3A_2384 = arith.constant 2.900000e+01 : f32
      %le3A_2385 = vector.broadcast %le3A_2384 : f32 to vector<4x8192xf32>
      %le3A_2386 = arith.cmpf ole, %add3A_1742, %le3A_2385 : vector<4x8192xf32>
      %jit3A_2387 = arith.constant 1.000000e+00 : f32
      %jit3A_2388 = arith.constant 0.000000e+00 : f32
      %broadcast_in_dim3A_2389 = vector.broadcast %jit3A_2387 : f32 to vector<4x8192xf32>
      %broadcast_in_dim3A_2390 = vector.broadcast %jit3A_2388 : f32 to vector<4x8192xf32>
      %select_n3A_2391 = arith.select %le3A_2386, %broadcast_in_dim3A_2389, %broadcast_in_dim3A_2390 : vector<4x8192xi1>, vector<4x8192xf32>
      %reduce_sum3A_2392 = arith.constant dense<0.000000e+00> : vector<4xf32>
      %reduce_sum3A_2393 = vector.multi_reduction <add>, %select_n3A_2391, %reduce_sum3A_2392 [1] : vector<4x8192xf32> to vector<4xf32>
      %broadcast_in_dim3A_2394 = vector.shape_cast %reduce_sum3A_2393 : vector<4xf32> to vector<4x1xf32>
      %eq3A_2395 = arith.constant 2.900000e+01 : f32
      %eq3A_2396 = vector.broadcast %eq3A_2395 : f32 to vector<1x32xf32>
      %eq3A_2397 = arith.cmpf oeq, %convert_element_type3A_1744, %eq3A_2396 : vector<1x32xf32>
      %jit3A_2398 = arith.constant 0.000000e+00 : f32
      %broadcast_in_dim3A_2399 = vector.shape_cast %eq3A_2397 : vector<1x32xi1> to vector<1x32xi1>
      %broadcast_in_dim3A_2400 = vector.broadcast %broadcast_in_dim3A_2399 : vector<1x32xi1> to vector<4x32xi1>
      %broadcast_in_dim3A_2401 = vector.shape_cast %broadcast_in_dim3A_2394 : vector<4x1xf32> to vector<4x1xf32>
      %broadcast_in_dim3A_2402 = vector.broadcast %broadcast_in_dim3A_2401 : vector<4x1xf32> to vector<4x32xf32>
      %broadcast_in_dim3A_2403 = vector.broadcast %jit3A_2398 : f32 to vector<4x32xf32>
      %select_n3A_2404 = arith.select %broadcast_in_dim3A_2400, %broadcast_in_dim3A_2402, %broadcast_in_dim3A_2403 : vector<4x32xi1>, vector<4x32xf32>
      %add3A_2405 = arith.addf %add3A_2383, %select_n3A_2404 : vector<4x32xf32>
      %le3A_2406 = arith.constant 3.000000e+01 : f32
      %le3A_2407 = vector.broadcast %le3A_2406 : f32 to vector<4x8192xf32>
      %le3A_2408 = arith.cmpf ole, %add3A_1742, %le3A_2407 : vector<4x8192xf32>
      %jit3A_2409 = arith.constant 1.000000e+00 : f32
      %jit3A_2410 = arith.constant 0.000000e+00 : f32
      %broadcast_in_dim3A_2411 = vector.broadcast %jit3A_2409 : f32 to vector<4x8192xf32>
      %broadcast_in_dim3A_2412 = vector.broadcast %jit3A_2410 : f32 to vector<4x8192xf32>
      %select_n3A_2413 = arith.select %le3A_2408, %broadcast_in_dim3A_2411, %broadcast_in_dim3A_2412 : vector<4x8192xi1>, vector<4x8192xf32>
      %reduce_sum3A_2414 = arith.constant dense<0.000000e+00> : vector<4xf32>
      %reduce_sum3A_2415 = vector.multi_reduction <add>, %select_n3A_2413, %reduce_sum3A_2414 [1] : vector<4x8192xf32> to vector<4xf32>
      %broadcast_in_dim3A_2416 = vector.shape_cast %reduce_sum3A_2415 : vector<4xf32> to vector<4x1xf32>
      %eq3A_2417 = arith.constant 3.000000e+01 : f32
      %eq3A_2418 = vector.broadcast %eq3A_2417 : f32 to vector<1x32xf32>
      %eq3A_2419 = arith.cmpf oeq, %convert_element_type3A_1744, %eq3A_2418 : vector<1x32xf32>
      %jit3A_2420 = arith.constant 0.000000e+00 : f32
      %broadcast_in_dim3A_2421 = vector.shape_cast %eq3A_2419 : vector<1x32xi1> to vector<1x32xi1>
      %broadcast_in_dim3A_2422 = vector.broadcast %broadcast_in_dim3A_2421 : vector<1x32xi1> to vector<4x32xi1>
      %broadcast_in_dim3A_2423 = vector.shape_cast %broadcast_in_dim3A_2416 : vector<4x1xf32> to vector<4x1xf32>
      %broadcast_in_dim3A_2424 = vector.broadcast %broadcast_in_dim3A_2423 : vector<4x1xf32> to vector<4x32xf32>
      %broadcast_in_dim3A_2425 = vector.broadcast %jit3A_2420 : f32 to vector<4x32xf32>
      %select_n3A_2426 = arith.select %broadcast_in_dim3A_2422, %broadcast_in_dim3A_2424, %broadcast_in_dim3A_2425 : vector<4x32xi1>, vector<4x32xf32>
      %add3A_2427 = arith.addf %add3A_2405, %select_n3A_2426 : vector<4x32xf32>
      %le3A_2428 = arith.constant 3.100000e+01 : f32
      %le3A_2429 = vector.broadcast %le3A_2428 : f32 to vector<4x8192xf32>
      %le3A_2430 = arith.cmpf ole, %add3A_1742, %le3A_2429 : vector<4x8192xf32>
      %jit3A_2431 = arith.constant 1.000000e+00 : f32
      %jit3A_2432 = arith.constant 0.000000e+00 : f32
      %broadcast_in_dim3A_2433 = vector.broadcast %jit3A_2431 : f32 to vector<4x8192xf32>
      %broadcast_in_dim3A_2434 = vector.broadcast %jit3A_2432 : f32 to vector<4x8192xf32>
      %select_n3A_2435 = arith.select %le3A_2430, %broadcast_in_dim3A_2433, %broadcast_in_dim3A_2434 : vector<4x8192xi1>, vector<4x8192xf32>
      %reduce_sum3A_2436 = arith.constant dense<0.000000e+00> : vector<4xf32>
      %reduce_sum3A_2437 = vector.multi_reduction <add>, %select_n3A_2435, %reduce_sum3A_2436 [1] : vector<4x8192xf32> to vector<4xf32>
      %broadcast_in_dim3A_2438 = vector.shape_cast %reduce_sum3A_2437 : vector<4xf32> to vector<4x1xf32>
      %eq3A_2439 = arith.constant 3.100000e+01 : f32
      %eq3A_2440 = vector.broadcast %eq3A_2439 : f32 to vector<1x32xf32>
      %eq3A_2441 = arith.cmpf oeq, %convert_element_type3A_1744, %eq3A_2440 : vector<1x32xf32>
      %jit3A_2442 = arith.constant 0.000000e+00 : f32
      %broadcast_in_dim3A_2443 = vector.shape_cast %eq3A_2441 : vector<1x32xi1> to vector<1x32xi1>
      %broadcast_in_dim3A_2444 = vector.broadcast %broadcast_in_dim3A_2443 : vector<1x32xi1> to vector<4x32xi1>
      %broadcast_in_dim3A_2445 = vector.shape_cast %broadcast_in_dim3A_2438 : vector<4x1xf32> to vector<4x1xf32>
      %broadcast_in_dim3A_2446 = vector.broadcast %broadcast_in_dim3A_2445 : vector<4x1xf32> to vector<4x32xf32>
      %broadcast_in_dim3A_2447 = vector.broadcast %jit3A_2442 : f32 to vector<4x32xf32>
      %select_n3A_2448 = arith.select %broadcast_in_dim3A_2444, %broadcast_in_dim3A_2446, %broadcast_in_dim3A_2447 : vector<4x32xi1>, vector<4x32xf32>
      %add3A_2449 = arith.addf %add3A_2427, %select_n3A_2448 : vector<4x32xf32>
      %iota3A_2450 = tpu.iota {dimensions = array<i32: 0>} : vector<4x32xi32>
      %convert_element_type3A_2451 = arith.sitofp %iota3A_2450 : vector<4x32xi32> to vector<4x32xf32>
      %mul3A_2452 = arith.constant 8.192000e+03 : f32
      %mul3A_2453 = vector.broadcast %mul3A_2452 : f32 to vector<4x32xf32>
      %mul3A_2454 = arith.mulf %convert_element_type3A_2451, %mul3A_2453 : vector<4x32xf32>
      %add3A_2455 = arith.addf %add3A_2449, %mul3A_2454 : vector<4x32xf32>
      %convert_element_type3A_2456 = arith.fptosi %add3A_2455 : vector<4x32xf32> to vector<4x32xi32>
      %reshape3A = vector.shape_cast %convert_element_type3A_2456 : vector<4x32xi32> to vector<4x1x32xi32>
      %swap3A_2457 = arith.constant 0 : index
      %swap3A_2458 = arith.constant 0 : index
      %swap3A_2459 = arith.constant 0 : index
      %swap3A_2460 = vector.load %arg6[%swap3A_2457, %swap3A_2458, %swap3A_2459] : memref<4x1x32xi32, #tpu.memory_space<vmem>>, vector<4x1x32xi32>
      tpu.vector_store %arg6[%swap3A_2457, %swap3A_2458, %swap3A_2459], %reshape3A {strides = array<i32>} : memref<4x1x32xi32, #tpu.memory_space<vmem>>, vector<4x1x32xi32>,
    } else {
    }
    return
  }
  func.func @transform_0(%arg0: i32, %arg1: i32) -> (i32, i32, i32) {
    %c0_i32 = arith.constant 0 : i32
    %c0_i32_0 = arith.constant 0 : i32
    %c0_i32_1 = arith.constant 0 : i32
    return %arg0, %c0_i32, %c0_i32_0 : i32, i32, i32
  }
  func.func @transform_1(%arg0: i32, %arg1: i32) -> (i32, i32, i32) {
    %c0_i32 = arith.constant 0 : i32
    %c0_i32_0 = arith.constant 0 : i32
    %c0_i32_1 = arith.constant 0 : i32
    return %arg0, %c0_i32, %c0_i32_0 : i32, i32, i32
  }
  func.func @transform_2(%arg0: i32, %arg1: i32) -> (i32, i32, i32) {
    %c0_i32 = arith.constant 0 : i32
    %c0_i32_0 = arith.constant 0 : i32
    return %arg0, %arg1, %c0_i32 : i32, i32, i32
  }
  func.func @transform_3(%arg0: i32, %arg1: i32) -> (i32, i32, i32) {
    %c0_i32 = arith.constant 0 : i32
    %c0_i32_0 = arith.constant 0 : i32
    %c0_i32_1 = arith.constant 0 : i32
    %c0_i32_2 = arith.constant 0 : i32
    return %c0_i32, %c0_i32_0, %c0_i32_1 : i32, i32, i32
  }
  func.func @transform_4(%arg0: i32, %arg1: i32) -> (i32, i32, i32) {
    %c0_i32 = arith.constant 0 : i32
    %c0_i32_0 = arith.constant 0 : i32
    %c0_i32_1 = arith.constant 0 : i32
    %c0_i32_2 = arith.constant 0 : i32
    return %c0_i32, %c0_i32_0, %c0_i32_1 : i32, i32, i32
  }
}

</mosaic_0001>

<sc_bundles>
// kernel: kernel.4.cloned.1.call-start
scs
__scs_entry_jumppad:
0x0: {  	(pc) =	sbr.rel $0x88, $3  }
0x1: {  	(tag) =	ssettag $0x0;
	lr =	simm.s32 $0x1  }
0x2: {  	[smem:$0x3F9E] =	sst lr;
	_ =	strace $0xD0000000  }
0x3: {  	_ = 	snop  }
0x4: {  	_ = 	snop  }
0x5: {  	_ = 	snop  }
0x6: {  	_ = 	snop  }
0x7: {  	_ = 	snop  }
__scs_overlays_trampoline_lowered:
0x8: {  	[smem:$0x3FAD] =	sst s0  }
0x9: {  	[smem:$0x3FAE] =	sst s1  }
0xa: {  	[smem:$0x3FAF] =	sst s2  }
0xb: {  	[smem:$0x3FB0] =	sst s3  }
0xc: {  	[smem:$0x3FB1] =	sst s4  }
0xd: {  	[smem:$0x3FB2] =	sst s5  }
0xe: {  	[smem:$0x3FB3] =	sst s6  }
0xf: {  	[smem:$0x3FB4] =	sst s7  }
0x10: {  	[smem:$0x3FB5] =	sst s8  }
0x11: {  	[smem:$0x3FB6] =	sst s9;
	s0 =	simm.s32 @!p0 $0x0  }
0x12: {  	s1 =	sld [smem:$0x3F9C];
	s0 =	simm.s32 @p0 $0x1  }
0x13: {  	[smem:$0x3FB7] =	sst s0;
	s0 =	simm.s32 @!p1 $0x0  }
0x14: {  	s2 =	sld [smem:$0x3F9B];
	s0 =	simm.s32 @p1 $0x1  }
0x15: {  	[smem:$0x3FB8] =	sst s0;
	s0 =	simm.s32 @!p2 $0x0  }
0x16: {  	s3 =	sld [smem:$0x3FDB];
	s0 =	simm.s32 @p2 $0x1  }
0x17: {  	s4 =	simm.s32 $0x1BF5;
	[smem:$0x3FBA] =	sst s0  }
0x18: {  	s0 =	sld [smem:$0x3F9D];
	_ =	swait.ge [sflag:s4], $0x0  }
0x19: {  	s7 =	sld [smem:$0x3F9E]  }
0x1a: {  	s8 =	sadd.s32 $0xFFFFE003, lr  }
0x1b: {  	s9 =	sadd.s32 $0xFFFFFEF7, lr;
	s5 =	simm.s32 $0xFFFFFFFF;
	p2 =	slt.u32 s8, $0xFFFFF086  }
0x1c: {  	p1 =	slt.u32 s9, $0xF7A;
	s5 =	simm.s32 @!p2 $0x0  }
0x1d: {  	s5 =	simm.s32 @p1 $0x1;
	p0 =	seq.s32 s7, s2  }
0x1e: {  	s7 =	smul.u32 @!p0 $0xF7A, s2;
	p2 =	seq.s32 @!p0 s5, $0x0  }
0x1f: {  	s9 =	smul.u32 $0xF7A, s1;
	s8 =	simm.s32 @!p0 $0x1BF5;
	p2 =	por !p2, p0  }
0x20: {  	[sflag:s8] =	ssyncset.s32 @!p0 $0xFFFFF086;
	s6 =	sadd.s32 @!p0 s3, s7;
	s7 =	simm.s32 @!p0 $0x108  }
0x21: {  	s3 =	sadd.s32 s3, s9;
	s6 =	sadd.s32 @!p0 $0x88, s6;
	s7 =	simm.s32 @p2 $0x1082  }
0x22: {  	[simem:s7], [sflag:s8] =	dma.local @!p0 [hbm:s6], $0xF7A  }
0x23: {  	s9 =	sor.u32 $0xD0000000, s2;
	s6 =	simm.s32 $0x108;
	_ =	swait.ge @!p0 [sflag:s8], $0x0  }
0x24: {  	s3 =	sadd.s32 $0x88, s3;
	s6 =	simm.s32 @!p1 $0x1082;
	[sflag:s4] =	ssyncset.s32 $0xFFFFF086  }
0x25: {  	[simem:s6], [sflag:s4] =	dma.local [hbm:s3], $0xF7A  }
0x26: {  	[smem:$0x3F9E] =	sst s1;
	(tag) =	ssettag s2;
	_ =	strace s9  }
0x27: {  	s1 =	sld [smem:$0x3FAE]  }
0x28: {  	s2 =	sld [smem:$0x3FAF]  }
0x29: {  	s4 =	sld [smem:$0x3FB1]  }
0x2a: {  	p0 =	seq.s32 s5, $0x0;
	s5 =	sld [smem:$0x3FB2]  }
0x2b: {  	s6 =	sld [smem:$0x3FB3]  }
0x2c: {  	s7 =	sld [smem:$0x3FB4]  }
0x2d: {  	s3 =	simm.s32 $0x108;
	s8 =	sld [smem:$0x3FB5]  }
0x2e: {  	s3 =	simm.s32 @!p0 $0x1082;
	s9 =	sld [smem:$0x3FB6]  }
0x2f: {  	lr =	sadd.s32 s0, s3;
	s0 =	sld [smem:$0x3FAD]  }
0x30: {  	s3 =	sld [smem:$0x3FB0]  }
0x31: {  	[smem:$0x3FB9] =	sst s10  }
0x32: {  	s10 =	sld [smem:$0x3FB7];
	_ =	sdelay $0x3  }
0x33: {  	p0 =	seq.s32 s10, $0x1;
	s10 =	sld [smem:$0x3FB9];
	_ =	sdelay $0x3  }
0x34: {  	[smem:$0x3FB9] =	sst s10  }
0x35: {  	s10 =	sld [smem:$0x3FB8];
	_ =	sdelay $0x3  }
0x36: {  	p1 =	seq.s32 s10, $0x1;
	s10 =	sld [smem:$0x3FB9];
	_ =	sdelay $0x3  }
0x37: {  	[smem:$0x3FB9] =	sst s10  }
0x38: {  	s10 =	sld [smem:$0x3FBA]  }
0x39: {  	_ = 	snop;
	(pc) =	sbr.ind lr, $3  }
0x3a: {  	_ = 	snop  }
0x3b: {  	_ = 	snop  }
0x3c: {  	p2 =	seq.s32 s10, $0x1;
	s10 =	sld [smem:$0x3FB9]  }
0x3d: {  	_ =	shalt  }
0x3e: {  	_ =	shalt  }
0x3f: {  	_ =	shalt  }
0x40: {  	_ =	shalt  }
0x41: {  	_ =	shalt  }
0x42: {  	_ =	shalt  }
0x43: {  	_ =	shalt  }
0x44: {  	_ =	shalt  }
0x45: {  	_ =	shalt  }
0x46: {  	_ =	shalt  }
0x47: {  	_ =	shalt  }
0x48: {  	_ =	shalt  }
0x49: {  	_ =	shalt  }
0x4a: {  	_ =	shalt  }
0x4b: {  	_ =	shalt  }
0x4c: {  	_ =	shalt  }
0x4d: {  	_ =	shalt  }
0x4e: {  	_ =	shalt  }
0x4f: {  	_ =	shalt  }
0x50: {  	_ =	shalt  }
0x51: {  	_ =	shalt  }
0x52: {  	_ =	shalt  }
0x53: {  	_ =	shalt  }
0x54: {  	_ =	shalt  }
0x55: {  	_ =	shalt  }
0x56: {  	_ =	shalt  }
0x57: {  	_ =	shalt  }
0x58: {  	_ =	shalt  }
0x59: {  	_ =	shalt  }
0x5a: {  	_ =	shalt  }
0x5b: {  	_ =	shalt  }
0x5c: {  	_ =	shalt  }
0x5d: {  	_ =	shalt  }
0x5e: {  	_ =	shalt  }
0x5f: {  	_ =	shalt  }
0x60: {  	_ =	shalt  }
0x61: {  	_ =	shalt  }
0x62: {  	_ =	shalt  }
0x63: {  	_ =	shalt  }
0x64: {  	_ =	shalt  }
0x65: {  	_ =	shalt  }
0x66: {  	_ =	shalt  }
0x67: {  	_ =	shalt  }
0x68: {  	_ =	shalt  }
0x69: {  	_ =	shalt  }
0x6a: {  	_ =	shalt  }
0x6b: {  	_ =	shalt  }
0x6c: {  	_ =	shalt  }
0x6d: {  	_ =	shalt  }
0x6e: {  	_ =	shalt  }
0x6f: {  	_ =	shalt  }
0x70: {  	_ =	shalt  }
0x71: {  	_ =	shalt  }
0x72: {  	_ =	shalt  }
0x73: {  	_ =	shalt  }
0x74: {  	_ =	shalt  }
0x75: {  	_ =	shalt  }
0x76: {  	_ =	shalt  }
0x77: {  	_ =	shalt  }
0x78: {  	_ =	shalt  }
0x79: {  	_ =	shalt  }
0x7a: {  	_ =	shalt  }
0x7b: {  	_ =	shalt  }
0x7c: {  	_ =	shalt  }
0x7d: {  	_ =	shalt  }
0x7e: {  	_ =	shalt  }
0x7f: {  	_ =	shalt  }
0x80: {  	_ =	shalt  }
0x81: {  	_ =	shalt  }
0x82: {  	_ =	shalt  }
0x83: {  	_ =	shalt  }
0x84: {  	_ =	shalt  }
0x85: {  	_ =	shalt  }
0x86: {  	_ =	shalt  }
0x87: {  	_ =	shalt  }
.Lfunc_end0:
.L_simem_size_0:
called_computation_lowered:
.L_overlay_start_0:
0x88: {  	s2 =	sld [smem:$0x3FD9]  }
0x89: {  	s3 =	sld [smem:$0x3FFE];
	_ =	sdelay $0x1  }
0x8a: {  	s1 =	srdreg.scid  }
0x8b: {  	s0 =	sand.u32 $0x1, s1  }
0x8c: {  	s17 =	sshll.u32 s0, $0xA;
	s2 =	sadd.s32 s3, s2  }
0x8d: {  	s2 =	sadd.s32 s2, s17  }
0x8e: {  	[smem:$0x3FC5] =	sst s2  }
0x8f: {  	_ = 	snop  }
0x90: {  	s2 =	sld [smem:$0x3FC9]  }
0x91: {  	s18 =	sld [smem:$0x3FD0];
	(tm) =	ssettm $0x1  }
0x92: {  	s4 =	sld [smem:$0x3FFB];
	_ =	sdelay $0x3  }
0x93: {  	_ =	strace s4  }
0x94: {  	s4 =	sld [smem:$0x3FFC];
	_ =	sdelay $0x3  }
0x95: {  	_ =	strace s4  }
0x96: {  	s4 =	sld [smem:$0x3FFD];
	_ =	sdelay $0x3  }
0x97: {  	_ =	strace s4  }
0x98: {  	_ =	strace $0x8FFFFFFF  }
0x99: {  	s19 =	sld [smem:$0x3FDB];
	_ =	sdelay $0x1  }
0x9a: {  	s5 =	simm.s32 $_scs_section_size  }
0x9b: {  	s6 =	simm.s32 $_size__tile_overlayer_lowered;
	s7 =	simm.s32 $_tile_overlayer_lowered  }
0x9c: {  	s22 =	simm.s32 $0x1BFF;
	s21 =	sshll.u32 s7, $0x1;
	s4 =	sadd.s32 s5, s19  }
0x9d: {  	s8 =	simm.s32 $0x0;
	s20 =	sshll.u32 s6, $0x1;
	s6 =	sadd.s32 s21, s4  }
0x9e: {  	[timem:s8], [sflag:s22] =	dma.local [hbm:s6], s20  }
0x9f: {  	_ =	swait.ge [sflag:s22], s20  }
0xa0: {  	s5 =	ssub.s32 $0x0, s20;
	[sflag:s22] =	ssyncset.done $0x0  }
0xa1: {  	[sflag:s22] =	ssyncadd.s32 s5;
	_ =	sdelay $0x1  }
0xa2: {  	s23 =	simm.s32 $0x1B8B  }
0xa3: {  	_ =	swait.ge [sflag:s23], $0x1  }
0xa4: {  	[sflag:s23] =	ssyncset.done $0x0  }
0xa5: {  	s25 =	simm.s32 $0x1B8E;
	s24 =	sld [smem:$0x3FFE];
	[sflag:s23] =	ssyncadd.s32 $0xFFFFFFFF  }
0xa6: {  	s26 =	simm.s32 $execute0_lowered;
	[smem:$0x3FD2] =	sst s25  }
0xa7: {  	s6 =	sshll.u32 s26, $0x1;
	_ =	strace $0x80000046;
	[dreg:$0x1] =	wrdreg $0xFFFFFFFF  }
0xa8: {  	s28 =	simm.s32 $_size_execute0_lowered;
	s4 =	sadd.s32 s4, s6;
	[dreg:$0x0] =	wrdreg $0x0  }
0xa9: {  	s6 =	sshll.u32 s28, $0x1;
	[dreg:$0x2] =	wrdreg s4  }
0xaa: {  	[dreg:$0x3] =	wrdreg s6  }
0xab: {  	[dreg:$0x4] =	wrdreg $0xC0  }
0xac: {  	_ =	task [dreg:s8], $0x5FFFF  }
0xad: {  	[dreg:$0x1] =	wrdreg $0xFFFFFFFF  }
0xae: {  	[dreg:$0x0] =	wrdreg $0x60  }
0xaf: {  	[dreg:$0x2] =	wrdreg s2  }
0xb0: {  	[dreg:$0x3] =	wrdreg s24  }
0xb1: {  	[dreg:$0x4] =	wrdreg s18  }
0xb2: {  	[dreg:$0x5] =	wrdreg $0x9  }
0xb3: {  	_ =	task.clear_ibuf [dreg:s8], $0x6FFFF;
	_ =	strace $0x90000046  }
0xb4: {  	s29 =	simm.s32 $0x9;
	_ =	strace $0x80000048  }
0xb5: {  	_ =	swait.ge [sflag:s29], $0x1  }
0xb6: {  	[sflag:s29] =	ssyncadd.s32 $0xFFFFFFFF  }
0xb7: {  	_ =	strace $0x90000048  }
0xb8: {  	_ =	sfence  }
0xb9: {  	s30 =	sld [smem:$0x0];
	_ =	sdelay $0x2  }
0xba: {  	s31 =	sshll.u32 s1, $0xD;
	s1 =	sshrl.u32 s1, $0x2  }
0xbb: {  	s3 =	sand.u32 $0x4000, s31;
	s1 =	sadd.s32 s1, s30  }
0xbc: {  	s0 =	sor.u32 s3, s0;
	s1 =	sshll.u32 s1, $0x11  }
0xbd: {  	s0 =	sor.u32 s1, s0  }
0xbe: {  	s0 =	sadd.s32 $0x8F2B, s0  }
0xbf: {  	[sflag:s0] =	ssyncadd.remote.s32 $0x1  }
0xc0: {  	_ =	sfence.sel $0xFFFF  }
0xc1: {  	[dreg:$0x0] =	wrdreg $0xFFFFFFFF;
	(pc) =	sbr.abs _section_cstart, $3  }
0xc2: {  	[dreg:$0x1] =	wrdreg $0xFFFFFFFF  }
0xc3: {  	_ =	task.clear_ibuf [dreg:s8], $0x2FFFF;
	_ =	strace $0x9FFFFFFF  }
0xc4: {  	(tm) =	ssettm $0x7FFFFFFF  }
0xc5: {  	_ =	shalt  }
tec
execute0_lowered:
.L_overlay_start_1:
0x0: {  	(tag) =	ssettag $0x1  }
0x1: {  	s1 =	stileid.u32  }
0x2: {  	p0 =	sgt.u32 s1, $0x7  }
.Ltmp0:
0x3: {  	s2 =	rddreg [dreg:$0x0];
	(pc) =	sbr.rel @p0 .LBB2_4-.Ltmp0, $4  }
0x4: {  	s4 =	rddreg [dreg:$0x1]  }
0x5: {  	s12 =	rddreg [dreg:$0x2];
	s3 =	simm.s32 $0x0  }
0x6: {  	[smem:$0x7FF] =	sst s3  }
0x7: {  	s0 =	rddreg [dreg:$0x3];
	_ =	strace $0x80000047  }
0x8: {  	s5 =	srdreg.scid  }
0x9: {  	s30 =	sshll.u32 s1, $0x1;
	s10 =	sand.u32 $0x1, s5  }
0xa: {  	s4 =	sadd.s32 $0x400, s4;
	s13 =	sor.u32 s10, s30  }
0xb: {  	s5 =	sadd.s32 s4, s13;
	s4 =	simm.s32 $0x2  }
0xc: {  	[tilespmem:s3], [sflag:$0x2] =	stream.linear.gather [hbm4b:s5+s3], $0x8, $0x38;
	[tilespmem:$0x1880] =	vst v63  }
0xd: {  	_ =	swait.ge [sflag:s4], $0x8  }
0xe: {  	[sflag:s4] =	ssyncset.done $0x0  }
0xf: {  	[sflag:s4] =	ssyncadd.s32 $0xFFFFFFF8  }
0x10: {  	v0 =	vld.msk [tilespmem:$0x0], $0xff;
	_ =	sdelay $0x4  }
0x11: {  	v1 =	vshrl.u32 v0, $0x3  }
0x12: {  	v1 =	vmul.u32 $0x30, v1  }
0x13: {  	v2 =	vlaneseq.u32;
	v3 =	vand.u32 $0x7, v0  }
0x14: {  	v0 =	vand.u32 $0x7, v2;
	v2 =	vshrl.u32 v2, $0x3;
	v3 =	vor.u32 v3, v1  }
0x15: {  	v1 =	vmul.u32 $0x8, v2;
	v2 =	vperm.xlane v3, v0;
	_ =	sdelay $0x1  }
0x16: {  	v2 =	vadd.s32 v1, v2;
	_ =	sdelay $0x2  }
0x17: {  	s14 =	ssub.s32 $0x2, s10  }
0x18: {  	vm0 =	vmmov $0xffff;
	s6 =	simm.s32 $0x80;
	s7 =	sadd.s32 $0x100, s2;
	s15 =	sshrl.u32 s14, $0x1  }
0x19: {  	[tilespmem:s6], [sflag:$0x1] =	stream.indirect_vreg.gather [hbm4b:s2+s3], $0x80, v2, vm0, $0xb8;
	[tilespmem:$0x1880] =	vst v63  }
0x1a: {  	s8 =	sadd.s32 $0x200, s2;
	s9 =	simm.s32 $0x880;
	s14 =	ssub.s32 s14, s15  }
0x1b: {  	[tilespmem:s9], [sflag:$0x1] =	stream.indirect_vreg.gather [hbm4b:s7+s3], $0x80, v2, vm0, $0xb8;
	[tilespmem:$0x1880] =	vst v63  }
0x1c: {  	s11 =	simm.s32 $0x1;
	s10 =	simm.s32 $0x1080;
	s31 =	smax.u32 s14, $0x1  }
0x1d: {  	[tilespmem:s10], [sflag:$0x1] =	stream.indirect_vreg.gather [hbm4b:s8+s3], $0x80, v2, vm0, $0xb8;
	[tilespmem:$0x1880] =	vst v63  }
0x1e: {  	s13 =	smul.u32 $0x300, s13;
	p0 =	sne.s32 s31, $0x1;
	_ =	swait.ge [sflag:s11], $0x1800  }
.Ltmp1:
0x1f: {  	[sflag:s11] =	ssyncset.done $0x0;
	(pc) =	sbr.rel @!p0 .LBB2_3-.Ltmp1, $4  }
0x20: {  	s12 =	sadd.s32 s12, s13;
	[sflag:s11] =	ssyncadd.s32 $0xFFFFE800  }
0x21: {  	[hbm4b:s12+s3] =	stream.linear.scatter [tilespmem:s6], [sflag:$0x2], $0x1800, $0x38;
	[tilespmem:$0x1880] =	vst v63  }
0x22: {  	_ =	swait.ge [sflag:s4], $0x1800  }
0x23: {  	s13 =	sadd.s32 $0xFFFFFFFF, s31;
	[sflag:s4] =	ssyncset.done $0x0  }
.LBB2_2:
0x24: {  	p0 =	sne.s32 s13, $0x1;
	s13 =	sadd.s32 $0xFFFFFFFF, s13;
	[sflag:s4] =	ssyncadd.s32 $0xFFFFE800  }
0x25: {  	[tilespmem:s3], [sflag:$0x2] =	stream.linear.gather [hbm4b:s5+s3], $0x8, $0x38;
	[tilespmem:$0x1880] =	vst v63  }
0x26: {  	_ =	swait.ge [sflag:s4], $0x8  }
0x27: {  	[sflag:s4] =	ssyncset.done $0x0  }
0x28: {  	[sflag:s4] =	ssyncadd.s32 $0xFFFFFFF8  }
0x29: {  	v2 =	vld.msk [tilespmem:$0x0], $0xff;
	_ =	sdelay $0x4  }
0x2a: {  	v3 =	vshrl.u32 v2, $0x3  }
0x2b: {  	v3 =	vmul.u32 $0x30, v3  }
0x2c: {  	v2 =	vand.u32 $0x7, v2  }
0x2d: {  	v2 =	vor.u32 v2, v3  }
0x2e: {  	v2 =	vperm.xlane v2, v0;
	_ =	sdelay $0x1  }
0x2f: {  	v2 =	vadd.s32 v1, v2;
	_ =	sdelay $0x4  }
0x30: {  	[tilespmem:s6], [sflag:$0x1] =	stream.indirect_vreg.gather [hbm4b:s2+s3], $0x80, v2, vm0, $0xb8;
	[tilespmem:$0x1880] =	vst v63  }
0x31: {  	_ = 	snop  }
0x32: {  	[tilespmem:s9], [sflag:$0x1] =	stream.indirect_vreg.gather [hbm4b:s7+s3], $0x80, v2, vm0, $0xb8;
	[tilespmem:$0x1880] =	vst v63  }
0x33: {  	_ = 	snop  }
0x34: {  	[tilespmem:s10], [sflag:$0x1] =	stream.indirect_vreg.gather [hbm4b:s8+s3], $0x80, v2, vm0, $0xb8;
	[tilespmem:$0x1880] =	vst v63  }
0x35: {  	_ =	swait.ge [sflag:s11], $0x1800  }
.Ltmp2:
0x36: {  	[sflag:s11] =	ssyncset.done $0x0;
	(pc) =	sbr.rel @p0 .LBB2_2-.Ltmp2, $4  }
0x37: {  	[sflag:s11] =	ssyncadd.s32 $0xFFFFE800  }
0x38: {  	[hbm4b:s12+s3] =	stream.linear.scatter [tilespmem:s6], [sflag:$0x2], $0x1800, $0x38;
	[tilespmem:$0x1880] =	vst v63  }
0x39: {  	_ =	swait.ge [sflag:s4], $0x1800  }
0x3a: {  	[sflag:s4] =	ssyncset.done $0x0  }
.LBB2_3:
0x3b: {  	[sflag:s4] =	ssyncadd.s32 $0xFFFFE800  }
.LBB2_4:
0x3c: {  	_ =	sfence.sel $0x180000  }
0x3d: {  	[bflag:$0x0] =	sbarrier.arrive $0xFFFF  }
0x3e: {  	p0 =	sne.s32 s1, $0x0;
	_ =	strace $0x90000047  }
0x3f: {  	s0 =	sadd.s32 @!p0 $0x100000, s0;
	[bflag:$0x2] =	sbarrier.arrive $0xFFFF  }
0x40: {  	[sflag:s0] =	ssyncadd.tile.s32 @!p0 $0x1;
	_ =	shalt  }
.Lfunc_end2:
_tile_overlayer_lowered:
.L_overlay_start_2:
0x41: {  	(tag) =	ssettag $0x2  }
0x42: {  	s0 =	rddreg [dreg:$0x0];
	s2 =	stileid.u32  }
0x43: {  	s1 =	rddreg [dreg:$0x1];
	p0 =	sne.s32 s2, $0x0  }
0x44: {  	s3 =	rddreg [dreg:$0x2];
	[bflag:$0x3] =	sbarrier.arrive $0xFFFF;
	s2 =	simm.s32 @!p0 $0x1C02  }
0x45: {  	[timem:s3], [sflag:s2] =	dma.local @!p0 [hbm:s0], s1  }
0x46: {  	s0 =	simm.s32 @!p0 $0x2  }
0x47: {  	_ =	swait.ge @!p0 [sflag:s0], s1  }
0x48: {  	s1 =	ssub.s32 @!p0 $0x0, s1;
	[sflag:s0] =	ssyncset.done @!p0 $0x0  }
0x49: {  	[sflag:s0] =	ssyncadd.s32 @!p0 s1  }
0x4a: {  	[bflag:$0x3] =	sbarrier.arrive $0xFFFF  }
0x4b: {  	_ =	shalt  }

</sc_bundles>
